<compile_context>
chip_gen: v7x
topology: tpu7x:2x2x1
jax: 0.10.2.dev20260603
libtpu: 0.0.44.dev20260713+nightly
codegen_flags: <defaults>
</compile_context>

<pallas_src>
import functools

import jax
import jax.numpy as jnp
from jax import lax
from jax.experimental import pallas as pl
from jax.experimental.pallas import tpu as pltpu
from jax.experimental.pallas import tpu_sc as plsc

N_NODES = 10000
N_PAD = 10240
N_EDGES = 320000
D = 128
NC = 2
NS = 16
NW = NC * NS
K = 80
EPT = N_EDGES // NW
CPT = EPT // K
SB = 32
ROWS_PT = N_PAD // NS
CW = 16
NBUF = 3

_BLOCKS = ((0, 32, 0), (32, 32, 32), (64, 32, 64), (96, 29, 93))

_sc_mesh = plsc.VectorSubcoreMesh(core_axis_name="c", subcore_axis_name="s")


@functools.partial(
    pl.kernel,
    out_type=(
        jax.ShapeDtypeStruct((NC, N_PAD, D), jnp.float32),
        jax.ShapeDtypeStruct((NC, N_PAD, CW), jnp.float32),
    ),
    mesh=_sc_mesh,
    scratch_types=[
        pltpu.VMEM((SB, K), jnp.int32),
        pltpu.VMEM((SB, K), jnp.int32),
        pltpu.VMEM((K, D), jnp.float32),
        pltpu.VMEM((K, D), jnp.float32),
        pltpu.VMEM((K, D), jnp.float32),
        pltpu.VMEM((K, CW), jnp.float32),
        pltpu.VMEM_SHARED((N_PAD, D), jnp.float32),
        pltpu.VMEM_SHARED((N_PAD, CW), jnp.float32),
        pltpu.SemaphoreType.DMA,
        pltpu.SemaphoreType.DMA,
        pltpu.SemaphoreType.DMA,
        pltpu.SemaphoreType.DMA,
        pltpu.SemaphoreType.DMA,
        pltpu.SemaphoreType.DMA,
        pltpu.SemaphoreType.DMA,
        pltpu.SemaphoreType.DMA,
        pltpu.SemaphoreType.DMA,
    ],
    compiler_params=pltpu.CompilerParams(use_tc_tiling_on_sc=False),
)
def _sc_aggregate(x_hbm, ei_hbm, feat_out, cnt_out,
                  src_v, dst_v, rowsA, rowsB, rowsC, ones_v,
                  feat_acc, cnt_acc, sgA, sgB, sgC, sfA, sfB, sfC,
                  scA, scB, scC):
    cid = lax.axis_index("c")
    sid = lax.axis_index("s")
    tid = cid * NS + sid

    ROWS = (rowsA, rowsB, rowsC)
    SG = (sgA, sgB, sgC)
    SF = (sfA, sfB, sfC)
    SC = (scA, scB, scC)

    zero16 = jnp.zeros((16,), jnp.float32)
    onehot = jnp.where(lax.iota(jnp.int32, 16) == 0, 1.0, 0.0)

    def rows_zero(i, _):
        rowsA[i // (D // 16), pl.ds((i % (D // 16)) * 16, 16)] = zero16
        return 0
    lax.fori_loop(0, K * (D // 16), rows_zero, 0)

    def ones_zero(i, _):
        ones_v[i, pl.ds(0, CW)] = zero16
        return 0
    lax.fori_loop(0, K, ones_zero, 0)

    for b in range(ROWS_PT // K):
        pltpu.sync_copy(rowsA, feat_acc.at[pl.ds(sid * ROWS_PT + b * K, K)])
        pltpu.sync_copy(ones_v, cnt_acc.at[pl.ds(sid * ROWS_PT + b * K, K)])

    def ones_fill(i, _):
        ones_v[i, pl.ds(0, CW)] = onehot
        return 0
    lax.fori_loop(0, K, ones_fill, 0)

    def stage(soff):
        pltpu.sync_copy(ei_hbm.at[0].at[tid].at[pl.ds(soff, SB)], src_v)
        pltpu.sync_copy(ei_hbm.at[1].at[tid].at[pl.ds(soff, SB)], dst_v)

    def gather(j, soff, b):
        pltpu.async_copy(x_hbm.at[src_v.at[j - soff]], ROWS[b], SG[b])

    def wait_gather(j, soff, b):
        pltpu.make_async_copy(x_hbm.at[src_v.at[j - soff]], ROWS[b], SG[b]).wait()

    def scatters(j, soff, b):
        pltpu.async_copy(ROWS[b], feat_acc.at[dst_v.at[j - soff]], SF[b],
                         add=True)
        pltpu.async_copy(ones_v, cnt_acc.at[dst_v.at[j - soff]], SC[b],
                         add=True)

    def wait_scatters(j, soff, b):
        pltpu.make_async_copy(ROWS[b], feat_acc.at[dst_v.at[j - soff]],
                              SF[b]).wait()
        pltpu.make_async_copy(ones_v, cnt_acc.at[dst_v.at[j - soff]],
                              SC[b]).wait()

    def run_block(start, count, soff, first):
        end = start + count
        b0 = start % NBUF
        for u in range(NBUF):
            gather(start + u, soff, (b0 + u) % NBUF)
        if first:
            plsc.subcore_barrier()
        wait_gather(start, soff, b0)
        scatters(start, soff, b0)
        n3 = (count - 1) // NBUF
        tail = (count - 1) % NBUF

        def body(m, _):
            for u in range(NBUF):
                j = start + 1 + NBUF * m + u
                b = (b0 + 1 + u) % NBUF
                wait_scatters(j - 1, soff, (b + 2) % NBUF)

                @pl.when(j + 2 < end)
                def _():
                    gather(j + 2, soff, (b + 2) % NBUF)

                wait_gather(j, soff, b)
                scatters(j, soff, b)
            return 0
        lax.fori_loop(0, n3, body, 0)
        for u in range(tail):
            j = start + 1 + NBUF * n3 + u
            b = (b0 + (j - start)) % NBUF
            wait_scatters(j - 1, soff, (b + 2) % NBUF)
            if j + 2 < end:
                gather(j + 2, soff, (b + 2) % NBUF)
            wait_gather(j, soff, b)
            scatters(j, soff, b)
        wait_scatters(end - 1, soff, (b0 + count - 1) % NBUF)

    for bi, (start, count, soff) in enumerate(_BLOCKS):
        stage(soff)
        run_block(start, count, soff, first=(bi == 0))

    plsc.subcore_barrier()

    pltpu.sync_copy(feat_acc.at[pl.ds(sid * ROWS_PT, ROWS_PT)],
                    feat_out.at[cid].at[pl.ds(sid * ROWS_PT, ROWS_PT)])
    pltpu.sync_copy(cnt_acc.at[pl.ds(sid * ROWS_PT, ROWS_PT)],
                    cnt_out.at[cid].at[pl.ds(sid * ROWS_PT, ROWS_PT)])


_R = 2000


def _tc_body(x_ref, f_ref, c_ref, wst_ref, bs_ref, wnt_ref, bn_ref, o_ref):
    xb = x_ref[...]
    f = f_ref[0] + f_ref[1]
    c = c_ref[0] + c_ref[1]
    cnt = c[:, 0:1]
    self_t = jnp.dot(xb, wst_ref[...], preferred_element_type=jnp.float32)
    self_t = self_t + bs_ref[...]
    agg = jnp.dot(f, wnt_ref[...], preferred_element_type=jnp.float32)
    neigh = (agg + cnt * bn_ref[...]) / jnp.maximum(cnt, 1.0)
    o_ref[...] = jnp.maximum(self_t + neigh, 0.0)


_tc_combine = pl.pallas_call(
    _tc_body,
    out_shape=jax.ShapeDtypeStruct((N_NODES, D), jnp.float32),
    grid=(N_NODES // _R,),
    in_specs=[
        pl.BlockSpec((_R, D), lambda i: (i, 0)),
        pl.BlockSpec((NC, _R, D), lambda i: (0, i, 0)),
        pl.BlockSpec((NC, _R, CW), lambda i: (0, i, 0)),
        pl.BlockSpec((D, D), lambda i: (0, 0)),
        pl.BlockSpec((1, D), lambda i: (0, 0)),
        pl.BlockSpec((D, D), lambda i: (0, 0)),
        pl.BlockSpec((1, D), lambda i: (0, 0)),
    ],
    out_specs=pl.BlockSpec((_R, D), lambda i: (i, 0)),
)


def kernel(x, edge_index, W_self, b_self, W_neighbor, b_neighbor):
    ei4d = edge_index.astype(jnp.int32).reshape(2, NW, CPT, K)
    feat_par, cnt_par = _sc_aggregate(x, ei4d)
    return _tc_combine(x, feat_par, cnt_par,
                       W_self.T, b_self.reshape(1, D),
                       W_neighbor.T, b_neighbor.reshape(1, D))

# --- scband reference (transcript-rebuilt; emitter-appended) ---
"""Pipeline reference for scband-gnnlayer-65687229825552 (READ-ONLY COPY).

The authoritative reference and input builder live on the scoring server;
editing this copy changes nothing except your own understanding.
"""

import jax, jax.numpy as jnp
import numpy as np

N_NODES = 10000
N_EDGES = 320000
D_IN = 128
D_OUT = 128


def setup_inputs(seed: int = 0) -> dict:
    key = jax.random.key(seed)
    k_x, k_ei, k_ws, k_bs, k_wn, k_bn = jax.random.split(key, 6)
    x = jax.random.normal(k_x, (N_NODES, D_IN), dtype=jnp.float32)
    edge_index = jax.random.randint(k_ei, (2, N_EDGES), 0, N_NODES, dtype=jnp.int64)
    bound = 1.0 / np.sqrt(D_IN)
    W_self = jax.random.uniform(k_ws, (D_OUT, D_IN), minval=-bound, maxval=bound, dtype=jnp.float32)
    b_self = jax.random.uniform(k_bs, (D_OUT,), minval=-bound, maxval=bound, dtype=jnp.float32)
    W_neighbor = jax.random.uniform(k_wn, (D_OUT, D_IN), minval=-bound, maxval=bound, dtype=jnp.float32)
    b_neighbor = jax.random.uniform(k_bn, (D_OUT,), minval=-bound, maxval=bound, dtype=jnp.float32)
    return {
        "x": x,
        "edge_index": edge_index,
        "W_self": W_self,
        "b_self": b_self,
        "W_neighbor": W_neighbor,
        "b_neighbor": b_neighbor,
    }


def reference(x, edge_index, W_self, b_self, W_neighbor, b_neighbor):
    N = x.shape[0]
    self_term = x @ W_self.T + b_self
    src = edge_index[0]
    dst = edge_index[1]
    x_src = jnp.take(x, src, axis=0)
    msg = x_src @ W_neighbor.T + b_neighbor
    agg = jax.ops.segment_sum(msg, dst, num_segments=N)
    ones = jnp.ones((dst.shape[0], 1), dtype=x.dtype)
    count = jax.ops.segment_sum(ones, dst, num_segments=N)
    count = jnp.clip(count, 1.0, None)
    neighbor_term = agg / count
    return jax.nn.relu(self_term + neighbor_term)

if __name__ == "__main__":
    import jax
    _d = setup_inputs()
    print(jax.jit(kernel)(*tuple(_d.values())))

</pallas_src>

<mosaic_0001>
#map = affine_map<(d0, d1) -> (0, 0)>
#map1 = affine_map<(d0, d1) -> (0, 0, 0, 0)>
#map2 = affine_map<(d0, d1) -> (0, 0, 0)>
module attributes {stable_mosaic.version = 14 : i64} {
  func.func @_sc_aggregate(%arg0: i32, %arg1: i32, %arg2: memref<10000x128xf32, #tpu.memory_space<hbm>>, %arg3: memref<2x32x125x80xi32, #tpu.memory_space<hbm>>, %arg4: memref<2x10240x128xf32, #tpu.memory_space<hbm>>, %arg5: memref<2x10240x16xf32, #tpu.memory_space<hbm>>, %arg6: memref<32x80xi32, #tpu.memory_space<vmem>>, %arg7: memref<32x80xi32, #tpu.memory_space<vmem>>, %arg8: memref<80x128xf32, #tpu.memory_space<vmem>>, %arg9: memref<80x128xf32, #tpu.memory_space<vmem>>, %arg10: memref<80x128xf32, #tpu.memory_space<vmem>>, %arg11: memref<80x16xf32, #tpu.memory_space<vmem>>, %arg12: memref<10240x128xf32, #tpu.memory_space<vmem_shared>>, %arg13: memref<10240x16xf32, #tpu.memory_space<vmem_shared>>, %arg14: memref<!tpu.dma_semaphore, #tpu.memory_space<semaphore_mem>>, %arg15: memref<!tpu.dma_semaphore, #tpu.memory_space<semaphore_mem>>, %arg16: memref<!tpu.dma_semaphore, #tpu.memory_space<semaphore_mem>>, %arg17: memref<!tpu.dma_semaphore, #tpu.memory_space<semaphore_mem>>, %arg18: memref<!tpu.dma_semaphore, #tpu.memory_space<semaphore_mem>>, %arg19: memref<!tpu.dma_semaphore, #tpu.memory_space<semaphore_mem>>, %arg20: memref<!tpu.dma_semaphore, #tpu.memory_space<semaphore_mem>>, %arg21: memref<!tpu.dma_semaphore, #tpu.memory_space<semaphore_mem>>, %arg22: memref<!tpu.dma_semaphore, #tpu.memory_space<semaphore_mem>>) attributes {dimension_semantics = [#tpu.dimension_semantics<core_parallel>, #tpu.dimension_semantics<subcore_parallel>], iteration_bounds = array<i64: 2, 16>, scalar_prefetch = 0 : i64, scratch_operands = 17 : i64, tpu.core_type = #tpu.core_type<sc_vector_subcore>, window_params = [{transform_indices = #map}, {transform_indices = #map1}, {transform_indices = #map2}, {transform_indices = #map2}]} {
    %mul3A = arith.constant 16 : i32
    %mul3A_0 = arith.muli %arg0, %mul3A : i32
    %add3A = arith.addi %mul3A_0, %arg1 : i32
    %broadcast_in_dim3A = arith.constant 0.000000e+00 : f32
    %broadcast_in_dim3A_1 = vector.broadcast %broadcast_in_dim3A : f32 to vector<16xf32>
    %iota3A = tpu.iota {dimensions = array<i32: 0>} : vector<16xi32>
    %eq3A = arith.constant 0 : i32
    %eq3A_2 = vector.broadcast %eq3A : i32 to vector<16xi32>
    %eq3A_3 = arith.cmpi eq, %iota3A, %eq3A_2 : vector<16xi32>
    %jit3A = arith.constant 1.000000e+00 : f32
    %jit3A_4 = arith.constant 0.000000e+00 : f32
    %broadcast_in_dim3A_5 = vector.broadcast %jit3A : f32 to vector<16xf32>
    %broadcast_in_dim3A_6 = vector.broadcast %jit3A_4 : f32 to vector<16xf32>
    %select_n3A = arith.select %eq3A_3, %broadcast_in_dim3A_5, %broadcast_in_dim3A_6 : vector<16xi1>, vector<16xf32>
    %scan3A = arith.constant 0 : i32
    %scan3A_7 = arith.constant 0 : i32
    %scan3A_8 = arith.constant 640 : i32
    %scan3A_9 = arith.addi %scan3A_7, %scan3A_8 : i32
    %scan3A_10 = arith.constant 1 : i32
    %scan3A_11 = scf.for %scan3A_497 = %scan3A_7 to %scan3A_9 step %scan3A_10 iter_args(%scan3A_498 = %scan3A) -> (i32)  : i32 {
      %jit3A_499 = arith.constant 8 : i32
      %div3A = arith.divsi %scan3A_497, %jit3A_499 : i32
      %sign3A = arith.constant 0 : i32
      %sign3A_500 = arith.cmpi sgt, %scan3A_497, %sign3A : i32
      %sign3A_501 = arith.extui %sign3A_500 : i1 to i32
      %sign3A_502 = arith.constant 0 : i32
      %sign3A_503 = arith.cmpi slt, %scan3A_497, %sign3A_502 : i32
      %sign3A_504 = arith.extui %sign3A_503 : i1 to i32
      %sign3A_505 = arith.subi %sign3A_501, %sign3A_504 : i32
      %sign3A_506 = arith.constant 0 : i32
      %sign3A_507 = arith.cmpi sgt, %jit3A_499, %sign3A_506 : i32
      %sign3A_508 = arith.extui %sign3A_507 : i1 to i32
      %sign3A_509 = arith.constant 0 : i32
      %sign3A_510 = arith.cmpi slt, %jit3A_499, %sign3A_509 : i32
      %sign3A_511 = arith.extui %sign3A_510 : i1 to i32
      %sign3A_512 = arith.subi %sign3A_508, %sign3A_511 : i32
      %ne3A = arith.cmpi ne, %sign3A_505, %sign3A_512 : i32
      %rem3A = arith.remsi %scan3A_497, %jit3A_499 : i32
      %ne3A_513 = arith.constant 0 : i32
      %ne3A_514 = arith.cmpi ne, %rem3A, %ne3A_513 : i32
      %and3A = arith.andi %ne3A, %ne3A_514 : i1
      %sub3A = arith.constant 1 : i32
      %sub3A_515 = arith.subi %div3A, %sub3A : i32
      %select_n3A_516 = arith.select %and3A, %sub3A_515, %div3A : i32
      %jit3A_517 = arith.constant 8 : i32
      %eq3A_518 = arith.constant 0 : i32
      %eq3A_519 = arith.cmpi eq, %jit3A_517, %eq3A_518 : i32
      %jit3A_520 = arith.constant 1 : i32
      %select_n3A_521 = arith.select %eq3A_519, %jit3A_520, %jit3A_517 : i32
      %rem3A_522 = arith.remsi %scan3A_497, %select_n3A_521 : i32
      %ne3A_523 = arith.constant 0 : i32
      %ne3A_524 = arith.cmpi ne, %rem3A_522, %ne3A_523 : i32
      %lt3A = arith.constant 0 : i32
      %lt3A_525 = arith.cmpi slt, %rem3A_522, %lt3A : i32
      %lt3A_526 = arith.constant 0 : i32
      %lt3A_527 = arith.cmpi slt, %select_n3A_521, %lt3A_526 : i32
      %ne3A_528 = arith.xori %lt3A_525, %lt3A_527 : i1
      %and3A_529 = arith.andi %ne3A_528, %ne3A_524 : i1
      %add3A_530 = arith.addi %rem3A_522, %select_n3A_521 : i32
      %select_n3A_531 = arith.select %and3A_529, %add3A_530, %rem3A_522 : i32
      %mul3A_532 = arith.constant 16 : i32
      %mul3A_533 = arith.muli %select_n3A_531, %mul3A_532 : i32
      %swap3A = arith.index_cast %select_n3A_516 : i32 to index
      %swap3A_534 = arith.index_cast %mul3A_533 : i32 to index
      %swap3A_535 = tpu.vector_load %arg8[%swap3A, %swap3A_534] {strides = array<i32>} : memref<80x128xf32, #tpu.memory_space<vmem>>, vector<1x16xf32>,
      %swap3A_536 = vector.shape_cast %swap3A_535 : vector<1x16xf32> to vector<16xf32>
      %swap3A_537 = vector.shape_cast %broadcast_in_dim3A_1 : vector<16xf32> to vector<1x16xf32>
      tpu.vector_store %arg8[%swap3A, %swap3A_534], %swap3A_537 {strides = array<i32>} : memref<80x128xf32, #tpu.memory_space<vmem>>, vector<1x16xf32>,
      %scan3A_538 = arith.constant 0 : i32
      scf.yield %scan3A_538 : i32
    }
    %scan3A_12 = arith.constant 640 : i32
    %scan3A_13 = arith.constant 0 : i32
    %scan3A_14 = arith.constant 0 : i32
    %scan3A_15 = arith.constant 80 : i32
    %scan3A_16 = arith.addi %scan3A_14, %scan3A_15 : i32
    %scan3A_17 = arith.constant 1 : i32
    %scan3A_18 = scf.for %scan3A_497 = %scan3A_14 to %scan3A_16 step %scan3A_17 iter_args(%scan3A_498 = %scan3A_13) -> (i32)  : i32 {
      %swap3A = arith.index_cast %scan3A_497 : i32 to index
      %swap3A_499 = arith.constant 0 : index
      %swap3A_500 = tpu.vector_load %arg11[%swap3A, %swap3A_499] {strides = array<i32>} : memref<80x16xf32, #tpu.memory_space<vmem>>, vector<1x16xf32>,
      %swap3A_501 = vector.shape_cast %swap3A_500 : vector<1x16xf32> to vector<16xf32>
      %swap3A_502 = vector.shape_cast %broadcast_in_dim3A_1 : vector<16xf32> to vector<1x16xf32>
      tpu.vector_store %arg11[%swap3A, %swap3A_499], %swap3A_502 {strides = array<i32>} : memref<80x16xf32, #tpu.memory_space<vmem>>, vector<1x16xf32>,
      %scan3A_503 = arith.constant 0 : i32
      scf.yield %scan3A_503 : i32
    }
    %scan3A_19 = arith.constant 80 : i32
    %mul3A_20 = arith.constant 640 : i32
    %mul3A_21 = arith.muli %arg1, %mul3A_20 : i32
    %add3A_22 = arith.constant 0 : i32
    %add3A_23 = arith.addi %mul3A_21, %add3A_22 : i32
    "tpu.region"() ({
      %run_scoped3A_497 = tpu.sem_alloc : memref<!tpu.dma_semaphore, #tpu.memory_space<semaphore_mem>>
      %dma_start3A_498 = arith.constant 0 : i32
      %dma_start3A_499 = tpu.memref_slice %arg12[%add3A_23, %dma_start3A_498] : memref<10240x128xf32, #tpu.memory_space<vmem_shared>> -> memref<80x128xf32, #tpu.memory_space<vmem_shared>>
      %dma_start3A_500 = arith.constant 0 : i32
      %dma_start3A_501 = tpu.memref_slice %arg12[%add3A_23, %dma_start3A_500] : memref<10240x128xf32, #tpu.memory_space<vmem_shared>> -> memref<80x128xf32, #tpu.memory_space<vmem_shared>>
      tpu.enqueue_dma source(%arg8 : memref<80x128xf32, #tpu.memory_space<vmem>>) target(%dma_start3A_501 : memref<80x128xf32, #tpu.memory_space<vmem_shared>>) target_semaphore(%run_scoped3A_497 : memref<!tpu.dma_semaphore, #tpu.memory_space<semaphore_mem>>)
      %dma_wait3A_502 = arith.constant 0 : i32
      %dma_wait3A_503 = tpu.memref_slice %arg12[%add3A_23, %dma_wait3A_502] : memref<10240x128xf32, #tpu.memory_space<vmem_shared>> -> memref<80x128xf32, #tpu.memory_space<vmem_shared>>
      %dma_wait3A_504 = arith.constant 0 : i32
      %dma_wait3A_505 = tpu.memref_slice %arg12[%add3A_23, %dma_wait3A_504] : memref<10240x128xf32, #tpu.memory_space<vmem_shared>> -> memref<80x128xf32, #tpu.memory_space<vmem_shared>>
      tpu.wait_dma2 semaphore(%run_scoped3A_497 : memref<!tpu.dma_semaphore, #tpu.memory_space<semaphore_mem>>) src(%arg8 : memref<80x128xf32, #tpu.memory_space<vmem>>) dst(%dma_wait3A_505 : memref<80x128xf32, #tpu.memory_space<vmem_shared>>)
      tpu.yield
    }) : () -> ()
    %mul3A_24 = arith.constant 640 : i32
    %mul3A_25 = arith.muli %arg1, %mul3A_24 : i32
    %add3A_26 = arith.constant 0 : i32
    %add3A_27 = arith.addi %mul3A_25, %add3A_26 : i32
    "tpu.region"() ({
      %run_scoped3A_497 = tpu.sem_alloc : memref<!tpu.dma_semaphore, #tpu.memory_space<semaphore_mem>>
      %dma_start3A_498 = arith.constant 0 : i32
      %dma_start3A_499 = tpu.memref_slice %arg13[%add3A_27, %dma_start3A_498] : memref<10240x16xf32, #tpu.memory_space<vmem_shared>> -> memref<80x16xf32, #tpu.memory_space<vmem_shared>>
      %dma_start3A_500 = arith.constant 0 : i32
      %dma_start3A_501 = tpu.memref_slice %arg13[%add3A_27, %dma_start3A_500] : memref<10240x16xf32, #tpu.memory_space<vmem_shared>> -> memref<80x16xf32, #tpu.memory_space<vmem_shared>>
      tpu.enqueue_dma source(%arg11 : memref<80x16xf32, #tpu.memory_space<vmem>>) target(%dma_start3A_501 : memref<80x16xf32, #tpu.memory_space<vmem_shared>>) target_semaphore(%run_scoped3A_497 : memref<!tpu.dma_semaphore, #tpu.memory_space<semaphore_mem>>)
      %dma_wait3A_502 = arith.constant 0 : i32
      %dma_wait3A_503 = tpu.memref_slice %arg13[%add3A_27, %dma_wait3A_502] : memref<10240x16xf32, #tpu.memory_space<vmem_shared>> -> memref<80x16xf32, #tpu.memory_space<vmem_shared>>
      %dma_wait3A_504 = arith.constant 0 : i32
      %dma_wait3A_505 = tpu.memref_slice %arg13[%add3A_27, %dma_wait3A_504] : memref<10240x16xf32, #tpu.memory_space<vmem_shared>> -> memref<80x16xf32, #tpu.memory_space<vmem_shared>>
      tpu.wait_dma2 semaphore(%run_scoped3A_497 : memref<!tpu.dma_semaphore, #tpu.memory_space<semaphore_mem>>) src(%arg11 : memref<80x16xf32, #tpu.memory_space<vmem>>) dst(%dma_wait3A_505 : memref<80x16xf32, #tpu.memory_space<vmem_shared>>)
      tpu.yield
    }) : () -> ()
    %mul3A_28 = arith.constant 640 : i32
    %mul3A_29 = arith.muli %arg1, %mul3A_28 : i32
    %add3A_30 = arith.constant 80 : i32
    %add3A_31 = arith.addi %mul3A_29, %add3A_30 : i32
    "tpu.region"() ({
      %run_scoped3A_497 = tpu.sem_alloc : memref<!tpu.dma_semaphore, #tpu.memory_space<semaphore_mem>>
      %dma_start3A_498 = arith.constant 0 : i32
      %dma_start3A_499 = tpu.memref_slice %arg12[%add3A_31, %dma_start3A_498] : memref<10240x128xf32, #tpu.memory_space<vmem_shared>> -> memref<80x128xf32, #tpu.memory_space<vmem_shared>>
      %dma_start3A_500 = arith.constant 0 : i32
      %dma_start3A_501 = tpu.memref_slice %arg12[%add3A_31, %dma_start3A_500] : memref<10240x128xf32, #tpu.memory_space<vmem_shared>> -> memref<80x128xf32, #tpu.memory_space<vmem_shared>>
      tpu.enqueue_dma source(%arg8 : memref<80x128xf32, #tpu.memory_space<vmem>>) target(%dma_start3A_501 : memref<80x128xf32, #tpu.memory_space<vmem_shared>>) target_semaphore(%run_scoped3A_497 : memref<!tpu.dma_semaphore, #tpu.memory_space<semaphore_mem>>)
      %dma_wait3A_502 = arith.constant 0 : i32
      %dma_wait3A_503 = tpu.memref_slice %arg12[%add3A_31, %dma_wait3A_502] : memref<10240x128xf32, #tpu.memory_space<vmem_shared>> -> memref<80x128xf32, #tpu.memory_space<vmem_shared>>
      %dma_wait3A_504 = arith.constant 0 : i32
      %dma_wait3A_505 = tpu.memref_slice %arg12[%add3A_31, %dma_wait3A_504] : memref<10240x128xf32, #tpu.memory_space<vmem_shared>> -> memref<80x128xf32, #tpu.memory_space<vmem_shared>>
      tpu.wait_dma2 semaphore(%run_scoped3A_497 : memref<!tpu.dma_semaphore, #tpu.memory_space<semaphore_mem>>) src(%arg8 : memref<80x128xf32, #tpu.memory_space<vmem>>) dst(%dma_wait3A_505 : memref<80x128xf32, #tpu.memory_space<vmem_shared>>)
      tpu.yield
    }) : () -> ()
    %mul3A_32 = arith.constant 640 : i32
    %mul3A_33 = arith.muli %arg1, %mul3A_32 : i32
    %add3A_34 = arith.constant 80 : i32
    %add3A_35 = arith.addi %mul3A_33, %add3A_34 : i32
    "tpu.region"() ({
      %run_scoped3A_497 = tpu.sem_alloc : memref<!tpu.dma_semaphore, #tpu.memory_space<semaphore_mem>>
      %dma_start3A_498 = arith.constant 0 : i32
      %dma_start3A_499 = tpu.memref_slice %arg13[%add3A_35, %dma_start3A_498] : memref<10240x16xf32, #tpu.memory_space<vmem_shared>> -> memref<80x16xf32, #tpu.memory_space<vmem_shared>>
      %dma_start3A_500 = arith.constant 0 : i32
      %dma_start3A_501 = tpu.memref_slice %arg13[%add3A_35, %dma_start3A_500] : memref<10240x16xf32, #tpu.memory_space<vmem_shared>> -> memref<80x16xf32, #tpu.memory_space<vmem_shared>>
      tpu.enqueue_dma source(%arg11 : memref<80x16xf32, #tpu.memory_space<vmem>>) target(%dma_start3A_501 : memref<80x16xf32, #tpu.memory_space<vmem_shared>>) target_semaphore(%run_scoped3A_497 : memref<!tpu.dma_semaphore, #tpu.memory_space<semaphore_mem>>)
      %dma_wait3A_502 = arith.constant 0 : i32
      %dma_wait3A_503 = tpu.memref_slice %arg13[%add3A_35, %dma_wait3A_502] : memref<10240x16xf32, #tpu.memory_space<vmem_shared>> -> memref<80x16xf32, #tpu.memory_space<vmem_shared>>
      %dma_wait3A_504 = arith.constant 0 : i32
      %dma_wait3A_505 = tpu.memref_slice %arg13[%add3A_35, %dma_wait3A_504] : memref<10240x16xf32, #tpu.memory_space<vmem_shared>> -> memref<80x16xf32, #tpu.memory_space<vmem_shared>>
      tpu.wait_dma2 semaphore(%run_scoped3A_497 : memref<!tpu.dma_semaphore, #tpu.memory_space<semaphore_mem>>) src(%arg11 : memref<80x16xf32, #tpu.memory_space<vmem>>) dst(%dma_wait3A_505 : memref<80x16xf32, #tpu.memory_space<vmem_shared>>)
      tpu.yield
    }) : () -> ()
    %mul3A_36 = arith.constant 640 : i32
    %mul3A_37 = arith.muli %arg1, %mul3A_36 : i32
    %add3A_38 = arith.constant 160 : i32
    %add3A_39 = arith.addi %mul3A_37, %add3A_38 : i32
    "tpu.region"() ({
      %run_scoped3A_497 = tpu.sem_alloc : memref<!tpu.dma_semaphore, #tpu.memory_space<semaphore_mem>>
      %dma_start3A_498 = arith.constant 0 : i32
      %dma_start3A_499 = tpu.memref_slice %arg12[%add3A_39, %dma_start3A_498] : memref<10240x128xf32, #tpu.memory_space<vmem_shared>> -> memref<80x128xf32, #tpu.memory_space<vmem_shared>>
      %dma_start3A_500 = arith.constant 0 : i32
      %dma_start3A_501 = tpu.memref_slice %arg12[%add3A_39, %dma_start3A_500] : memref<10240x128xf32, #tpu.memory_space<vmem_shared>> -> memref<80x128xf32, #tpu.memory_space<vmem_shared>>
      tpu.enqueue_dma source(%arg8 : memref<80x128xf32, #tpu.memory_space<vmem>>) target(%dma_start3A_501 : memref<80x128xf32, #tpu.memory_space<vmem_shared>>) target_semaphore(%run_scoped3A_497 : memref<!tpu.dma_semaphore, #tpu.memory_space<semaphore_mem>>)
      %dma_wait3A_502 = arith.constant 0 : i32
      %dma_wait3A_503 = tpu.memref_slice %arg12[%add3A_39, %dma_wait3A_502] : memref<10240x128xf32, #tpu.memory_space<vmem_shared>> -> memref<80x128xf32, #tpu.memory_space<vmem_shared>>
      %dma_wait3A_504 = arith.constant 0 : i32
      %dma_wait3A_505 = tpu.memref_slice %arg12[%add3A_39, %dma_wait3A_504] : memref<10240x128xf32, #tpu.memory_space<vmem_shared>> -> memref<80x128xf32, #tpu.memory_space<vmem_shared>>
      tpu.wait_dma2 semaphore(%run_scoped3A_497 : memref<!tpu.dma_semaphore, #tpu.memory_space<semaphore_mem>>) src(%arg8 : memref<80x128xf32, #tpu.memory_space<vmem>>) dst(%dma_wait3A_505 : memref<80x128xf32, #tpu.memory_space<vmem_shared>>)
      tpu.yield
    }) : () -> ()
    %mul3A_40 = arith.constant 640 : i32
    %mul3A_41 = arith.muli %arg1, %mul3A_40 : i32
    %add3A_42 = arith.constant 160 : i32
    %add3A_43 = arith.addi %mul3A_41, %add3A_42 : i32
    "tpu.region"() ({
      %run_scoped3A_497 = tpu.sem_alloc : memref<!tpu.dma_semaphore, #tpu.memory_space<semaphore_mem>>
      %dma_start3A_498 = arith.constant 0 : i32
      %dma_start3A_499 = tpu.memref_slice %arg13[%add3A_43, %dma_start3A_498] : memref<10240x16xf32, #tpu.memory_space<vmem_shared>> -> memref<80x16xf32, #tpu.memory_space<vmem_shared>>
      %dma_start3A_500 = arith.constant 0 : i32
      %dma_start3A_501 = tpu.memref_slice %arg13[%add3A_43, %dma_start3A_500] : memref<10240x16xf32, #tpu.memory_space<vmem_shared>> -> memref<80x16xf32, #tpu.memory_space<vmem_shared>>
      tpu.enqueue_dma source(%arg11 : memref<80x16xf32, #tpu.memory_space<vmem>>) target(%dma_start3A_501 : memref<80x16xf32, #tpu.memory_space<vmem_shared>>) target_semaphore(%run_scoped3A_497 : memref<!tpu.dma_semaphore, #tpu.memory_space<semaphore_mem>>)
      %dma_wait3A_502 = arith.constant 0 : i32
      %dma_wait3A_503 = tpu.memref_slice %arg13[%add3A_43, %dma_wait3A_502] : memref<10240x16xf32, #tpu.memory_space<vmem_shared>> -> memref<80x16xf32, #tpu.memory_space<vmem_shared>>
      %dma_wait3A_504 = arith.constant 0 : i32
      %dma_wait3A_505 = tpu.memref_slice %arg13[%add3A_43, %dma_wait3A_504] : memref<10240x16xf32, #tpu.memory_space<vmem_shared>> -> memref<80x16xf32, #tpu.memory_space<vmem_shared>>
      tpu.wait_dma2 semaphore(%run_scoped3A_497 : memref<!tpu.dma_semaphore, #tpu.memory_space<semaphore_mem>>) src(%arg11 : memref<80x16xf32, #tpu.memory_space<vmem>>) dst(%dma_wait3A_505 : memref<80x16xf32, #tpu.memory_space<vmem_shared>>)
      tpu.yield
    }) : () -> ()
    %mul3A_44 = arith.constant 640 : i32
    %mul3A_45 = arith.muli %arg1, %mul3A_44 : i32
    %add3A_46 = arith.constant 240 : i32
    %add3A_47 = arith.addi %mul3A_45, %add3A_46 : i32
    "tpu.region"() ({
      %run_scoped3A_497 = tpu.sem_alloc : memref<!tpu.dma_semaphore, #tpu.memory_space<semaphore_mem>>
      %dma_start3A_498 = arith.constant 0 : i32
      %dma_start3A_499 = tpu.memref_slice %arg12[%add3A_47, %dma_start3A_498] : memref<10240x128xf32, #tpu.memory_space<vmem_shared>> -> memref<80x128xf32, #tpu.memory_space<vmem_shared>>
      %dma_start3A_500 = arith.constant 0 : i32
      %dma_start3A_501 = tpu.memref_slice %arg12[%add3A_47, %dma_start3A_500] : memref<10240x128xf32, #tpu.memory_space<vmem_shared>> -> memref<80x128xf32, #tpu.memory_space<vmem_shared>>
      tpu.enqueue_dma source(%arg8 : memref<80x128xf32, #tpu.memory_space<vmem>>) target(%dma_start3A_501 : memref<80x128xf32, #tpu.memory_space<vmem_shared>>) target_semaphore(%run_scoped3A_497 : memref<!tpu.dma_semaphore, #tpu.memory_space<semaphore_mem>>)
      %dma_wait3A_502 = arith.constant 0 : i32
      %dma_wait3A_503 = tpu.memref_slice %arg12[%add3A_47, %dma_wait3A_502] : memref<10240x128xf32, #tpu.memory_space<vmem_shared>> -> memref<80x128xf32, #tpu.memory_space<vmem_shared>>
      %dma_wait3A_504 = arith.constant 0 : i32
      %dma_wait3A_505 = tpu.memref_slice %arg12[%add3A_47, %dma_wait3A_504] : memref<10240x128xf32, #tpu.memory_space<vmem_shared>> -> memref<80x128xf32, #tpu.memory_space<vmem_shared>>
      tpu.wait_dma2 semaphore(%run_scoped3A_497 : memref<!tpu.dma_semaphore, #tpu.memory_space<semaphore_mem>>) src(%arg8 : memref<80x128xf32, #tpu.memory_space<vmem>>) dst(%dma_wait3A_505 : memref<80x128xf32, #tpu.memory_space<vmem_shared>>)
      tpu.yield
    }) : () -> ()
    %mul3A_48 = arith.constant 640 : i32
    %mul3A_49 = arith.muli %arg1, %mul3A_48 : i32
    %add3A_50 = arith.constant 240 : i32
    %add3A_51 = arith.addi %mul3A_49, %add3A_50 : i32
    "tpu.region"() ({
      %run_scoped3A_497 = tpu.sem_alloc : memref<!tpu.dma_semaphore, #tpu.memory_space<semaphore_mem>>
      %dma_start3A_498 = arith.constant 0 : i32
      %dma_start3A_499 = tpu.memref_slice %arg13[%add3A_51, %dma_start3A_498] : memref<10240x16xf32, #tpu.memory_space<vmem_shared>> -> memref<80x16xf32, #tpu.memory_space<vmem_shared>>
      %dma_start3A_500 = arith.constant 0 : i32
      %dma_start3A_501 = tpu.memref_slice %arg13[%add3A_51, %dma_start3A_500] : memref<10240x16xf32, #tpu.memory_space<vmem_shared>> -> memref<80x16xf32, #tpu.memory_space<vmem_shared>>
      tpu.enqueue_dma source(%arg11 : memref<80x16xf32, #tpu.memory_space<vmem>>) target(%dma_start3A_501 : memref<80x16xf32, #tpu.memory_space<vmem_shared>>) target_semaphore(%run_scoped3A_497 : memref<!tpu.dma_semaphore, #tpu.memory_space<semaphore_mem>>)
      %dma_wait3A_502 = arith.constant 0 : i32
      %dma_wait3A_503 = tpu.memref_slice %arg13[%add3A_51, %dma_wait3A_502] : memref<10240x16xf32, #tpu.memory_space<vmem_shared>> -> memref<80x16xf32, #tpu.memory_space<vmem_shared>>
      %dma_wait3A_504 = arith.constant 0 : i32
      %dma_wait3A_505 = tpu.memref_slice %arg13[%add3A_51, %dma_wait3A_504] : memref<10240x16xf32, #tpu.memory_space<vmem_shared>> -> memref<80x16xf32, #tpu.memory_space<vmem_shared>>
      tpu.wait_dma2 semaphore(%run_scoped3A_497 : memref<!tpu.dma_semaphore, #tpu.memory_space<semaphore_mem>>) src(%arg11 : memref<80x16xf32, #tpu.memory_space<vmem>>) dst(%dma_wait3A_505 : memref<80x16xf32, #tpu.memory_space<vmem_shared>>)
      tpu.yield
    }) : () -> ()
    %mul3A_52 = arith.constant 640 : i32
    %mul3A_53 = arith.muli %arg1, %mul3A_52 : i32
    %add3A_54 = arith.constant 320 : i32
    %add3A_55 = arith.addi %mul3A_53, %add3A_54 : i32
    "tpu.region"() ({
      %run_scoped3A_497 = tpu.sem_alloc : memref<!tpu.dma_semaphore, #tpu.memory_space<semaphore_mem>>
      %dma_start3A_498 = arith.constant 0 : i32
      %dma_start3A_499 = tpu.memref_slice %arg12[%add3A_55, %dma_start3A_498] : memref<10240x128xf32, #tpu.memory_space<vmem_shared>> -> memref<80x128xf32, #tpu.memory_space<vmem_shared>>
      %dma_start3A_500 = arith.constant 0 : i32
      %dma_start3A_501 = tpu.memref_slice %arg12[%add3A_55, %dma_start3A_500] : memref<10240x128xf32, #tpu.memory_space<vmem_shared>> -> memref<80x128xf32, #tpu.memory_space<vmem_shared>>
      tpu.enqueue_dma source(%arg8 : memref<80x128xf32, #tpu.memory_space<vmem>>) target(%dma_start3A_501 : memref<80x128xf32, #tpu.memory_space<vmem_shared>>) target_semaphore(%run_scoped3A_497 : memref<!tpu.dma_semaphore, #tpu.memory_space<semaphore_mem>>)
      %dma_wait3A_502 = arith.constant 0 : i32
      %dma_wait3A_503 = tpu.memref_slice %arg12[%add3A_55, %dma_wait3A_502] : memref<10240x128xf32, #tpu.memory_space<vmem_shared>> -> memref<80x128xf32, #tpu.memory_space<vmem_shared>>
      %dma_wait3A_504 = arith.constant 0 : i32
      %dma_wait3A_505 = tpu.memref_slice %arg12[%add3A_55, %dma_wait3A_504] : memref<10240x128xf32, #tpu.memory_space<vmem_shared>> -> memref<80x128xf32, #tpu.memory_space<vmem_shared>>
      tpu.wait_dma2 semaphore(%run_scoped3A_497 : memref<!tpu.dma_semaphore, #tpu.memory_space<semaphore_mem>>) src(%arg8 : memref<80x128xf32, #tpu.memory_space<vmem>>) dst(%dma_wait3A_505 : memref<80x128xf32, #tpu.memory_space<vmem_shared>>)
      tpu.yield
    }) : () -> ()
    %mul3A_56 = arith.constant 640 : i32
    %mul3A_57 = arith.muli %arg1, %mul3A_56 : i32
    %add3A_58 = arith.constant 320 : i32
    %add3A_59 = arith.addi %mul3A_57, %add3A_58 : i32
    "tpu.region"() ({
      %run_scoped3A_497 = tpu.sem_alloc : memref<!tpu.dma_semaphore, #tpu.memory_space<semaphore_mem>>
      %dma_start3A_498 = arith.constant 0 : i32
      %dma_start3A_499 = tpu.memref_slice %arg13[%add3A_59, %dma_start3A_498] : memref<10240x16xf32, #tpu.memory_space<vmem_shared>> -> memref<80x16xf32, #tpu.memory_space<vmem_shared>>
      %dma_start3A_500 = arith.constant 0 : i32
      %dma_start3A_501 = tpu.memref_slice %arg13[%add3A_59, %dma_start3A_500] : memref<10240x16xf32, #tpu.memory_space<vmem_shared>> -> memref<80x16xf32, #tpu.memory_space<vmem_shared>>
      tpu.enqueue_dma source(%arg11 : memref<80x16xf32, #tpu.memory_space<vmem>>) target(%dma_start3A_501 : memref<80x16xf32, #tpu.memory_space<vmem_shared>>) target_semaphore(%run_scoped3A_497 : memref<!tpu.dma_semaphore, #tpu.memory_space<semaphore_mem>>)
      %dma_wait3A_502 = arith.constant 0 : i32
      %dma_wait3A_503 = tpu.memref_slice %arg13[%add3A_59, %dma_wait3A_502] : memref<10240x16xf32, #tpu.memory_space<vmem_shared>> -> memref<80x16xf32, #tpu.memory_space<vmem_shared>>
      %dma_wait3A_504 = arith.constant 0 : i32
      %dma_wait3A_505 = tpu.memref_slice %arg13[%add3A_59, %dma_wait3A_504] : memref<10240x16xf32, #tpu.memory_space<vmem_shared>> -> memref<80x16xf32, #tpu.memory_space<vmem_shared>>
      tpu.wait_dma2 semaphore(%run_scoped3A_497 : memref<!tpu.dma_semaphore, #tpu.memory_space<semaphore_mem>>) src(%arg11 : memref<80x16xf32, #tpu.memory_space<vmem>>) dst(%dma_wait3A_505 : memref<80x16xf32, #tpu.memory_space<vmem_shared>>)
      tpu.yield
    }) : () -> ()
    %mul3A_60 = arith.constant 640 : i32
    %mul3A_61 = arith.muli %arg1, %mul3A_60 : i32
    %add3A_62 = arith.constant 400 : i32
    %add3A_63 = arith.addi %mul3A_61, %add3A_62 : i32
    "tpu.region"() ({
      %run_scoped3A_497 = tpu.sem_alloc : memref<!tpu.dma_semaphore, #tpu.memory_space<semaphore_mem>>
      %dma_start3A_498 = arith.constant 0 : i32
      %dma_start3A_499 = tpu.memref_slice %arg12[%add3A_63, %dma_start3A_498] : memref<10240x128xf32, #tpu.memory_space<vmem_shared>> -> memref<80x128xf32, #tpu.memory_space<vmem_shared>>
      %dma_start3A_500 = arith.constant 0 : i32
      %dma_start3A_501 = tpu.memref_slice %arg12[%add3A_63, %dma_start3A_500] : memref<10240x128xf32, #tpu.memory_space<vmem_shared>> -> memref<80x128xf32, #tpu.memory_space<vmem_shared>>
      tpu.enqueue_dma source(%arg8 : memref<80x128xf32, #tpu.memory_space<vmem>>) target(%dma_start3A_501 : memref<80x128xf32, #tpu.memory_space<vmem_shared>>) target_semaphore(%run_scoped3A_497 : memref<!tpu.dma_semaphore, #tpu.memory_space<semaphore_mem>>)
      %dma_wait3A_502 = arith.constant 0 : i32
      %dma_wait3A_503 = tpu.memref_slice %arg12[%add3A_63, %dma_wait3A_502] : memref<10240x128xf32, #tpu.memory_space<vmem_shared>> -> memref<80x128xf32, #tpu.memory_space<vmem_shared>>
      %dma_wait3A_504 = arith.constant 0 : i32
      %dma_wait3A_505 = tpu.memref_slice %arg12[%add3A_63, %dma_wait3A_504] : memref<10240x128xf32, #tpu.memory_space<vmem_shared>> -> memref<80x128xf32, #tpu.memory_space<vmem_shared>>
      tpu.wait_dma2 semaphore(%run_scoped3A_497 : memref<!tpu.dma_semaphore, #tpu.memory_space<semaphore_mem>>) src(%arg8 : memref<80x128xf32, #tpu.memory_space<vmem>>) dst(%dma_wait3A_505 : memref<80x128xf32, #tpu.memory_space<vmem_shared>>)
      tpu.yield
    }) : () -> ()
    %mul3A_64 = arith.constant 640 : i32
    %mul3A_65 = arith.muli %arg1, %mul3A_64 : i32
    %add3A_66 = arith.constant 400 : i32
    %add3A_67 = arith.addi %mul3A_65, %add3A_66 : i32
    "tpu.region"() ({
      %run_scoped3A_497 = tpu.sem_alloc : memref<!tpu.dma_semaphore, #tpu.memory_space<semaphore_mem>>
      %dma_start3A_498 = arith.constant 0 : i32
      %dma_start3A_499 = tpu.memref_slice %arg13[%add3A_67, %dma_start3A_498] : memref<10240x16xf32, #tpu.memory_space<vmem_shared>> -> memref<80x16xf32, #tpu.memory_space<vmem_shared>>
      %dma_start3A_500 = arith.constant 0 : i32
      %dma_start3A_501 = tpu.memref_slice %arg13[%add3A_67, %dma_start3A_500] : memref<10240x16xf32, #tpu.memory_space<vmem_shared>> -> memref<80x16xf32, #tpu.memory_space<vmem_shared>>
      tpu.enqueue_dma source(%arg11 : memref<80x16xf32, #tpu.memory_space<vmem>>) target(%dma_start3A_501 : memref<80x16xf32, #tpu.memory_space<vmem_shared>>) target_semaphore(%run_scoped3A_497 : memref<!tpu.dma_semaphore, #tpu.memory_space<semaphore_mem>>)
      %dma_wait3A_502 = arith.constant 0 : i32
      %dma_wait3A_503 = tpu.memref_slice %arg13[%add3A_67, %dma_wait3A_502] : memref<10240x16xf32, #tpu.memory_space<vmem_shared>> -> memref<80x16xf32, #tpu.memory_space<vmem_shared>>
      %dma_wait3A_504 = arith.constant 0 : i32
      %dma_wait3A_505 = tpu.memref_slice %arg13[%add3A_67, %dma_wait3A_504] : memref<10240x16xf32, #tpu.memory_space<vmem_shared>> -> memref<80x16xf32, #tpu.memory_space<vmem_shared>>
      tpu.wait_dma2 semaphore(%run_scoped3A_497 : memref<!tpu.dma_semaphore, #tpu.memory_space<semaphore_mem>>) src(%arg11 : memref<80x16xf32, #tpu.memory_space<vmem>>) dst(%dma_wait3A_505 : memref<80x16xf32, #tpu.memory_space<vmem_shared>>)
      tpu.yield
    }) : () -> ()
    %mul3A_68 = arith.constant 640 : i32
    %mul3A_69 = arith.muli %arg1, %mul3A_68 : i32
    %add3A_70 = arith.constant 480 : i32
    %add3A_71 = arith.addi %mul3A_69, %add3A_70 : i32
    "tpu.region"() ({
      %run_scoped3A_497 = tpu.sem_alloc : memref<!tpu.dma_semaphore, #tpu.memory_space<semaphore_mem>>
      %dma_start3A_498 = arith.constant 0 : i32
      %dma_start3A_499 = tpu.memref_slice %arg12[%add3A_71, %dma_start3A_498] : memref<10240x128xf32, #tpu.memory_space<vmem_shared>> -> memref<80x128xf32, #tpu.memory_space<vmem_shared>>
      %dma_start3A_500 = arith.constant 0 : i32
      %dma_start3A_501 = tpu.memref_slice %arg12[%add3A_71, %dma_start3A_500] : memref<10240x128xf32, #tpu.memory_space<vmem_shared>> -> memref<80x128xf32, #tpu.memory_space<vmem_shared>>
      tpu.enqueue_dma source(%arg8 : memref<80x128xf32, #tpu.memory_space<vmem>>) target(%dma_start3A_501 : memref<80x128xf32, #tpu.memory_space<vmem_shared>>) target_semaphore(%run_scoped3A_497 : memref<!tpu.dma_semaphore, #tpu.memory_space<semaphore_mem>>)
      %dma_wait3A_502 = arith.constant 0 : i32
      %dma_wait3A_503 = tpu.memref_slice %arg12[%add3A_71, %dma_wait3A_502] : memref<10240x128xf32, #tpu.memory_space<vmem_shared>> -> memref<80x128xf32, #tpu.memory_space<vmem_shared>>
      %dma_wait3A_504 = arith.constant 0 : i32
      %dma_wait3A_505 = tpu.memref_slice %arg12[%add3A_71, %dma_wait3A_504] : memref<10240x128xf32, #tpu.memory_space<vmem_shared>> -> memref<80x128xf32, #tpu.memory_space<vmem_shared>>
      tpu.wait_dma2 semaphore(%run_scoped3A_497 : memref<!tpu.dma_semaphore, #tpu.memory_space<semaphore_mem>>) src(%arg8 : memref<80x128xf32, #tpu.memory_space<vmem>>) dst(%dma_wait3A_505 : memref<80x128xf32, #tpu.memory_space<vmem_shared>>)
      tpu.yield
    }) : () -> ()
    %mul3A_72 = arith.constant 640 : i32
    %mul3A_73 = arith.muli %arg1, %mul3A_72 : i32
    %add3A_74 = arith.constant 480 : i32
    %add3A_75 = arith.addi %mul3A_73, %add3A_74 : i32
    "tpu.region"() ({
      %run_scoped3A_497 = tpu.sem_alloc : memref<!tpu.dma_semaphore, #tpu.memory_space<semaphore_mem>>
      %dma_start3A_498 = arith.constant 0 : i32
      %dma_start3A_499 = tpu.memref_slice %arg13[%add3A_75, %dma_start3A_498] : memref<10240x16xf32, #tpu.memory_space<vmem_shared>> -> memref<80x16xf32, #tpu.memory_space<vmem_shared>>
      %dma_start3A_500 = arith.constant 0 : i32
      %dma_start3A_501 = tpu.memref_slice %arg13[%add3A_75, %dma_start3A_500] : memref<10240x16xf32, #tpu.memory_space<vmem_shared>> -> memref<80x16xf32, #tpu.memory_space<vmem_shared>>
      tpu.enqueue_dma source(%arg11 : memref<80x16xf32, #tpu.memory_space<vmem>>) target(%dma_start3A_501 : memref<80x16xf32, #tpu.memory_space<vmem_shared>>) target_semaphore(%run_scoped3A_497 : memref<!tpu.dma_semaphore, #tpu.memory_space<semaphore_mem>>)
      %dma_wait3A_502 = arith.constant 0 : i32
      %dma_wait3A_503 = tpu.memref_slice %arg13[%add3A_75, %dma_wait3A_502] : memref<10240x16xf32, #tpu.memory_space<vmem_shared>> -> memref<80x16xf32, #tpu.memory_space<vmem_shared>>
      %dma_wait3A_504 = arith.constant 0 : i32
      %dma_wait3A_505 = tpu.memref_slice %arg13[%add3A_75, %dma_wait3A_504] : memref<10240x16xf32, #tpu.memory_space<vmem_shared>> -> memref<80x16xf32, #tpu.memory_space<vmem_shared>>
      tpu.wait_dma2 semaphore(%run_scoped3A_497 : memref<!tpu.dma_semaphore, #tpu.memory_space<semaphore_mem>>) src(%arg11 : memref<80x16xf32, #tpu.memory_space<vmem>>) dst(%dma_wait3A_505 : memref<80x16xf32, #tpu.memory_space<vmem_shared>>)
      tpu.yield
    }) : () -> ()
    %mul3A_76 = arith.constant 640 : i32
    %mul3A_77 = arith.muli %arg1, %mul3A_76 : i32
    %add3A_78 = arith.constant 560 : i32
    %add3A_79 = arith.addi %mul3A_77, %add3A_78 : i32
    "tpu.region"() ({
      %run_scoped3A_497 = tpu.sem_alloc : memref<!tpu.dma_semaphore, #tpu.memory_space<semaphore_mem>>
      %dma_start3A_498 = arith.constant 0 : i32
      %dma_start3A_499 = tpu.memref_slice %arg12[%add3A_79, %dma_start3A_498] : memref<10240x128xf32, #tpu.memory_space<vmem_shared>> -> memref<80x128xf32, #tpu.memory_space<vmem_shared>>
      %dma_start3A_500 = arith.constant 0 : i32
      %dma_start3A_501 = tpu.memref_slice %arg12[%add3A_79, %dma_start3A_500] : memref<10240x128xf32, #tpu.memory_space<vmem_shared>> -> memref<80x128xf32, #tpu.memory_space<vmem_shared>>
      tpu.enqueue_dma source(%arg8 : memref<80x128xf32, #tpu.memory_space<vmem>>) target(%dma_start3A_501 : memref<80x128xf32, #tpu.memory_space<vmem_shared>>) target_semaphore(%run_scoped3A_497 : memref<!tpu.dma_semaphore, #tpu.memory_space<semaphore_mem>>)
      %dma_wait3A_502 = arith.constant 0 : i32
      %dma_wait3A_503 = tpu.memref_slice %arg12[%add3A_79, %dma_wait3A_502] : memref<10240x128xf32, #tpu.memory_space<vmem_shared>> -> memref<80x128xf32, #tpu.memory_space<vmem_shared>>
      %dma_wait3A_504 = arith.constant 0 : i32
      %dma_wait3A_505 = tpu.memref_slice %arg12[%add3A_79, %dma_wait3A_504] : memref<10240x128xf32, #tpu.memory_space<vmem_shared>> -> memref<80x128xf32, #tpu.memory_space<vmem_shared>>
      tpu.wait_dma2 semaphore(%run_scoped3A_497 : memref<!tpu.dma_semaphore, #tpu.memory_space<semaphore_mem>>) src(%arg8 : memref<80x128xf32, #tpu.memory_space<vmem>>) dst(%dma_wait3A_505 : memref<80x128xf32, #tpu.memory_space<vmem_shared>>)
      tpu.yield
    }) : () -> ()
    %mul3A_80 = arith.constant 640 : i32
    %mul3A_81 = arith.muli %arg1, %mul3A_80 : i32
    %add3A_82 = arith.constant 560 : i32
    %add3A_83 = arith.addi %mul3A_81, %add3A_82 : i32
    "tpu.region"() ({
      %run_scoped3A_497 = tpu.sem_alloc : memref<!tpu.dma_semaphore, #tpu.memory_space<semaphore_mem>>
      %dma_start3A_498 = arith.constant 0 : i32
      %dma_start3A_499 = tpu.memref_slice %arg13[%add3A_83, %dma_start3A_498] : memref<10240x16xf32, #tpu.memory_space<vmem_shared>> -> memref<80x16xf32, #tpu.memory_space<vmem_shared>>
      %dma_start3A_500 = arith.constant 0 : i32
      %dma_start3A_501 = tpu.memref_slice %arg13[%add3A_83, %dma_start3A_500] : memref<10240x16xf32, #tpu.memory_space<vmem_shared>> -> memref<80x16xf32, #tpu.memory_space<vmem_shared>>
      tpu.enqueue_dma source(%arg11 : memref<80x16xf32, #tpu.memory_space<vmem>>) target(%dma_start3A_501 : memref<80x16xf32, #tpu.memory_space<vmem_shared>>) target_semaphore(%run_scoped3A_497 : memref<!tpu.dma_semaphore, #tpu.memory_space<semaphore_mem>>)
      %dma_wait3A_502 = arith.constant 0 : i32
      %dma_wait3A_503 = tpu.memref_slice %arg13[%add3A_83, %dma_wait3A_502] : memref<10240x16xf32, #tpu.memory_space<vmem_shared>> -> memref<80x16xf32, #tpu.memory_space<vmem_shared>>
      %dma_wait3A_504 = arith.constant 0 : i32
      %dma_wait3A_505 = tpu.memref_slice %arg13[%add3A_83, %dma_wait3A_504] : memref<10240x16xf32, #tpu.memory_space<vmem_shared>> -> memref<80x16xf32, #tpu.memory_space<vmem_shared>>
      tpu.wait_dma2 semaphore(%run_scoped3A_497 : memref<!tpu.dma_semaphore, #tpu.memory_space<semaphore_mem>>) src(%arg11 : memref<80x16xf32, #tpu.memory_space<vmem>>) dst(%dma_wait3A_505 : memref<80x16xf32, #tpu.memory_space<vmem_shared>>)
      tpu.yield
    }) : () -> ()
    %scan3A_84 = arith.constant 0 : i32
    %scan3A_85 = arith.constant 0 : i32
    %scan3A_86 = arith.constant 80 : i32
    %scan3A_87 = arith.addi %scan3A_85, %scan3A_86 : i32
    %scan3A_88 = arith.constant 1 : i32
    %scan3A_89 = scf.for %scan3A_497 = %scan3A_85 to %scan3A_87 step %scan3A_88 iter_args(%scan3A_498 = %scan3A_84) -> (i32)  : i32 {
      %swap3A = arith.index_cast %scan3A_497 : i32 to index
      %swap3A_499 = arith.constant 0 : index
      %swap3A_500 = tpu.vector_load %arg11[%swap3A, %swap3A_499] {strides = array<i32>} : memref<80x16xf32, #tpu.memory_space<vmem>>, vector<1x16xf32>,
      %swap3A_501 = vector.shape_cast %swap3A_500 : vector<1x16xf32> to vector<16xf32>
      %swap3A_502 = vector.shape_cast %select_n3A : vector<16xf32> to vector<1x16xf32>
      tpu.vector_store %arg11[%swap3A, %swap3A_499], %swap3A_502 {strides = array<i32>} : memref<80x16xf32, #tpu.memory_space<vmem>>, vector<1x16xf32>,
      %scan3A_503 = arith.constant 0 : i32
      scf.yield %scan3A_503 : i32
    }
    %scan3A_90 = arith.constant 80 : i32
    %run_scoped3A = arith.constant 0 : i32
    "tpu.region"() ({
      %run_scoped3A_497 = tpu.sem_alloc : memref<!tpu.dma_semaphore, #tpu.memory_space<semaphore_mem>>
      %dma_start3A_498 = arith.constant 0 : i32
      %dma_start3A_499 = arith.constant 0 : i32
      %dma_start3A_500 = arith.constant 0 : i32
      %dma_start3A_501 = tpu.memref_slice %arg3[%run_scoped3A, %dma_start3A_498, %dma_start3A_499, %dma_start3A_500] : memref<2x32x125x80xi32, #tpu.memory_space<hbm>> -> memref<1x32x125x80xi32, #tpu.memory_space<hbm>>
      %dma_start3A_502 = tpu.memref_squeeze %dma_start3A_501 : memref<1x32x125x80xi32, #tpu.memory_space<hbm>> -> memref<32x125x80xi32, #tpu.memory_space<hbm>>
      %dma_start3A_503 = arith.constant 0 : i32
      %dma_start3A_504 = arith.constant 0 : i32
      %dma_start3A_505 = tpu.memref_slice %dma_start3A_502[%add3A, %dma_start3A_503, %dma_start3A_504] : memref<32x125x80xi32, #tpu.memory_space<hbm>> -> memref<1x125x80xi32, #tpu.memory_space<hbm>>
      %dma_start3A_506 = tpu.memref_squeeze %dma_start3A_505 : memref<1x125x80xi32, #tpu.memory_space<hbm>> -> memref<125x80xi32, #tpu.memory_space<hbm>>
      %dma_start3A_507 = arith.constant 0 : i32
      %dma_start3A_508 = arith.constant 0 : i32
      %dma_start3A_509 = tpu.memref_slice %dma_start3A_506[%dma_start3A_507, %dma_start3A_508] : memref<125x80xi32, #tpu.memory_space<hbm>> -> memref<32x80xi32, #tpu.memory_space<hbm>>
      %dma_start3A_510 = arith.constant 0 : i32
      %dma_start3A_511 = arith.constant 0 : i32
      %dma_start3A_512 = arith.constant 0 : i32
      %dma_start3A_513 = tpu.memref_slice %arg3[%run_scoped3A, %dma_start3A_510, %dma_start3A_511, %dma_start3A_512] : memref<2x32x125x80xi32, #tpu.memory_space<hbm>> -> memref<1x32x125x80xi32, #tpu.memory_space<hbm>>
      %dma_start3A_514 = tpu.memref_squeeze %dma_start3A_513 : memref<1x32x125x80xi32, #tpu.memory_space<hbm>> -> memref<32x125x80xi32, #tpu.memory_space<hbm>>
      %dma_start3A_515 = arith.constant 0 : i32
      %dma_start3A_516 = arith.constant 0 : i32
      %dma_start3A_517 = tpu.memref_slice %dma_start3A_514[%add3A, %dma_start3A_515, %dma_start3A_516] : memref<32x125x80xi32, #tpu.memory_space<hbm>> -> memref<1x125x80xi32, #tpu.memory_space<hbm>>
      %dma_start3A_518 = tpu.memref_squeeze %dma_start3A_517 : memref<1x125x80xi32, #tpu.memory_space<hbm>> -> memref<125x80xi32, #tpu.memory_space<hbm>>
      %dma_start3A_519 = arith.constant 0 : i32
      %dma_start3A_520 = arith.constant 0 : i32
      %dma_start3A_521 = tpu.memref_slice %dma_start3A_518[%dma_start3A_519, %dma_start3A_520] : memref<125x80xi32, #tpu.memory_space<hbm>> -> memref<32x80xi32, #tpu.memory_space<hbm>>
      tpu.enqueue_dma source(%dma_start3A_521 : memref<32x80xi32, #tpu.memory_space<hbm>>) target(%arg6 : memref<32x80xi32, #tpu.memory_space<vmem>>) target_semaphore(%run_scoped3A_497 : memref<!tpu.dma_semaphore, #tpu.memory_space<semaphore_mem>>)
      %dma_wait3A_522 = arith.constant 0 : i32
      %dma_wait3A_523 = arith.constant 0 : i32
      %dma_wait3A_524 = arith.constant 0 : i32
      %dma_wait3A_525 = tpu.memref_slice %arg3[%run_scoped3A, %dma_wait3A_522, %dma_wait3A_523, %dma_wait3A_524] : memref<2x32x125x80xi32, #tpu.memory_space<hbm>> -> memref<1x32x125x80xi32, #tpu.memory_space<hbm>>
      %dma_wait3A_526 = tpu.memref_squeeze %dma_wait3A_525 : memref<1x32x125x80xi32, #tpu.memory_space<hbm>> -> memref<32x125x80xi32, #tpu.memory_space<hbm>>
      %dma_wait3A_527 = arith.constant 0 : i32
      %dma_wait3A_528 = arith.constant 0 : i32
      %dma_wait3A_529 = tpu.memref_slice %dma_wait3A_526[%add3A, %dma_wait3A_527, %dma_wait3A_528] : memref<32x125x80xi32, #tpu.memory_space<hbm>> -> memref<1x125x80xi32, #tpu.memory_space<hbm>>
      %dma_wait3A_530 = tpu.memref_squeeze %dma_wait3A_529 : memref<1x125x80xi32, #tpu.memory_space<hbm>> -> memref<125x80xi32, #tpu.memory_space<hbm>>
      %dma_wait3A_531 = arith.constant 0 : i32
      %dma_wait3A_532 = arith.constant 0 : i32
      %dma_wait3A_533 = tpu.memref_slice %dma_wait3A_530[%dma_wait3A_531, %dma_wait3A_532] : memref<125x80xi32, #tpu.memory_space<hbm>> -> memref<32x80xi32, #tpu.memory_space<hbm>>
      %dma_wait3A_534 = arith.constant 0 : i32
      %dma_wait3A_535 = arith.constant 0 : i32
      %dma_wait3A_536 = arith.constant 0 : i32
      %dma_wait3A_537 = tpu.memref_slice %arg3[%run_scoped3A, %dma_wait3A_534, %dma_wait3A_535, %dma_wait3A_536] : memref<2x32x125x80xi32, #tpu.memory_space<hbm>> -> memref<1x32x125x80xi32, #tpu.memory_space<hbm>>
      %dma_wait3A_538 = tpu.memref_squeeze %dma_wait3A_537 : memref<1x32x125x80xi32, #tpu.memory_space<hbm>> -> memref<32x125x80xi32, #tpu.memory_space<hbm>>
      %dma_wait3A_539 = arith.constant 0 : i32
      %dma_wait3A_540 = arith.constant 0 : i32
      %dma_wait3A_541 = tpu.memref_slice %dma_wait3A_538[%add3A, %dma_wait3A_539, %dma_wait3A_540] : memref<32x125x80xi32, #tpu.memory_space<hbm>> -> memref<1x125x80xi32, #tpu.memory_space<hbm>>
      %dma_wait3A_542 = tpu.memref_squeeze %dma_wait3A_541 : memref<1x125x80xi32, #tpu.memory_space<hbm>> -> memref<125x80xi32, #tpu.memory_space<hbm>>
      %dma_wait3A_543 = arith.constant 0 : i32
      %dma_wait3A_544 = arith.constant 0 : i32
      %dma_wait3A_545 = tpu.memref_slice %dma_wait3A_542[%dma_wait3A_543, %dma_wait3A_544] : memref<125x80xi32, #tpu.memory_space<hbm>> -> memref<32x80xi32, #tpu.memory_space<hbm>>
      tpu.wait_dma2 semaphore(%run_scoped3A_497 : memref<!tpu.dma_semaphore, #tpu.memory_space<semaphore_mem>>) src(%dma_wait3A_545 : memref<32x80xi32, #tpu.memory_space<hbm>>) dst(%arg6 : memref<32x80xi32, #tpu.memory_space<vmem>>)
      tpu.yield
    }) : () -> ()
    %run_scoped3A_91 = arith.constant 1 : i32
    "tpu.region"() ({
      %run_scoped3A_497 = tpu.sem_alloc : memref<!tpu.dma_semaphore, #tpu.memory_space<semaphore_mem>>
      %dma_start3A_498 = arith.constant 0 : i32
      %dma_start3A_499 = arith.constant 0 : i32
      %dma_start3A_500 = arith.constant 0 : i32
      %dma_start3A_501 = tpu.memref_slice %arg3[%run_scoped3A_91, %dma_start3A_498, %dma_start3A_499, %dma_start3A_500] : memref<2x32x125x80xi32, #tpu.memory_space<hbm>> -> memref<1x32x125x80xi32, #tpu.memory_space<hbm>>
      %dma_start3A_502 = tpu.memref_squeeze %dma_start3A_501 : memref<1x32x125x80xi32, #tpu.memory_space<hbm>> -> memref<32x125x80xi32, #tpu.memory_space<hbm>>
      %dma_start3A_503 = arith.constant 0 : i32
      %dma_start3A_504 = arith.constant 0 : i32
      %dma_start3A_505 = tpu.memref_slice %dma_start3A_502[%add3A, %dma_start3A_503, %dma_start3A_504] : memref<32x125x80xi32, #tpu.memory_space<hbm>> -> memref<1x125x80xi32, #tpu.memory_space<hbm>>
      %dma_start3A_506 = tpu.memref_squeeze %dma_start3A_505 : memref<1x125x80xi32, #tpu.memory_space<hbm>> -> memref<125x80xi32, #tpu.memory_space<hbm>>
      %dma_start3A_507 = arith.constant 0 : i32
      %dma_start3A_508 = arith.constant 0 : i32
      %dma_start3A_509 = tpu.memref_slice %dma_start3A_506[%dma_start3A_507, %dma_start3A_508] : memref<125x80xi32, #tpu.memory_space<hbm>> -> memref<32x80xi32, #tpu.memory_space<hbm>>
      %dma_start3A_510 = arith.constant 0 : i32
      %dma_start3A_511 = arith.constant 0 : i32
      %dma_start3A_512 = arith.constant 0 : i32
      %dma_start3A_513 = tpu.memref_slice %arg3[%run_scoped3A_91, %dma_start3A_510, %dma_start3A_511, %dma_start3A_512] : memref<2x32x125x80xi32, #tpu.memory_space<hbm>> -> memref<1x32x125x80xi32, #tpu.memory_space<hbm>>
      %dma_start3A_514 = tpu.memref_squeeze %dma_start3A_513 : memref<1x32x125x80xi32, #tpu.memory_space<hbm>> -> memref<32x125x80xi32, #tpu.memory_space<hbm>>
      %dma_start3A_515 = arith.constant 0 : i32
      %dma_start3A_516 = arith.constant 0 : i32
      %dma_start3A_517 = tpu.memref_slice %dma_start3A_514[%add3A, %dma_start3A_515, %dma_start3A_516] : memref<32x125x80xi32, #tpu.memory_space<hbm>> -> memref<1x125x80xi32, #tpu.memory_space<hbm>>
      %dma_start3A_518 = tpu.memref_squeeze %dma_start3A_517 : memref<1x125x80xi32, #tpu.memory_space<hbm>> -> memref<125x80xi32, #tpu.memory_space<hbm>>
      %dma_start3A_519 = arith.constant 0 : i32
      %dma_start3A_520 = arith.constant 0 : i32
      %dma_start3A_521 = tpu.memref_slice %dma_start3A_518[%dma_start3A_519, %dma_start3A_520] : memref<125x80xi32, #tpu.memory_space<hbm>> -> memref<32x80xi32, #tpu.memory_space<hbm>>
      tpu.enqueue_dma source(%dma_start3A_521 : memref<32x80xi32, #tpu.memory_space<hbm>>) target(%arg7 : memref<32x80xi32, #tpu.memory_space<vmem>>) target_semaphore(%run_scoped3A_497 : memref<!tpu.dma_semaphore, #tpu.memory_space<semaphore_mem>>)
      %dma_wait3A_522 = arith.constant 0 : i32
      %dma_wait3A_523 = arith.constant 0 : i32
      %dma_wait3A_524 = arith.constant 0 : i32
      %dma_wait3A_525 = tpu.memref_slice %arg3[%run_scoped3A_91, %dma_wait3A_522, %dma_wait3A_523, %dma_wait3A_524] : memref<2x32x125x80xi32, #tpu.memory_space<hbm>> -> memref<1x32x125x80xi32, #tpu.memory_space<hbm>>
      %dma_wait3A_526 = tpu.memref_squeeze %dma_wait3A_525 : memref<1x32x125x80xi32, #tpu.memory_space<hbm>> -> memref<32x125x80xi32, #tpu.memory_space<hbm>>
      %dma_wait3A_527 = arith.constant 0 : i32
      %dma_wait3A_528 = arith.constant 0 : i32
      %dma_wait3A_529 = tpu.memref_slice %dma_wait3A_526[%add3A, %dma_wait3A_527, %dma_wait3A_528] : memref<32x125x80xi32, #tpu.memory_space<hbm>> -> memref<1x125x80xi32, #tpu.memory_space<hbm>>
      %dma_wait3A_530 = tpu.memref_squeeze %dma_wait3A_529 : memref<1x125x80xi32, #tpu.memory_space<hbm>> -> memref<125x80xi32, #tpu.memory_space<hbm>>
      %dma_wait3A_531 = arith.constant 0 : i32
      %dma_wait3A_532 = arith.constant 0 : i32
      %dma_wait3A_533 = tpu.memref_slice %dma_wait3A_530[%dma_wait3A_531, %dma_wait3A_532] : memref<125x80xi32, #tpu.memory_space<hbm>> -> memref<32x80xi32, #tpu.memory_space<hbm>>
      %dma_wait3A_534 = arith.constant 0 : i32
      %dma_wait3A_535 = arith.constant 0 : i32
      %dma_wait3A_536 = arith.constant 0 : i32
      %dma_wait3A_537 = tpu.memref_slice %arg3[%run_scoped3A_91, %dma_wait3A_534, %dma_wait3A_535, %dma_wait3A_536] : memref<2x32x125x80xi32, #tpu.memory_space<hbm>> -> memref<1x32x125x80xi32, #tpu.memory_space<hbm>>
      %dma_wait3A_538 = tpu.memref_squeeze %dma_wait3A_537 : memref<1x32x125x80xi32, #tpu.memory_space<hbm>> -> memref<32x125x80xi32, #tpu.memory_space<hbm>>
      %dma_wait3A_539 = arith.constant 0 : i32
      %dma_wait3A_540 = arith.constant 0 : i32
      %dma_wait3A_541 = tpu.memref_slice %dma_wait3A_538[%add3A, %dma_wait3A_539, %dma_wait3A_540] : memref<32x125x80xi32, #tpu.memory_space<hbm>> -> memref<1x125x80xi32, #tpu.memory_space<hbm>>
      %dma_wait3A_542 = tpu.memref_squeeze %dma_wait3A_541 : memref<1x125x80xi32, #tpu.memory_space<hbm>> -> memref<125x80xi32, #tpu.memory_space<hbm>>
      %dma_wait3A_543 = arith.constant 0 : i32
      %dma_wait3A_544 = arith.constant 0 : i32
      %dma_wait3A_545 = tpu.memref_slice %dma_wait3A_542[%dma_wait3A_543, %dma_wait3A_544] : memref<125x80xi32, #tpu.memory_space<hbm>> -> memref<32x80xi32, #tpu.memory_space<hbm>>
      tpu.wait_dma2 semaphore(%run_scoped3A_497 : memref<!tpu.dma_semaphore, #tpu.memory_space<semaphore_mem>>) src(%dma_wait3A_545 : memref<32x80xi32, #tpu.memory_space<hbm>>) dst(%arg7 : memref<32x80xi32, #tpu.memory_space<vmem>>)
      tpu.yield
    }) : () -> ()
    %dma_start3A = arith.constant 0 : i32
    %dma_start3A_92 = arith.constant 0 : i32
    %dma_start3A_93 = tpu.memref_slice %arg6[%dma_start3A, %dma_start3A_92] : memref<32x80xi32, #tpu.memory_space<vmem>> -> memref<1x80xi32, #tpu.memory_space<vmem>>
    %dma_start3A_94 = tpu.memref_squeeze %dma_start3A_93 : memref<1x80xi32, #tpu.memory_space<vmem>> -> memref<80xi32, #tpu.memory_space<vmem>>
    %dma_start3A_95 = arith.constant 0 : i32
    %dma_start3A_96 = arith.constant 0 : i32
    %dma_start3A_97 = tpu.memref_slice %arg2[%dma_start3A_95, %dma_start3A_96] : memref<10000x128xf32, #tpu.memory_space<hbm>> -> memref<10000x128xf32, #tpu.memory_space<hbm>>
    tpu.enqueue_indirect_dma source(%dma_start3A_97 : memref<10000x128xf32, #tpu.memory_space<hbm>>) target(%arg8 : memref<80x128xf32, #tpu.memory_space<vmem>>) offsets(%dma_start3A_94 : memref<80xi32, #tpu.memory_space<vmem>>) semaphore(%arg14 : memref<!tpu.dma_semaphore, #tpu.memory_space<semaphore_mem>>)
    %dma_start3A_98 = arith.constant 1 : i32
    %dma_start3A_99 = arith.constant 0 : i32
    %dma_start3A_100 = tpu.memref_slice %arg6[%dma_start3A_98, %dma_start3A_99] : memref<32x80xi32, #tpu.memory_space<vmem>> -> memref<1x80xi32, #tpu.memory_space<vmem>>
    %dma_start3A_101 = tpu.memref_squeeze %dma_start3A_100 : memref<1x80xi32, #tpu.memory_space<vmem>> -> memref<80xi32, #tpu.memory_space<vmem>>
    %dma_start3A_102 = arith.constant 0 : i32
    %dma_start3A_103 = arith.constant 0 : i32
    %dma_start3A_104 = tpu.memref_slice %arg2[%dma_start3A_102, %dma_start3A_103] : memref<10000x128xf32, #tpu.memory_space<hbm>> -> memref<10000x128xf32, #tpu.memory_space<hbm>>
    tpu.enqueue_indirect_dma source(%dma_start3A_104 : memref<10000x128xf32, #tpu.memory_space<hbm>>) target(%arg9 : memref<80x128xf32, #tpu.memory_space<vmem>>) offsets(%dma_start3A_101 : memref<80xi32, #tpu.memory_space<vmem>>) semaphore(%arg15 : memref<!tpu.dma_semaphore, #tpu.memory_space<semaphore_mem>>)
    %dma_start3A_105 = arith.constant 2 : i32
    %dma_start3A_106 = arith.constant 0 : i32
    %dma_start3A_107 = tpu.memref_slice %arg6[%dma_start3A_105, %dma_start3A_106] : memref<32x80xi32, #tpu.memory_space<vmem>> -> memref<1x80xi32, #tpu.memory_space<vmem>>
    %dma_start3A_108 = tpu.memref_squeeze %dma_start3A_107 : memref<1x80xi32, #tpu.memory_space<vmem>> -> memref<80xi32, #tpu.memory_space<vmem>>
    %dma_start3A_109 = arith.constant 0 : i32
    %dma_start3A_110 = arith.constant 0 : i32
    %dma_start3A_111 = tpu.memref_slice %arg2[%dma_start3A_109, %dma_start3A_110] : memref<10000x128xf32, #tpu.memory_space<hbm>> -> memref<10000x128xf32, #tpu.memory_space<hbm>>
    tpu.enqueue_indirect_dma source(%dma_start3A_111 : memref<10000x128xf32, #tpu.memory_space<hbm>>) target(%arg10 : memref<80x128xf32, #tpu.memory_space<vmem>>) offsets(%dma_start3A_108 : memref<80xi32, #tpu.memory_space<vmem>>) semaphore(%arg16 : memref<!tpu.dma_semaphore, #tpu.memory_space<semaphore_mem>>)
    %barrier3A = arith.constant 0 : index
    tpu.barrier barrier_id(%barrier3A)
    %dma_wait3A = arith.constant 0 : i32
    %dma_wait3A_112 = arith.constant 0 : i32
    %dma_wait3A_113 = tpu.memref_slice %arg6[%dma_wait3A, %dma_wait3A_112] : memref<32x80xi32, #tpu.memory_space<vmem>> -> memref<1x80xi32, #tpu.memory_space<vmem>>
    %dma_wait3A_114 = tpu.memref_squeeze %dma_wait3A_113 : memref<1x80xi32, #tpu.memory_space<vmem>> -> memref<80xi32, #tpu.memory_space<vmem>>
    %dma_wait3A_115 = arith.constant 0 : i32
    %dma_wait3A_116 = arith.constant 0 : i32
    %dma_wait3A_117 = tpu.memref_slice %arg2[%dma_wait3A_115, %dma_wait3A_116] : memref<10000x128xf32, #tpu.memory_space<hbm>> -> memref<10000x128xf32, #tpu.memory_space<hbm>>
    tpu.wait_indirect_dma semaphore(%arg14 : memref<!tpu.dma_semaphore, #tpu.memory_space<semaphore_mem>>) src(%dma_wait3A_117 : memref<10000x128xf32, #tpu.memory_space<hbm>>) dst(%arg8 : memref<80x128xf32, #tpu.memory_space<vmem>>)
    %dma_start3A_118 = arith.constant 0 : i32
    %dma_start3A_119 = arith.constant 0 : i32
    %dma_start3A_120 = tpu.memref_slice %arg7[%dma_start3A_118, %dma_start3A_119] : memref<32x80xi32, #tpu.memory_space<vmem>> -> memref<1x80xi32, #tpu.memory_space<vmem>>
    %dma_start3A_121 = tpu.memref_squeeze %dma_start3A_120 : memref<1x80xi32, #tpu.memory_space<vmem>> -> memref<80xi32, #tpu.memory_space<vmem>>
    %dma_start3A_122 = arith.constant 0 : i32
    %dma_start3A_123 = arith.constant 0 : i32
    %dma_start3A_124 = tpu.memref_slice %arg12[%dma_start3A_122, %dma_start3A_123] : memref<10240x128xf32, #tpu.memory_space<vmem_shared>> -> memref<10240x128xf32, #tpu.memory_space<vmem_shared>>
    tpu.enqueue_indirect_dma source(%arg8 : memref<80x128xf32, #tpu.memory_space<vmem>>) target(%dma_start3A_124 : memref<10240x128xf32, #tpu.memory_space<vmem_shared>>) offsets(%dma_start3A_121 : memref<80xi32, #tpu.memory_space<vmem>>) semaphore(%arg17 : memref<!tpu.dma_semaphore, #tpu.memory_space<semaphore_mem>>) {add = true}
    %dma_start3A_125 = arith.constant 0 : i32
    %dma_start3A_126 = arith.constant 0 : i32
    %dma_start3A_127 = tpu.memref_slice %arg7[%dma_start3A_125, %dma_start3A_126] : memref<32x80xi32, #tpu.memory_space<vmem>> -> memref<1x80xi32, #tpu.memory_space<vmem>>
    %dma_start3A_128 = tpu.memref_squeeze %dma_start3A_127 : memref<1x80xi32, #tpu.memory_space<vmem>> -> memref<80xi32, #tpu.memory_space<vmem>>
    %dma_start3A_129 = arith.constant 0 : i32
    %dma_start3A_130 = arith.constant 0 : i32
    %dma_start3A_131 = tpu.memref_slice %arg13[%dma_start3A_129, %dma_start3A_130] : memref<10240x16xf32, #tpu.memory_space<vmem_shared>> -> memref<10240x16xf32, #tpu.memory_space<vmem_shared>>
    tpu.enqueue_indirect_dma source(%arg11 : memref<80x16xf32, #tpu.memory_space<vmem>>) target(%dma_start3A_131 : memref<10240x16xf32, #tpu.memory_space<vmem_shared>>) offsets(%dma_start3A_128 : memref<80xi32, #tpu.memory_space<vmem>>) semaphore(%arg20 : memref<!tpu.dma_semaphore, #tpu.memory_space<semaphore_mem>>) {add = true}
    %scan3A_132 = arith.constant 0 : i32
    %scan3A_133 = arith.constant 0 : i32
    %scan3A_134 = arith.constant 10 : i32
    %scan3A_135 = arith.addi %scan3A_133, %scan3A_134 : i32
    %scan3A_136 = arith.constant 1 : i32
    %scan3A_137 = scf.for %scan3A_497 = %scan3A_133 to %scan3A_135 step %scan3A_136 iter_args(%scan3A_498 = %scan3A_132) -> (i32)  : i32 {
      %mul3A_499 = arith.constant 3 : i32
      %mul3A_500 = arith.muli %mul3A_499, %scan3A_497 : i32
      %add3A_501 = arith.constant 1 : i32
      %add3A_502 = arith.addi %add3A_501, %mul3A_500 : i32
      %add3A_503 = arith.constant 0 : i32
      %add3A_504 = arith.addi %add3A_502, %add3A_503 : i32
      %sub3A = arith.constant 1 : i32
      %sub3A_505 = arith.subi %add3A_504, %sub3A : i32
      %sub3A_506 = arith.constant 0 : i32
      %sub3A_507 = arith.subi %sub3A_505, %sub3A_506 : i32
      %dma_wait3A_508 = arith.constant 0 : i32
      %dma_wait3A_509 = tpu.memref_slice %arg7[%sub3A_507, %dma_wait3A_508] : memref<32x80xi32, #tpu.memory_space<vmem>> -> memref<1x80xi32, #tpu.memory_space<vmem>>
      %dma_wait3A_510 = tpu.memref_squeeze %dma_wait3A_509 : memref<1x80xi32, #tpu.memory_space<vmem>> -> memref<80xi32, #tpu.memory_space<vmem>>
      %dma_wait3A_511 = arith.constant 0 : i32
      %dma_wait3A_512 = arith.constant 0 : i32
      %dma_wait3A_513 = tpu.memref_slice %arg12[%dma_wait3A_511, %dma_wait3A_512] : memref<10240x128xf32, #tpu.memory_space<vmem_shared>> -> memref<10240x128xf32, #tpu.memory_space<vmem_shared>>
      tpu.wait_indirect_dma semaphore(%arg17 : memref<!tpu.dma_semaphore, #tpu.memory_space<semaphore_mem>>) src(%arg8 : memref<80x128xf32, #tpu.memory_space<vmem>>) dst(%dma_wait3A_513 : memref<10240x128xf32, #tpu.memory_space<vmem_shared>>)
      %sub3A_514 = arith.constant 0 : i32
      %sub3A_515 = arith.subi %sub3A_505, %sub3A_514 : i32
      %dma_wait3A_516 = arith.constant 0 : i32
      %dma_wait3A_517 = tpu.memref_slice %arg7[%sub3A_515, %dma_wait3A_516] : memref<32x80xi32, #tpu.memory_space<vmem>> -> memref<1x80xi32, #tpu.memory_space<vmem>>
      %dma_wait3A_518 = tpu.memref_squeeze %dma_wait3A_517 : memref<1x80xi32, #tpu.memory_space<vmem>> -> memref<80xi32, #tpu.memory_space<vmem>>
      %dma_wait3A_519 = arith.constant 0 : i32
      %dma_wait3A_520 = arith.constant 0 : i32
      %dma_wait3A_521 = tpu.memref_slice %arg13[%dma_wait3A_519, %dma_wait3A_520] : memref<10240x16xf32, #tpu.memory_space<vmem_shared>> -> memref<10240x16xf32, #tpu.memory_space<vmem_shared>>
      tpu.wait_indirect_dma semaphore(%arg20 : memref<!tpu.dma_semaphore, #tpu.memory_space<semaphore_mem>>) src(%arg11 : memref<80x16xf32, #tpu.memory_space<vmem>>) dst(%dma_wait3A_521 : memref<10240x16xf32, #tpu.memory_space<vmem_shared>>)
      %add3A_522 = arith.constant 2 : i32
      %add3A_523 = arith.addi %add3A_504, %add3A_522 : i32
      %lt3A = arith.constant 32 : i32
      %lt3A_524 = arith.cmpi slt, %add3A_523, %lt3A : i32
      %convert_element_type3A = arith.extui %lt3A_524 : i1 to i32
      %cond3A = arith.constant 0 : i32
      %cond3A_525 = arith.cmpi ne, %convert_element_type3A, %cond3A : i32
      scf.if %cond3A_525 {
        %add3A_661 = arith.constant 2 : i32
        %add3A_662 = arith.addi %add3A_504, %add3A_661 : i32
        %sub3A_663 = arith.constant 0 : i32
        %sub3A_664 = arith.subi %add3A_662, %sub3A_663 : i32
        %dma_start3A_665 = arith.constant 0 : i32
        %dma_start3A_666 = tpu.memref_slice %arg6[%sub3A_664, %dma_start3A_665] : memref<32x80xi32, #tpu.memory_space<vmem>> -> memref<1x80xi32, #tpu.memory_space<vmem>>
        %dma_start3A_667 = tpu.memref_squeeze %dma_start3A_666 : memref<1x80xi32, #tpu.memory_space<vmem>> -> memref<80xi32, #tpu.memory_space<vmem>>
        %dma_start3A_668 = arith.constant 0 : i32
        %dma_start3A_669 = arith.constant 0 : i32
        %dma_start3A_670 = tpu.memref_slice %arg2[%dma_start3A_668, %dma_start3A_669] : memref<10000x128xf32, #tpu.memory_space<hbm>> -> memref<10000x128xf32, #tpu.memory_space<hbm>>
        tpu.enqueue_indirect_dma source(%dma_start3A_670 : memref<10000x128xf32, #tpu.memory_space<hbm>>) target(%arg8 : memref<80x128xf32, #tpu.memory_space<vmem>>) offsets(%dma_start3A_667 : memref<80xi32, #tpu.memory_space<vmem>>) semaphore(%arg14 : memref<!tpu.dma_semaphore, #tpu.memory_space<semaphore_mem>>)
      } else {
      }
      %sub3A_526 = arith.constant 0 : i32
      %sub3A_527 = arith.subi %add3A_504, %sub3A_526 : i32
      %dma_wait3A_528 = arith.constant 0 : i32
      %dma_wait3A_529 = tpu.memref_slice %arg6[%sub3A_527, %dma_wait3A_528] : memref<32x80xi32, #tpu.memory_space<vmem>> -> memref<1x80xi32, #tpu.memory_space<vmem>>
      %dma_wait3A_530 = tpu.memref_squeeze %dma_wait3A_529 : memref<1x80xi32, #tpu.memory_space<vmem>> -> memref<80xi32, #tpu.memory_space<vmem>>
      %dma_wait3A_531 = arith.constant 0 : i32
      %dma_wait3A_532 = arith.constant 0 : i32
      %dma_wait3A_533 = tpu.memref_slice %arg2[%dma_wait3A_531, %dma_wait3A_532] : memref<10000x128xf32, #tpu.memory_space<hbm>> -> memref<10000x128xf32, #tpu.memory_space<hbm>>
      tpu.wait_indirect_dma semaphore(%arg15 : memref<!tpu.dma_semaphore, #tpu.memory_space<semaphore_mem>>) src(%dma_wait3A_533 : memref<10000x128xf32, #tpu.memory_space<hbm>>) dst(%arg9 : memref<80x128xf32, #tpu.memory_space<vmem>>)
      %sub3A_534 = arith.constant 0 : i32
      %sub3A_535 = arith.subi %add3A_504, %sub3A_534 : i32
      %dma_start3A_536 = arith.constant 0 : i32
      %dma_start3A_537 = tpu.memref_slice %arg7[%sub3A_535, %dma_start3A_536] : memref<32x80xi32, #tpu.memory_space<vmem>> -> memref<1x80xi32, #tpu.memory_space<vmem>>
      %dma_start3A_538 = tpu.memref_squeeze %dma_start3A_537 : memref<1x80xi32, #tpu.memory_space<vmem>> -> memref<80xi32, #tpu.memory_space<vmem>>
      %dma_start3A_539 = arith.constant 0 : i32
      %dma_start3A_540 = arith.constant 0 : i32
      %dma_start3A_541 = tpu.memref_slice %arg12[%dma_start3A_539, %dma_start3A_540] : memref<10240x128xf32, #tpu.memory_space<vmem_shared>> -> memref<10240x128xf32, #tpu.memory_space<vmem_shared>>
      tpu.enqueue_indirect_dma source(%arg9 : memref<80x128xf32, #tpu.memory_space<vmem>>) target(%dma_start3A_541 : memref<10240x128xf32, #tpu.memory_space<vmem_shared>>) offsets(%dma_start3A_538 : memref<80xi32, #tpu.memory_space<vmem>>) semaphore(%arg18 : memref<!tpu.dma_semaphore, #tpu.memory_space<semaphore_mem>>) {add = true}
      %sub3A_542 = arith.constant 0 : i32
      %sub3A_543 = arith.subi %add3A_504, %sub3A_542 : i32
      %dma_start3A_544 = arith.constant 0 : i32
      %dma_start3A_545 = tpu.memref_slice %arg7[%sub3A_543, %dma_start3A_544] : memref<32x80xi32, #tpu.memory_space<vmem>> -> memref<1x80xi32, #tpu.memory_space<vmem>>
      %dma_start3A_546 = tpu.memref_squeeze %dma_start3A_545 : memref<1x80xi32, #tpu.memory_space<vmem>> -> memref<80xi32, #tpu.memory_space<vmem>>
      %dma_start3A_547 = arith.constant 0 : i32
      %dma_start3A_548 = arith.constant 0 : i32
      %dma_start3A_549 = tpu.memref_slice %arg13[%dma_start3A_547, %dma_start3A_548] : memref<10240x16xf32, #tpu.memory_space<vmem_shared>> -> memref<10240x16xf32, #tpu.memory_space<vmem_shared>>
      tpu.enqueue_indirect_dma source(%arg11 : memref<80x16xf32, #tpu.memory_space<vmem>>) target(%dma_start3A_549 : memref<10240x16xf32, #tpu.memory_space<vmem_shared>>) offsets(%dma_start3A_546 : memref<80xi32, #tpu.memory_space<vmem>>) semaphore(%arg21 : memref<!tpu.dma_semaphore, #tpu.memory_space<semaphore_mem>>) {add = true}
      %mul3A_550 = arith.constant 3 : i32
      %mul3A_551 = arith.muli %mul3A_550, %scan3A_497 : i32
      %add3A_552 = arith.constant 1 : i32
      %add3A_553 = arith.addi %add3A_552, %mul3A_551 : i32
      %add3A_554 = arith.constant 1 : i32
      %add3A_555 = arith.addi %add3A_553, %add3A_554 : i32
      %sub3A_556 = arith.constant 1 : i32
      %sub3A_557 = arith.subi %add3A_555, %sub3A_556 : i32
      %sub3A_558 = arith.constant 0 : i32
      %sub3A_559 = arith.subi %sub3A_557, %sub3A_558 : i32
      %dma_wait3A_560 = arith.constant 0 : i32
      %dma_wait3A_561 = tpu.memref_slice %arg7[%sub3A_559, %dma_wait3A_560] : memref<32x80xi32, #tpu.memory_space<vmem>> -> memref<1x80xi32, #tpu.memory_space<vmem>>
      %dma_wait3A_562 = tpu.memref_squeeze %dma_wait3A_561 : memref<1x80xi32, #tpu.memory_space<vmem>> -> memref<80xi32, #tpu.memory_space<vmem>>
      %dma_wait3A_563 = arith.constant 0 : i32
      %dma_wait3A_564 = arith.constant 0 : i32
      %dma_wait3A_565 = tpu.memref_slice %arg12[%dma_wait3A_563, %dma_wait3A_564] : memref<10240x128xf32, #tpu.memory_space<vmem_shared>> -> memref<10240x128xf32, #tpu.memory_space<vmem_shared>>
      tpu.wait_indirect_dma semaphore(%arg18 : memref<!tpu.dma_semaphore, #tpu.memory_space<semaphore_mem>>) src(%arg9 : memref<80x128xf32, #tpu.memory_space<vmem>>) dst(%dma_wait3A_565 : memref<10240x128xf32, #tpu.memory_space<vmem_shared>>)
      %sub3A_566 = arith.constant 0 : i32
      %sub3A_567 = arith.subi %sub3A_557, %sub3A_566 : i32
      %dma_wait3A_568 = arith.constant 0 : i32
      %dma_wait3A_569 = tpu.memref_slice %arg7[%sub3A_567, %dma_wait3A_568] : memref<32x80xi32, #tpu.memory_space<vmem>> -> memref<1x80xi32, #tpu.memory_space<vmem>>
      %dma_wait3A_570 = tpu.memref_squeeze %dma_wait3A_569 : memref<1x80xi32, #tpu.memory_space<vmem>> -> memref<80xi32, #tpu.memory_space<vmem>>
      %dma_wait3A_571 = arith.constant 0 : i32
      %dma_wait3A_572 = arith.constant 0 : i32
      %dma_wait3A_573 = tpu.memref_slice %arg13[%dma_wait3A_571, %dma_wait3A_572] : memref<10240x16xf32, #tpu.memory_space<vmem_shared>> -> memref<10240x16xf32, #tpu.memory_space<vmem_shared>>
      tpu.wait_indirect_dma semaphore(%arg21 : memref<!tpu.dma_semaphore, #tpu.memory_space<semaphore_mem>>) src(%arg11 : memref<80x16xf32, #tpu.memory_space<vmem>>) dst(%dma_wait3A_573 : memref<10240x16xf32, #tpu.memory_space<vmem_shared>>)
      %add3A_574 = arith.constant 2 : i32
      %add3A_575 = arith.addi %add3A_555, %add3A_574 : i32
      %lt3A_576 = arith.constant 32 : i32
      %lt3A_577 = arith.cmpi slt, %add3A_575, %lt3A_576 : i32
      %convert_element_type3A_578 = arith.extui %lt3A_577 : i1 to i32
      %cond3A_579 = arith.constant 0 : i32
      %cond3A_580 = arith.cmpi ne, %convert_element_type3A_578, %cond3A_579 : i32
      scf.if %cond3A_580 {
        %add3A_661 = arith.constant 2 : i32
        %add3A_662 = arith.addi %add3A_555, %add3A_661 : i32
        %sub3A_663 = arith.constant 0 : i32
        %sub3A_664 = arith.subi %add3A_662, %sub3A_663 : i32
        %dma_start3A_665 = arith.constant 0 : i32
        %dma_start3A_666 = tpu.memref_slice %arg6[%sub3A_664, %dma_start3A_665] : memref<32x80xi32, #tpu.memory_space<vmem>> -> memref<1x80xi32, #tpu.memory_space<vmem>>
        %dma_start3A_667 = tpu.memref_squeeze %dma_start3A_666 : memref<1x80xi32, #tpu.memory_space<vmem>> -> memref<80xi32, #tpu.memory_space<vmem>>
        %dma_start3A_668 = arith.constant 0 : i32
        %dma_start3A_669 = arith.constant 0 : i32
        %dma_start3A_670 = tpu.memref_slice %arg2[%dma_start3A_668, %dma_start3A_669] : memref<10000x128xf32, #tpu.memory_space<hbm>> -> memref<10000x128xf32, #tpu.memory_space<hbm>>
        tpu.enqueue_indirect_dma source(%dma_start3A_670 : memref<10000x128xf32, #tpu.memory_space<hbm>>) target(%arg9 : memref<80x128xf32, #tpu.memory_space<vmem>>) offsets(%dma_start3A_667 : memref<80xi32, #tpu.memory_space<vmem>>) semaphore(%arg15 : memref<!tpu.dma_semaphore, #tpu.memory_space<semaphore_mem>>)
      } else {
      }
      %sub3A_581 = arith.constant 0 : i32
      %sub3A_582 = arith.subi %add3A_555, %sub3A_581 : i32
      %dma_wait3A_583 = arith.constant 0 : i32
      %dma_wait3A_584 = tpu.memref_slice %arg6[%sub3A_582, %dma_wait3A_583] : memref<32x80xi32, #tpu.memory_space<vmem>> -> memref<1x80xi32, #tpu.memory_space<vmem>>
      %dma_wait3A_585 = tpu.memref_squeeze %dma_wait3A_584 : memref<1x80xi32, #tpu.memory_space<vmem>> -> memref<80xi32, #tpu.memory_space<vmem>>
      %dma_wait3A_586 = arith.constant 0 : i32
      %dma_wait3A_587 = arith.constant 0 : i32
      %dma_wait3A_588 = tpu.memref_slice %arg2[%dma_wait3A_586, %dma_wait3A_587] : memref<10000x128xf32, #tpu.memory_space<hbm>> -> memref<10000x128xf32, #tpu.memory_space<hbm>>
      tpu.wait_indirect_dma semaphore(%arg16 : memref<!tpu.dma_semaphore, #tpu.memory_space<semaphore_mem>>) src(%dma_wait3A_588 : memref<10000x128xf32, #tpu.memory_space<hbm>>) dst(%arg10 : memref<80x128xf32, #tpu.memory_space<vmem>>)
      %sub3A_589 = arith.constant 0 : i32
      %sub3A_590 = arith.subi %add3A_555, %sub3A_589 : i32
      %dma_start3A_591 = arith.constant 0 : i32
      %dma_start3A_592 = tpu.memref_slice %arg7[%sub3A_590, %dma_start3A_591] : memref<32x80xi32, #tpu.memory_space<vmem>> -> memref<1x80xi32, #tpu.memory_space<vmem>>
      %dma_start3A_593 = tpu.memref_squeeze %dma_start3A_592 : memref<1x80xi32, #tpu.memory_space<vmem>> -> memref<80xi32, #tpu.memory_space<vmem>>
      %dma_start3A_594 = arith.constant 0 : i32
      %dma_start3A_595 = arith.constant 0 : i32
      %dma_start3A_596 = tpu.memref_slice %arg12[%dma_start3A_594, %dma_start3A_595] : memref<10240x128xf32, #tpu.memory_space<vmem_shared>> -> memref<10240x128xf32, #tpu.memory_space<vmem_shared>>
      tpu.enqueue_indirect_dma source(%arg10 : memref<80x128xf32, #tpu.memory_space<vmem>>) target(%dma_start3A_596 : memref<10240x128xf32, #tpu.memory_space<vmem_shared>>) offsets(%dma_start3A_593 : memref<80xi32, #tpu.memory_space<vmem>>) semaphore(%arg19 : memref<!tpu.dma_semaphore, #tpu.memory_space<semaphore_mem>>) {add = true}
      %sub3A_597 = arith.constant 0 : i32
      %sub3A_598 = arith.subi %add3A_555, %sub3A_597 : i32
      %dma_start3A_599 = arith.constant 0 : i32
      %dma_start3A_600 = tpu.memref_slice %arg7[%sub3A_598, %dma_start3A_599] : memref<32x80xi32, #tpu.memory_space<vmem>> -> memref<1x80xi32, #tpu.memory_space<vmem>>
      %dma_start3A_601 = tpu.memref_squeeze %dma_start3A_600 : memref<1x80xi32, #tpu.memory_space<vmem>> -> memref<80xi32, #tpu.memory_space<vmem>>
      %dma_start3A_602 = arith.constant 0 : i32
      %dma_start3A_603 = arith.constant 0 : i32
      %dma_start3A_604 = tpu.memref_slice %arg13[%dma_start3A_602, %dma_start3A_603] : memref<10240x16xf32, #tpu.memory_space<vmem_shared>> -> memref<10240x16xf32, #tpu.memory_space<vmem_shared>>
      tpu.enqueue_indirect_dma source(%arg11 : memref<80x16xf32, #tpu.memory_space<vmem>>) target(%dma_start3A_604 : memref<10240x16xf32, #tpu.memory_space<vmem_shared>>) offsets(%dma_start3A_601 : memref<80xi32, #tpu.memory_space<vmem>>) semaphore(%arg22 : memref<!tpu.dma_semaphore, #tpu.memory_space<semaphore_mem>>) {add = true}
      %mul3A_605 = arith.constant 3 : i32
      %mul3A_606 = arith.muli %mul3A_605, %scan3A_497 : i32
      %add3A_607 = arith.constant 1 : i32
      %add3A_608 = arith.addi %add3A_607, %mul3A_606 : i32
      %add3A_609 = arith.constant 2 : i32
      %add3A_610 = arith.addi %add3A_608, %add3A_609 : i32
      %sub3A_611 = arith.constant 1 : i32
      %sub3A_612 = arith.subi %add3A_610, %sub3A_611 : i32
      %sub3A_613 = arith.constant 0 : i32
      %sub3A_614 = arith.subi %sub3A_612, %sub3A_613 : i32
      %dma_wait3A_615 = arith.constant 0 : i32
      %dma_wait3A_616 = tpu.memref_slice %arg7[%sub3A_614, %dma_wait3A_615] : memref<32x80xi32, #tpu.memory_space<vmem>> -> memref<1x80xi32, #tpu.memory_space<vmem>>
      %dma_wait3A_617 = tpu.memref_squeeze %dma_wait3A_616 : memref<1x80xi32, #tpu.memory_space<vmem>> -> memref<80xi32, #tpu.memory_space<vmem>>
      %dma_wait3A_618 = arith.constant 0 : i32
      %dma_wait3A_619 = arith.constant 0 : i32
      %dma_wait3A_620 = tpu.memref_slice %arg12[%dma_wait3A_618, %dma_wait3A_619] : memref<10240x128xf32, #tpu.memory_space<vmem_shared>> -> memref<10240x128xf32, #tpu.memory_space<vmem_shared>>
      tpu.wait_indirect_dma semaphore(%arg19 : memref<!tpu.dma_semaphore, #tpu.memory_space<semaphore_mem>>) src(%arg10 : memref<80x128xf32, #tpu.memory_space<vmem>>) dst(%dma_wait3A_620 : memref<10240x128xf32, #tpu.memory_space<vmem_shared>>)
      %sub3A_621 = arith.constant 0 : i32
      %sub3A_622 = arith.subi %sub3A_612, %sub3A_621 : i32
      %dma_wait3A_623 = arith.constant 0 : i32
      %dma_wait3A_624 = tpu.memref_slice %arg7[%sub3A_622, %dma_wait3A_623] : memref<32x80xi32, #tpu.memory_space<vmem>> -> memref<1x80xi32, #tpu.memory_space<vmem>>
      %dma_wait3A_625 = tpu.memref_squeeze %dma_wait3A_624 : memref<1x80xi32, #tpu.memory_space<vmem>> -> memref<80xi32, #tpu.memory_space<vmem>>
      %dma_wait3A_626 = arith.constant 0 : i32
      %dma_wait3A_627 = arith.constant 0 : i32
      %dma_wait3A_628 = tpu.memref_slice %arg13[%dma_wait3A_626, %dma_wait3A_627] : memref<10240x16xf32, #tpu.memory_space<vmem_shared>> -> memref<10240x16xf32, #tpu.memory_space<vmem_shared>>
      tpu.wait_indirect_dma semaphore(%arg22 : memref<!tpu.dma_semaphore, #tpu.memory_space<semaphore_mem>>) src(%arg11 : memref<80x16xf32, #tpu.memory_space<vmem>>) dst(%dma_wait3A_628 : memref<10240x16xf32, #tpu.memory_space<vmem_shared>>)
      %add3A_629 = arith.constant 2 : i32
      %add3A_630 = arith.addi %add3A_610, %add3A_629 : i32
      %lt3A_631 = arith.constant 32 : i32
      %lt3A_632 = arith.cmpi slt, %add3A_630, %lt3A_631 : i32
      %convert_element_type3A_633 = arith.extui %lt3A_632 : i1 to i32
      %cond3A_634 = arith.constant 0 : i32
      %cond3A_635 = arith.cmpi ne, %convert_element_type3A_633, %cond3A_634 : i32
      scf.if %cond3A_635 {
        %add3A_661 = arith.constant 2 : i32
        %add3A_662 = arith.addi %add3A_610, %add3A_661 : i32
        %sub3A_663 = arith.constant 0 : i32
        %sub3A_664 = arith.subi %add3A_662, %sub3A_663 : i32
        %dma_start3A_665 = arith.constant 0 : i32
        %dma_start3A_666 = tpu.memref_slice %arg6[%sub3A_664, %dma_start3A_665] : memref<32x80xi32, #tpu.memory_space<vmem>> -> memref<1x80xi32, #tpu.memory_space<vmem>>
        %dma_start3A_667 = tpu.memref_squeeze %dma_start3A_666 : memref<1x80xi32, #tpu.memory_space<vmem>> -> memref<80xi32, #tpu.memory_space<vmem>>
        %dma_start3A_668 = arith.constant 0 : i32
        %dma_start3A_669 = arith.constant 0 : i32
        %dma_start3A_670 = tpu.memref_slice %arg2[%dma_start3A_668, %dma_start3A_669] : memref<10000x128xf32, #tpu.memory_space<hbm>> -> memref<10000x128xf32, #tpu.memory_space<hbm>>
        tpu.enqueue_indirect_dma source(%dma_start3A_670 : memref<10000x128xf32, #tpu.memory_space<hbm>>) target(%arg10 : memref<80x128xf32, #tpu.memory_space<vmem>>) offsets(%dma_start3A_667 : memref<80xi32, #tpu.memory_space<vmem>>) semaphore(%arg16 : memref<!tpu.dma_semaphore, #tpu.memory_space<semaphore_mem>>)
      } else {
      }
      %sub3A_636 = arith.constant 0 : i32
      %sub3A_637 = arith.subi %add3A_610, %sub3A_636 : i32
      %dma_wait3A_638 = arith.constant 0 : i32
      %dma_wait3A_639 = tpu.memref_slice %arg6[%sub3A_637, %dma_wait3A_638] : memref<32x80xi32, #tpu.memory_space<vmem>> -> memref<1x80xi32, #tpu.memory_space<vmem>>
      %dma_wait3A_640 = tpu.memref_squeeze %dma_wait3A_639 : memref<1x80xi32, #tpu.memory_space<vmem>> -> memref<80xi32, #tpu.memory_space<vmem>>
      %dma_wait3A_641 = arith.constant 0 : i32
      %dma_wait3A_642 = arith.constant 0 : i32
      %dma_wait3A_643 = tpu.memref_slice %arg2[%dma_wait3A_641, %dma_wait3A_642] : memref<10000x128xf32, #tpu.memory_space<hbm>> -> memref<10000x128xf32, #tpu.memory_space<hbm>>
      tpu.wait_indirect_dma semaphore(%arg14 : memref<!tpu.dma_semaphore, #tpu.memory_space<semaphore_mem>>) src(%dma_wait3A_643 : memref<10000x128xf32, #tpu.memory_space<hbm>>) dst(%arg8 : memref<80x128xf32, #tpu.memory_space<vmem>>)
      %sub3A_644 = arith.constant 0 : i32
      %sub3A_645 = arith.subi %add3A_610, %sub3A_644 : i32
      %dma_start3A_646 = arith.constant 0 : i32
      %dma_start3A_647 = tpu.memref_slice %arg7[%sub3A_645, %dma_start3A_646] : memref<32x80xi32, #tpu.memory_space<vmem>> -> memref<1x80xi32, #tpu.memory_space<vmem>>
      %dma_start3A_648 = tpu.memref_squeeze %dma_start3A_647 : memref<1x80xi32, #tpu.memory_space<vmem>> -> memref<80xi32, #tpu.memory_space<vmem>>
      %dma_start3A_649 = arith.constant 0 : i32
      %dma_start3A_650 = arith.constant 0 : i32
      %dma_start3A_651 = tpu.memref_slice %arg12[%dma_start3A_649, %dma_start3A_650] : memref<10240x128xf32, #tpu.memory_space<vmem_shared>> -> memref<10240x128xf32, #tpu.memory_space<vmem_shared>>
      tpu.enqueue_indirect_dma source(%arg8 : memref<80x128xf32, #tpu.memory_space<vmem>>) target(%dma_start3A_651 : memref<10240x128xf32, #tpu.memory_space<vmem_shared>>) offsets(%dma_start3A_648 : memref<80xi32, #tpu.memory_space<vmem>>) semaphore(%arg17 : memref<!tpu.dma_semaphore, #tpu.memory_space<semaphore_mem>>) {add = true}
      %sub3A_652 = arith.constant 0 : i32
      %sub3A_653 = arith.subi %add3A_610, %sub3A_652 : i32
      %dma_start3A_654 = arith.constant 0 : i32
      %dma_start3A_655 = tpu.memref_slice %arg7[%sub3A_653, %dma_start3A_654] : memref<32x80xi32, #tpu.memory_space<vmem>> -> memref<1x80xi32, #tpu.memory_space<vmem>>
      %dma_start3A_656 = tpu.memref_squeeze %dma_start3A_655 : memref<1x80xi32, #tpu.memory_space<vmem>> -> memref<80xi32, #tpu.memory_space<vmem>>
      %dma_start3A_657 = arith.constant 0 : i32
      %dma_start3A_658 = arith.constant 0 : i32
      %dma_start3A_659 = tpu.memref_slice %arg13[%dma_start3A_657, %dma_start3A_658] : memref<10240x16xf32, #tpu.memory_space<vmem_shared>> -> memref<10240x16xf32, #tpu.memory_space<vmem_shared>>
      tpu.enqueue_indirect_dma source(%arg11 : memref<80x16xf32, #tpu.memory_space<vmem>>) target(%dma_start3A_659 : memref<10240x16xf32, #tpu.memory_space<vmem_shared>>) offsets(%dma_start3A_656 : memref<80xi32, #tpu.memory_space<vmem>>) semaphore(%arg20 : memref<!tpu.dma_semaphore, #tpu.memory_space<semaphore_mem>>) {add = true}
      %scan3A_660 = arith.constant 0 : i32
      scf.yield %scan3A_660 : i32
    }
    %scan3A_138 = arith.constant 10 : i32
    %dma_wait3A_139 = arith.constant 30 : i32
    %dma_wait3A_140 = arith.constant 0 : i32
    %dma_wait3A_141 = tpu.memref_slice %arg7[%dma_wait3A_139, %dma_wait3A_140] : memref<32x80xi32, #tpu.memory_space<vmem>> -> memref<1x80xi32, #tpu.memory_space<vmem>>
    %dma_wait3A_142 = tpu.memref_squeeze %dma_wait3A_141 : memref<1x80xi32, #tpu.memory_space<vmem>> -> memref<80xi32, #tpu.memory_space<vmem>>
    %dma_wait3A_143 = arith.constant 0 : i32
    %dma_wait3A_144 = arith.constant 0 : i32
    %dma_wait3A_145 = tpu.memref_slice %arg12[%dma_wait3A_143, %dma_wait3A_144] : memref<10240x128xf32, #tpu.memory_space<vmem_shared>> -> memref<10240x128xf32, #tpu.memory_space<vmem_shared>>
    tpu.wait_indirect_dma semaphore(%arg17 : memref<!tpu.dma_semaphore, #tpu.memory_space<semaphore_mem>>) src(%arg8 : memref<80x128xf32, #tpu.memory_space<vmem>>) dst(%dma_wait3A_145 : memref<10240x128xf32, #tpu.memory_space<vmem_shared>>)
    %dma_wait3A_146 = arith.constant 30 : i32
    %dma_wait3A_147 = arith.constant 0 : i32
    %dma_wait3A_148 = tpu.memref_slice %arg7[%dma_wait3A_146, %dma_wait3A_147] : memref<32x80xi32, #tpu.memory_space<vmem>> -> memref<1x80xi32, #tpu.memory_space<vmem>>
    %dma_wait3A_149 = tpu.memref_squeeze %dma_wait3A_148 : memref<1x80xi32, #tpu.memory_space<vmem>> -> memref<80xi32, #tpu.memory_space<vmem>>
    %dma_wait3A_150 = arith.constant 0 : i32
    %dma_wait3A_151 = arith.constant 0 : i32
    %dma_wait3A_152 = tpu.memref_slice %arg13[%dma_wait3A_150, %dma_wait3A_151] : memref<10240x16xf32, #tpu.memory_space<vmem_shared>> -> memref<10240x16xf32, #tpu.memory_space<vmem_shared>>
    tpu.wait_indirect_dma semaphore(%arg20 : memref<!tpu.dma_semaphore, #tpu.memory_space<semaphore_mem>>) src(%arg11 : memref<80x16xf32, #tpu.memory_space<vmem>>) dst(%dma_wait3A_152 : memref<10240x16xf32, #tpu.memory_space<vmem_shared>>)
    %dma_wait3A_153 = arith.constant 31 : i32
    %dma_wait3A_154 = arith.constant 0 : i32
    %dma_wait3A_155 = tpu.memref_slice %arg6[%dma_wait3A_153, %dma_wait3A_154] : memref<32x80xi32, #tpu.memory_space<vmem>> -> memref<1x80xi32, #tpu.memory_space<vmem>>
    %dma_wait3A_156 = tpu.memref_squeeze %dma_wait3A_155 : memref<1x80xi32, #tpu.memory_space<vmem>> -> memref<80xi32, #tpu.memory_space<vmem>>
    %dma_wait3A_157 = arith.constant 0 : i32
    %dma_wait3A_158 = arith.constant 0 : i32
    %dma_wait3A_159 = tpu.memref_slice %arg2[%dma_wait3A_157, %dma_wait3A_158] : memref<10000x128xf32, #tpu.memory_space<hbm>> -> memref<10000x128xf32, #tpu.memory_space<hbm>>
    tpu.wait_indirect_dma semaphore(%arg15 : memref<!tpu.dma_semaphore, #tpu.memory_space<semaphore_mem>>) src(%dma_wait3A_159 : memref<10000x128xf32, #tpu.memory_space<hbm>>) dst(%arg9 : memref<80x128xf32, #tpu.memory_space<vmem>>)
    %dma_start3A_160 = arith.constant 31 : i32
    %dma_start3A_161 = arith.constant 0 : i32
    %dma_start3A_162 = tpu.memref_slice %arg7[%dma_start3A_160, %dma_start3A_161] : memref<32x80xi32, #tpu.memory_space<vmem>> -> memref<1x80xi32, #tpu.memory_space<vmem>>
    %dma_start3A_163 = tpu.memref_squeeze %dma_start3A_162 : memref<1x80xi32, #tpu.memory_space<vmem>> -> memref<80xi32, #tpu.memory_space<vmem>>
    %dma_start3A_164 = arith.constant 0 : i32
    %dma_start3A_165 = arith.constant 0 : i32
    %dma_start3A_166 = tpu.memref_slice %arg12[%dma_start3A_164, %dma_start3A_165] : memref<10240x128xf32, #tpu.memory_space<vmem_shared>> -> memref<10240x128xf32, #tpu.memory_space<vmem_shared>>
    tpu.enqueue_indirect_dma source(%arg9 : memref<80x128xf32, #tpu.memory_space<vmem>>) target(%dma_start3A_166 : memref<10240x128xf32, #tpu.memory_space<vmem_shared>>) offsets(%dma_start3A_163 : memref<80xi32, #tpu.memory_space<vmem>>) semaphore(%arg18 : memref<!tpu.dma_semaphore, #tpu.memory_space<semaphore_mem>>) {add = true}
    %dma_start3A_167 = arith.constant 31 : i32
    %dma_start3A_168 = arith.constant 0 : i32
    %dma_start3A_169 = tpu.memref_slice %arg7[%dma_start3A_167, %dma_start3A_168] : memref<32x80xi32, #tpu.memory_space<vmem>> -> memref<1x80xi32, #tpu.memory_space<vmem>>
    %dma_start3A_170 = tpu.memref_squeeze %dma_start3A_169 : memref<1x80xi32, #tpu.memory_space<vmem>> -> memref<80xi32, #tpu.memory_space<vmem>>
    %dma_start3A_171 = arith.constant 0 : i32
    %dma_start3A_172 = arith.constant 0 : i32
    %dma_start3A_173 = tpu.memref_slice %arg13[%dma_start3A_171, %dma_start3A_172] : memref<10240x16xf32, #tpu.memory_space<vmem_shared>> -> memref<10240x16xf32, #tpu.memory_space<vmem_shared>>
    tpu.enqueue_indirect_dma source(%arg11 : memref<80x16xf32, #tpu.memory_space<vmem>>) target(%dma_start3A_173 : memref<10240x16xf32, #tpu.memory_space<vmem_shared>>) offsets(%dma_start3A_170 : memref<80xi32, #tpu.memory_space<vmem>>) semaphore(%arg21 : memref<!tpu.dma_semaphore, #tpu.memory_space<semaphore_mem>>) {add = true}
    %dma_wait3A_174 = arith.constant 31 : i32
    %dma_wait3A_175 = arith.constant 0 : i32
    %dma_wait3A_176 = tpu.memref_slice %arg7[%dma_wait3A_174, %dma_wait3A_175] : memref<32x80xi32, #tpu.memory_space<vmem>> -> memref<1x80xi32, #tpu.memory_space<vmem>>
    %dma_wait3A_177 = tpu.memref_squeeze %dma_wait3A_176 : memref<1x80xi32, #tpu.memory_space<vmem>> -> memref<80xi32, #tpu.memory_space<vmem>>
    %dma_wait3A_178 = arith.constant 0 : i32
    %dma_wait3A_179 = arith.constant 0 : i32
    %dma_wait3A_180 = tpu.memref_slice %arg12[%dma_wait3A_178, %dma_wait3A_179] : memref<10240x128xf32, #tpu.memory_space<vmem_shared>> -> memref<10240x128xf32, #tpu.memory_space<vmem_shared>>
    tpu.wait_indirect_dma semaphore(%arg18 : memref<!tpu.dma_semaphore, #tpu.memory_space<semaphore_mem>>) src(%arg9 : memref<80x128xf32, #tpu.memory_space<vmem>>) dst(%dma_wait3A_180 : memref<10240x128xf32, #tpu.memory_space<vmem_shared>>)
    %dma_wait3A_181 = arith.constant 31 : i32
    %dma_wait3A_182 = arith.constant 0 : i32
    %dma_wait3A_183 = tpu.memref_slice %arg7[%dma_wait3A_181, %dma_wait3A_182] : memref<32x80xi32, #tpu.memory_space<vmem>> -> memref<1x80xi32, #tpu.memory_space<vmem>>
    %dma_wait3A_184 = tpu.memref_squeeze %dma_wait3A_183 : memref<1x80xi32, #tpu.memory_space<vmem>> -> memref<80xi32, #tpu.memory_space<vmem>>
    %dma_wait3A_185 = arith.constant 0 : i32
    %dma_wait3A_186 = arith.constant 0 : i32
    %dma_wait3A_187 = tpu.memref_slice %arg13[%dma_wait3A_185, %dma_wait3A_186] : memref<10240x16xf32, #tpu.memory_space<vmem_shared>> -> memref<10240x16xf32, #tpu.memory_space<vmem_shared>>
    tpu.wait_indirect_dma semaphore(%arg21 : memref<!tpu.dma_semaphore, #tpu.memory_space<semaphore_mem>>) src(%arg11 : memref<80x16xf32, #tpu.memory_space<vmem>>) dst(%dma_wait3A_187 : memref<10240x16xf32, #tpu.memory_space<vmem_shared>>)
    %run_scoped3A_188 = arith.constant 0 : i32
    "tpu.region"() ({
      %run_scoped3A_497 = tpu.sem_alloc : memref<!tpu.dma_semaphore, #tpu.memory_space<semaphore_mem>>
      %dma_start3A_498 = arith.constant 0 : i32
      %dma_start3A_499 = arith.constant 0 : i32
      %dma_start3A_500 = arith.constant 0 : i32
      %dma_start3A_501 = tpu.memref_slice %arg3[%run_scoped3A_188, %dma_start3A_498, %dma_start3A_499, %dma_start3A_500] : memref<2x32x125x80xi32, #tpu.memory_space<hbm>> -> memref<1x32x125x80xi32, #tpu.memory_space<hbm>>
      %dma_start3A_502 = tpu.memref_squeeze %dma_start3A_501 : memref<1x32x125x80xi32, #tpu.memory_space<hbm>> -> memref<32x125x80xi32, #tpu.memory_space<hbm>>
      %dma_start3A_503 = arith.constant 0 : i32
      %dma_start3A_504 = arith.constant 0 : i32
      %dma_start3A_505 = tpu.memref_slice %dma_start3A_502[%add3A, %dma_start3A_503, %dma_start3A_504] : memref<32x125x80xi32, #tpu.memory_space<hbm>> -> memref<1x125x80xi32, #tpu.memory_space<hbm>>
      %dma_start3A_506 = tpu.memref_squeeze %dma_start3A_505 : memref<1x125x80xi32, #tpu.memory_space<hbm>> -> memref<125x80xi32, #tpu.memory_space<hbm>>
      %dma_start3A_507 = arith.constant 32 : i32
      %dma_start3A_508 = arith.constant 0 : i32
      %dma_start3A_509 = tpu.memref_slice %dma_start3A_506[%dma_start3A_507, %dma_start3A_508] : memref<125x80xi32, #tpu.memory_space<hbm>> -> memref<32x80xi32, #tpu.memory_space<hbm>>
      %dma_start3A_510 = arith.constant 0 : i32
      %dma_start3A_511 = arith.constant 0 : i32
      %dma_start3A_512 = arith.constant 0 : i32
      %dma_start3A_513 = tpu.memref_slice %arg3[%run_scoped3A_188, %dma_start3A_510, %dma_start3A_511, %dma_start3A_512] : memref<2x32x125x80xi32, #tpu.memory_space<hbm>> -> memref<1x32x125x80xi32, #tpu.memory_space<hbm>>
      %dma_start3A_514 = tpu.memref_squeeze %dma_start3A_513 : memref<1x32x125x80xi32, #tpu.memory_space<hbm>> -> memref<32x125x80xi32, #tpu.memory_space<hbm>>
      %dma_start3A_515 = arith.constant 0 : i32
      %dma_start3A_516 = arith.constant 0 : i32
      %dma_start3A_517 = tpu.memref_slice %dma_start3A_514[%add3A, %dma_start3A_515, %dma_start3A_516] : memref<32x125x80xi32, #tpu.memory_space<hbm>> -> memref<1x125x80xi32, #tpu.memory_space<hbm>>
      %dma_start3A_518 = tpu.memref_squeeze %dma_start3A_517 : memref<1x125x80xi32, #tpu.memory_space<hbm>> -> memref<125x80xi32, #tpu.memory_space<hbm>>
      %dma_start3A_519 = arith.constant 32 : i32
      %dma_start3A_520 = arith.constant 0 : i32
      %dma_start3A_521 = tpu.memref_slice %dma_start3A_518[%dma_start3A_519, %dma_start3A_520] : memref<125x80xi32, #tpu.memory_space<hbm>> -> memref<32x80xi32, #tpu.memory_space<hbm>>
      tpu.enqueue_dma source(%dma_start3A_521 : memref<32x80xi32, #tpu.memory_space<hbm>>) target(%arg6 : memref<32x80xi32, #tpu.memory_space<vmem>>) target_semaphore(%run_scoped3A_497 : memref<!tpu.dma_semaphore, #tpu.memory_space<semaphore_mem>>)
      %dma_wait3A_522 = arith.constant 0 : i32
      %dma_wait3A_523 = arith.constant 0 : i32
      %dma_wait3A_524 = arith.constant 0 : i32
      %dma_wait3A_525 = tpu.memref_slice %arg3[%run_scoped3A_188, %dma_wait3A_522, %dma_wait3A_523, %dma_wait3A_524] : memref<2x32x125x80xi32, #tpu.memory_space<hbm>> -> memref<1x32x125x80xi32, #tpu.memory_space<hbm>>
      %dma_wait3A_526 = tpu.memref_squeeze %dma_wait3A_525 : memref<1x32x125x80xi32, #tpu.memory_space<hbm>> -> memref<32x125x80xi32, #tpu.memory_space<hbm>>
      %dma_wait3A_527 = arith.constant 0 : i32
      %dma_wait3A_528 = arith.constant 0 : i32
      %dma_wait3A_529 = tpu.memref_slice %dma_wait3A_526[%add3A, %dma_wait3A_527, %dma_wait3A_528] : memref<32x125x80xi32, #tpu.memory_space<hbm>> -> memref<1x125x80xi32, #tpu.memory_space<hbm>>
      %dma_wait3A_530 = tpu.memref_squeeze %dma_wait3A_529 : memref<1x125x80xi32, #tpu.memory_space<hbm>> -> memref<125x80xi32, #tpu.memory_space<hbm>>
      %dma_wait3A_531 = arith.constant 32 : i32
      %dma_wait3A_532 = arith.constant 0 : i32
      %dma_wait3A_533 = tpu.memref_slice %dma_wait3A_530[%dma_wait3A_531, %dma_wait3A_532] : memref<125x80xi32, #tpu.memory_space<hbm>> -> memref<32x80xi32, #tpu.memory_space<hbm>>
      %dma_wait3A_534 = arith.constant 0 : i32
      %dma_wait3A_535 = arith.constant 0 : i32
      %dma_wait3A_536 = arith.constant 0 : i32
      %dma_wait3A_537 = tpu.memref_slice %arg3[%run_scoped3A_188, %dma_wait3A_534, %dma_wait3A_535, %dma_wait3A_536] : memref<2x32x125x80xi32, #tpu.memory_space<hbm>> -> memref<1x32x125x80xi32, #tpu.memory_space<hbm>>
      %dma_wait3A_538 = tpu.memref_squeeze %dma_wait3A_537 : memref<1x32x125x80xi32, #tpu.memory_space<hbm>> -> memref<32x125x80xi32, #tpu.memory_space<hbm>>
      %dma_wait3A_539 = arith.constant 0 : i32
      %dma_wait3A_540 = arith.constant 0 : i32
      %dma_wait3A_541 = tpu.memref_slice %dma_wait3A_538[%add3A, %dma_wait3A_539, %dma_wait3A_540] : memref<32x125x80xi32, #tpu.memory_space<hbm>> -> memref<1x125x80xi32, #tpu.memory_space<hbm>>
      %dma_wait3A_542 = tpu.memref_squeeze %dma_wait3A_541 : memref<1x125x80xi32, #tpu.memory_space<hbm>> -> memref<125x80xi32, #tpu.memory_space<hbm>>
      %dma_wait3A_543 = arith.constant 32 : i32
      %dma_wait3A_544 = arith.constant 0 : i32
      %dma_wait3A_545 = tpu.memref_slice %dma_wait3A_542[%dma_wait3A_543, %dma_wait3A_544] : memref<125x80xi32, #tpu.memory_space<hbm>> -> memref<32x80xi32, #tpu.memory_space<hbm>>
      tpu.wait_dma2 semaphore(%run_scoped3A_497 : memref<!tpu.dma_semaphore, #tpu.memory_space<semaphore_mem>>) src(%dma_wait3A_545 : memref<32x80xi32, #tpu.memory_space<hbm>>) dst(%arg6 : memref<32x80xi32, #tpu.memory_space<vmem>>)
      tpu.yield
    }) : () -> ()
    %run_scoped3A_189 = arith.constant 1 : i32
    "tpu.region"() ({
      %run_scoped3A_497 = tpu.sem_alloc : memref<!tpu.dma_semaphore, #tpu.memory_space<semaphore_mem>>
      %dma_start3A_498 = arith.constant 0 : i32
      %dma_start3A_499 = arith.constant 0 : i32
      %dma_start3A_500 = arith.constant 0 : i32
      %dma_start3A_501 = tpu.memref_slice %arg3[%run_scoped3A_189, %dma_start3A_498, %dma_start3A_499, %dma_start3A_500] : memref<2x32x125x80xi32, #tpu.memory_space<hbm>> -> memref<1x32x125x80xi32, #tpu.memory_space<hbm>>
      %dma_start3A_502 = tpu.memref_squeeze %dma_start3A_501 : memref<1x32x125x80xi32, #tpu.memory_space<hbm>> -> memref<32x125x80xi32, #tpu.memory_space<hbm>>
      %dma_start3A_503 = arith.constant 0 : i32
      %dma_start3A_504 = arith.constant 0 : i32
      %dma_start3A_505 = tpu.memref_slice %dma_start3A_502[%add3A, %dma_start3A_503, %dma_start3A_504] : memref<32x125x80xi32, #tpu.memory_space<hbm>> -> memref<1x125x80xi32, #tpu.memory_space<hbm>>
      %dma_start3A_506 = tpu.memref_squeeze %dma_start3A_505 : memref<1x125x80xi32, #tpu.memory_space<hbm>> -> memref<125x80xi32, #tpu.memory_space<hbm>>
      %dma_start3A_507 = arith.constant 32 : i32
      %dma_start3A_508 = arith.constant 0 : i32
      %dma_start3A_509 = tpu.memref_slice %dma_start3A_506[%dma_start3A_507, %dma_start3A_508] : memref<125x80xi32, #tpu.memory_space<hbm>> -> memref<32x80xi32, #tpu.memory_space<hbm>>
      %dma_start3A_510 = arith.constant 0 : i32
      %dma_start3A_511 = arith.constant 0 : i32
      %dma_start3A_512 = arith.constant 0 : i32
      %dma_start3A_513 = tpu.memref_slice %arg3[%run_scoped3A_189, %dma_start3A_510, %dma_start3A_511, %dma_start3A_512] : memref<2x32x125x80xi32, #tpu.memory_space<hbm>> -> memref<1x32x125x80xi32, #tpu.memory_space<hbm>>
      %dma_start3A_514 = tpu.memref_squeeze %dma_start3A_513 : memref<1x32x125x80xi32, #tpu.memory_space<hbm>> -> memref<32x125x80xi32, #tpu.memory_space<hbm>>
      %dma_start3A_515 = arith.constant 0 : i32
      %dma_start3A_516 = arith.constant 0 : i32
      %dma_start3A_517 = tpu.memref_slice %dma_start3A_514[%add3A, %dma_start3A_515, %dma_start3A_516] : memref<32x125x80xi32, #tpu.memory_space<hbm>> -> memref<1x125x80xi32, #tpu.memory_space<hbm>>
      %dma_start3A_518 = tpu.memref_squeeze %dma_start3A_517 : memref<1x125x80xi32, #tpu.memory_space<hbm>> -> memref<125x80xi32, #tpu.memory_space<hbm>>
      %dma_start3A_519 = arith.constant 32 : i32
      %dma_start3A_520 = arith.constant 0 : i32
      %dma_start3A_521 = tpu.memref_slice %dma_start3A_518[%dma_start3A_519, %dma_start3A_520] : memref<125x80xi32, #tpu.memory_space<hbm>> -> memref<32x80xi32, #tpu.memory_space<hbm>>
      tpu.enqueue_dma source(%dma_start3A_521 : memref<32x80xi32, #tpu.memory_space<hbm>>) target(%arg7 : memref<32x80xi32, #tpu.memory_space<vmem>>) target_semaphore(%run_scoped3A_497 : memref<!tpu.dma_semaphore, #tpu.memory_space<semaphore_mem>>)
      %dma_wait3A_522 = arith.constant 0 : i32
      %dma_wait3A_523 = arith.constant 0 : i32
      %dma_wait3A_524 = arith.constant 0 : i32
      %dma_wait3A_525 = tpu.memref_slice %arg3[%run_scoped3A_189, %dma_wait3A_522, %dma_wait3A_523, %dma_wait3A_524] : memref<2x32x125x80xi32, #tpu.memory_space<hbm>> -> memref<1x32x125x80xi32, #tpu.memory_space<hbm>>
      %dma_wait3A_526 = tpu.memref_squeeze %dma_wait3A_525 : memref<1x32x125x80xi32, #tpu.memory_space<hbm>> -> memref<32x125x80xi32, #tpu.memory_space<hbm>>
      %dma_wait3A_527 = arith.constant 0 : i32
      %dma_wait3A_528 = arith.constant 0 : i32
      %dma_wait3A_529 = tpu.memref_slice %dma_wait3A_526[%add3A, %dma_wait3A_527, %dma_wait3A_528] : memref<32x125x80xi32, #tpu.memory_space<hbm>> -> memref<1x125x80xi32, #tpu.memory_space<hbm>>
      %dma_wait3A_530 = tpu.memref_squeeze %dma_wait3A_529 : memref<1x125x80xi32, #tpu.memory_space<hbm>> -> memref<125x80xi32, #tpu.memory_space<hbm>>
      %dma_wait3A_531 = arith.constant 32 : i32
      %dma_wait3A_532 = arith.constant 0 : i32
      %dma_wait3A_533 = tpu.memref_slice %dma_wait3A_530[%dma_wait3A_531, %dma_wait3A_532] : memref<125x80xi32, #tpu.memory_space<hbm>> -> memref<32x80xi32, #tpu.memory_space<hbm>>
      %dma_wait3A_534 = arith.constant 0 : i32
      %dma_wait3A_535 = arith.constant 0 : i32
      %dma_wait3A_536 = arith.constant 0 : i32
      %dma_wait3A_537 = tpu.memref_slice %arg3[%run_scoped3A_189, %dma_wait3A_534, %dma_wait3A_535, %dma_wait3A_536] : memref<2x32x125x80xi32, #tpu.memory_space<hbm>> -> memref<1x32x125x80xi32, #tpu.memory_space<hbm>>
      %dma_wait3A_538 = tpu.memref_squeeze %dma_wait3A_537 : memref<1x32x125x80xi32, #tpu.memory_space<hbm>> -> memref<32x125x80xi32, #tpu.memory_space<hbm>>
      %dma_wait3A_539 = arith.constant 0 : i32
      %dma_wait3A_540 = arith.constant 0 : i32
      %dma_wait3A_541 = tpu.memref_slice %dma_wait3A_538[%add3A, %dma_wait3A_539, %dma_wait3A_540] : memref<32x125x80xi32, #tpu.memory_space<hbm>> -> memref<1x125x80xi32, #tpu.memory_space<hbm>>
      %dma_wait3A_542 = tpu.memref_squeeze %dma_wait3A_541 : memref<1x125x80xi32, #tpu.memory_space<hbm>> -> memref<125x80xi32, #tpu.memory_space<hbm>>
      %dma_wait3A_543 = arith.constant 32 : i32
      %dma_wait3A_544 = arith.constant 0 : i32
      %dma_wait3A_545 = tpu.memref_slice %dma_wait3A_542[%dma_wait3A_543, %dma_wait3A_544] : memref<125x80xi32, #tpu.memory_space<hbm>> -> memref<32x80xi32, #tpu.memory_space<hbm>>
      tpu.wait_dma2 semaphore(%run_scoped3A_497 : memref<!tpu.dma_semaphore, #tpu.memory_space<semaphore_mem>>) src(%dma_wait3A_545 : memref<32x80xi32, #tpu.memory_space<hbm>>) dst(%arg7 : memref<32x80xi32, #tpu.memory_space<vmem>>)
      tpu.yield
    }) : () -> ()
    %dma_start3A_190 = arith.constant 0 : i32
    %dma_start3A_191 = arith.constant 0 : i32
    %dma_start3A_192 = tpu.memref_slice %arg6[%dma_start3A_190, %dma_start3A_191] : memref<32x80xi32, #tpu.memory_space<vmem>> -> memref<1x80xi32, #tpu.memory_space<vmem>>
    %dma_start3A_193 = tpu.memref_squeeze %dma_start3A_192 : memref<1x80xi32, #tpu.memory_space<vmem>> -> memref<80xi32, #tpu.memory_space<vmem>>
    %dma_start3A_194 = arith.constant 0 : i32
    %dma_start3A_195 = arith.constant 0 : i32
    %dma_start3A_196 = tpu.memref_slice %arg2[%dma_start3A_194, %dma_start3A_195] : memref<10000x128xf32, #tpu.memory_space<hbm>> -> memref<10000x128xf32, #tpu.memory_space<hbm>>
    tpu.enqueue_indirect_dma source(%dma_start3A_196 : memref<10000x128xf32, #tpu.memory_space<hbm>>) target(%arg10 : memref<80x128xf32, #tpu.memory_space<vmem>>) offsets(%dma_start3A_193 : memref<80xi32, #tpu.memory_space<vmem>>) semaphore(%arg16 : memref<!tpu.dma_semaphore, #tpu.memory_space<semaphore_mem>>)
    %dma_start3A_197 = arith.constant 1 : i32
    %dma_start3A_198 = arith.constant 0 : i32
    %dma_start3A_199 = tpu.memref_slice %arg6[%dma_start3A_197, %dma_start3A_198] : memref<32x80xi32, #tpu.memory_space<vmem>> -> memref<1x80xi32, #tpu.memory_space<vmem>>
    %dma_start3A_200 = tpu.memref_squeeze %dma_start3A_199 : memref<1x80xi32, #tpu.memory_space<vmem>> -> memref<80xi32, #tpu.memory_space<vmem>>
    %dma_start3A_201 = arith.constant 0 : i32
    %dma_start3A_202 = arith.constant 0 : i32
    %dma_start3A_203 = tpu.memref_slice %arg2[%dma_start3A_201, %dma_start3A_202] : memref<10000x128xf32, #tpu.memory_space<hbm>> -> memref<10000x128xf32, #tpu.memory_space<hbm>>
    tpu.enqueue_indirect_dma source(%dma_start3A_203 : memref<10000x128xf32, #tpu.memory_space<hbm>>) target(%arg8 : memref<80x128xf32, #tpu.memory_space<vmem>>) offsets(%dma_start3A_200 : memref<80xi32, #tpu.memory_space<vmem>>) semaphore(%arg14 : memref<!tpu.dma_semaphore, #tpu.memory_space<semaphore_mem>>)
    %dma_start3A_204 = arith.constant 2 : i32
    %dma_start3A_205 = arith.constant 0 : i32
    %dma_start3A_206 = tpu.memref_slice %arg6[%dma_start3A_204, %dma_start3A_205] : memref<32x80xi32, #tpu.memory_space<vmem>> -> memref<1x80xi32, #tpu.memory_space<vmem>>
    %dma_start3A_207 = tpu.memref_squeeze %dma_start3A_206 : memref<1x80xi32, #tpu.memory_space<vmem>> -> memref<80xi32, #tpu.memory_space<vmem>>
    %dma_start3A_208 = arith.constant 0 : i32
    %dma_start3A_209 = arith.constant 0 : i32
    %dma_start3A_210 = tpu.memref_slice %arg2[%dma_start3A_208, %dma_start3A_209] : memref<10000x128xf32, #tpu.memory_space<hbm>> -> memref<10000x128xf32, #tpu.memory_space<hbm>>
    tpu.enqueue_indirect_dma source(%dma_start3A_210 : memref<10000x128xf32, #tpu.memory_space<hbm>>) target(%arg9 : memref<80x128xf32, #tpu.memory_space<vmem>>) offsets(%dma_start3A_207 : memref<80xi32, #tpu.memory_space<vmem>>) semaphore(%arg15 : memref<!tpu.dma_semaphore, #tpu.memory_space<semaphore_mem>>)
    %dma_wait3A_211 = arith.constant 0 : i32
    %dma_wait3A_212 = arith.constant 0 : i32
    %dma_wait3A_213 = tpu.memref_slice %arg6[%dma_wait3A_211, %dma_wait3A_212] : memref<32x80xi32, #tpu.memory_space<vmem>> -> memref<1x80xi32, #tpu.memory_space<vmem>>
    %dma_wait3A_214 = tpu.memref_squeeze %dma_wait3A_213 : memref<1x80xi32, #tpu.memory_space<vmem>> -> memref<80xi32, #tpu.memory_space<vmem>>
    %dma_wait3A_215 = arith.constant 0 : i32
    %dma_wait3A_216 = arith.constant 0 : i32
    %dma_wait3A_217 = tpu.memref_slice %arg2[%dma_wait3A_215, %dma_wait3A_216] : memref<10000x128xf32, #tpu.memory_space<hbm>> -> memref<10000x128xf32, #tpu.memory_space<hbm>>
    tpu.wait_indirect_dma semaphore(%arg16 : memref<!tpu.dma_semaphore, #tpu.memory_space<semaphore_mem>>) src(%dma_wait3A_217 : memref<10000x128xf32, #tpu.memory_space<hbm>>) dst(%arg10 : memref<80x128xf32, #tpu.memory_space<vmem>>)
    %dma_start3A_218 = arith.constant 0 : i32
    %dma_start3A_219 = arith.constant 0 : i32
    %dma_start3A_220 = tpu.memref_slice %arg7[%dma_start3A_218, %dma_start3A_219] : memref<32x80xi32, #tpu.memory_space<vmem>> -> memref<1x80xi32, #tpu.memory_space<vmem>>
    %dma_start3A_221 = tpu.memref_squeeze %dma_start3A_220 : memref<1x80xi32, #tpu.memory_space<vmem>> -> memref<80xi32, #tpu.memory_space<vmem>>
    %dma_start3A_222 = arith.constant 0 : i32
    %dma_start3A_223 = arith.constant 0 : i32
    %dma_start3A_224 = tpu.memref_slice %arg12[%dma_start3A_222, %dma_start3A_223] : memref<10240x128xf32, #tpu.memory_space<vmem_shared>> -> memref<10240x128xf32, #tpu.memory_space<vmem_shared>>
    tpu.enqueue_indirect_dma source(%arg10 : memref<80x128xf32, #tpu.memory_space<vmem>>) target(%dma_start3A_224 : memref<10240x128xf32, #tpu.memory_space<vmem_shared>>) offsets(%dma_start3A_221 : memref<80xi32, #tpu.memory_space<vmem>>) semaphore(%arg19 : memref<!tpu.dma_semaphore, #tpu.memory_space<semaphore_mem>>) {add = true}
    %dma_start3A_225 = arith.constant 0 : i32
    %dma_start3A_226 = arith.constant 0 : i32
    %dma_start3A_227 = tpu.memref_slice %arg7[%dma_start3A_225, %dma_start3A_226] : memref<32x80xi32, #tpu.memory_space<vmem>> -> memref<1x80xi32, #tpu.memory_space<vmem>>
    %dma_start3A_228 = tpu.memref_squeeze %dma_start3A_227 : memref<1x80xi32, #tpu.memory_space<vmem>> -> memref<80xi32, #tpu.memory_space<vmem>>
    %dma_start3A_229 = arith.constant 0 : i32
    %dma_start3A_230 = arith.constant 0 : i32
    %dma_start3A_231 = tpu.memref_slice %arg13[%dma_start3A_229, %dma_start3A_230] : memref<10240x16xf32, #tpu.memory_space<vmem_shared>> -> memref<10240x16xf32, #tpu.memory_space<vmem_shared>>
    tpu.enqueue_indirect_dma source(%arg11 : memref<80x16xf32, #tpu.memory_space<vmem>>) target(%dma_start3A_231 : memref<10240x16xf32, #tpu.memory_space<vmem_shared>>) offsets(%dma_start3A_228 : memref<80xi32, #tpu.memory_space<vmem>>) semaphore(%arg22 : memref<!tpu.dma_semaphore, #tpu.memory_space<semaphore_mem>>) {add = true}
    %scan3A_232 = arith.constant 0 : i32
    %scan3A_233 = arith.constant 0 : i32
    %scan3A_234 = arith.constant 10 : i32
    %scan3A_235 = arith.addi %scan3A_233, %scan3A_234 : i32
    %scan3A_236 = arith.constant 1 : i32
    %scan3A_237 = scf.for %scan3A_497 = %scan3A_233 to %scan3A_235 step %scan3A_236 iter_args(%scan3A_498 = %scan3A_232) -> (i32)  : i32 {
      %mul3A_499 = arith.constant 3 : i32
      %mul3A_500 = arith.muli %mul3A_499, %scan3A_497 : i32
      %add3A_501 = arith.constant 33 : i32
      %add3A_502 = arith.addi %add3A_501, %mul3A_500 : i32
      %add3A_503 = arith.constant 0 : i32
      %add3A_504 = arith.addi %add3A_502, %add3A_503 : i32
      %sub3A = arith.constant 1 : i32
      %sub3A_505 = arith.subi %add3A_504, %sub3A : i32
      %sub3A_506 = arith.constant 32 : i32
      %sub3A_507 = arith.subi %sub3A_505, %sub3A_506 : i32
      %dma_wait3A_508 = arith.constant 0 : i32
      %dma_wait3A_509 = tpu.memref_slice %arg7[%sub3A_507, %dma_wait3A_508] : memref<32x80xi32, #tpu.memory_space<vmem>> -> memref<1x80xi32, #tpu.memory_space<vmem>>
      %dma_wait3A_510 = tpu.memref_squeeze %dma_wait3A_509 : memref<1x80xi32, #tpu.memory_space<vmem>> -> memref<80xi32, #tpu.memory_space<vmem>>
      %dma_wait3A_511 = arith.constant 0 : i32
      %dma_wait3A_512 = arith.constant 0 : i32
      %dma_wait3A_513 = tpu.memref_slice %arg12[%dma_wait3A_511, %dma_wait3A_512] : memref<10240x128xf32, #tpu.memory_space<vmem_shared>> -> memref<10240x128xf32, #tpu.memory_space<vmem_shared>>
      tpu.wait_indirect_dma semaphore(%arg19 : memref<!tpu.dma_semaphore, #tpu.memory_space<semaphore_mem>>) src(%arg10 : memref<80x128xf32, #tpu.memory_space<vmem>>) dst(%dma_wait3A_513 : memref<10240x128xf32, #tpu.memory_space<vmem_shared>>)
      %sub3A_514 = arith.constant 32 : i32
      %sub3A_515 = arith.subi %sub3A_505, %sub3A_514 : i32
      %dma_wait3A_516 = arith.constant 0 : i32
      %dma_wait3A_517 = tpu.memref_slice %arg7[%sub3A_515, %dma_wait3A_516] : memref<32x80xi32, #tpu.memory_space<vmem>> -> memref<1x80xi32, #tpu.memory_space<vmem>>
      %dma_wait3A_518 = tpu.memref_squeeze %dma_wait3A_517 : memref<1x80xi32, #tpu.memory_space<vmem>> -> memref<80xi32, #tpu.memory_space<vmem>>
      %dma_wait3A_519 = arith.constant 0 : i32
      %dma_wait3A_520 = arith.constant 0 : i32
      %dma_wait3A_521 = tpu.memref_slice %arg13[%dma_wait3A_519, %dma_wait3A_520] : memref<10240x16xf32, #tpu.memory_space<vmem_shared>> -> memref<10240x16xf32, #tpu.memory_space<vmem_shared>>
      tpu.wait_indirect_dma semaphore(%arg22 : memref<!tpu.dma_semaphore, #tpu.memory_space<semaphore_mem>>) src(%arg11 : memref<80x16xf32, #tpu.memory_space<vmem>>) dst(%dma_wait3A_521 : memref<10240x16xf32, #tpu.memory_space<vmem_shared>>)
      %add3A_522 = arith.constant 2 : i32
      %add3A_523 = arith.addi %add3A_504, %add3A_522 : i32
      %lt3A = arith.constant 64 : i32
      %lt3A_524 = arith.cmpi slt, %add3A_523, %lt3A : i32
      %convert_element_type3A = arith.extui %lt3A_524 : i1 to i32
      %cond3A = arith.constant 0 : i32
      %cond3A_525 = arith.cmpi ne, %convert_element_type3A, %cond3A : i32
      scf.if %cond3A_525 {
        %add3A_661 = arith.constant 2 : i32
        %add3A_662 = arith.addi %add3A_504, %add3A_661 : i32
        %sub3A_663 = arith.constant 32 : i32
        %sub3A_664 = arith.subi %add3A_662, %sub3A_663 : i32
        %dma_start3A_665 = arith.constant 0 : i32
        %dma_start3A_666 = tpu.memref_slice %arg6[%sub3A_664, %dma_start3A_665] : memref<32x80xi32, #tpu.memory_space<vmem>> -> memref<1x80xi32, #tpu.memory_space<vmem>>
        %dma_start3A_667 = tpu.memref_squeeze %dma_start3A_666 : memref<1x80xi32, #tpu.memory_space<vmem>> -> memref<80xi32, #tpu.memory_space<vmem>>
        %dma_start3A_668 = arith.constant 0 : i32
        %dma_start3A_669 = arith.constant 0 : i32
        %dma_start3A_670 = tpu.memref_slice %arg2[%dma_start3A_668, %dma_start3A_669] : memref<10000x128xf32, #tpu.memory_space<hbm>> -> memref<10000x128xf32, #tpu.memory_space<hbm>>
        tpu.enqueue_indirect_dma source(%dma_start3A_670 : memref<10000x128xf32, #tpu.memory_space<hbm>>) target(%arg10 : memref<80x128xf32, #tpu.memory_space<vmem>>) offsets(%dma_start3A_667 : memref<80xi32, #tpu.memory_space<vmem>>) semaphore(%arg16 : memref<!tpu.dma_semaphore, #tpu.memory_space<semaphore_mem>>)
      } else {
      }
      %sub3A_526 = arith.constant 32 : i32
      %sub3A_527 = arith.subi %add3A_504, %sub3A_526 : i32
      %dma_wait3A_528 = arith.constant 0 : i32
      %dma_wait3A_529 = tpu.memref_slice %arg6[%sub3A_527, %dma_wait3A_528] : memref<32x80xi32, #tpu.memory_space<vmem>> -> memref<1x80xi32, #tpu.memory_space<vmem>>
      %dma_wait3A_530 = tpu.memref_squeeze %dma_wait3A_529 : memref<1x80xi32, #tpu.memory_space<vmem>> -> memref<80xi32, #tpu.memory_space<vmem>>
      %dma_wait3A_531 = arith.constant 0 : i32
      %dma_wait3A_532 = arith.constant 0 : i32
      %dma_wait3A_533 = tpu.memref_slice %arg2[%dma_wait3A_531, %dma_wait3A_532] : memref<10000x128xf32, #tpu.memory_space<hbm>> -> memref<10000x128xf32, #tpu.memory_space<hbm>>
      tpu.wait_indirect_dma semaphore(%arg14 : memref<!tpu.dma_semaphore, #tpu.memory_space<semaphore_mem>>) src(%dma_wait3A_533 : memref<10000x128xf32, #tpu.memory_space<hbm>>) dst(%arg8 : memref<80x128xf32, #tpu.memory_space<vmem>>)
      %sub3A_534 = arith.constant 32 : i32
      %sub3A_535 = arith.subi %add3A_504, %sub3A_534 : i32
      %dma_start3A_536 = arith.constant 0 : i32
      %dma_start3A_537 = tpu.memref_slice %arg7[%sub3A_535, %dma_start3A_536] : memref<32x80xi32, #tpu.memory_space<vmem>> -> memref<1x80xi32, #tpu.memory_space<vmem>>
      %dma_start3A_538 = tpu.memref_squeeze %dma_start3A_537 : memref<1x80xi32, #tpu.memory_space<vmem>> -> memref<80xi32, #tpu.memory_space<vmem>>
      %dma_start3A_539 = arith.constant 0 : i32
      %dma_start3A_540 = arith.constant 0 : i32
      %dma_start3A_541 = tpu.memref_slice %arg12[%dma_start3A_539, %dma_start3A_540] : memref<10240x128xf32, #tpu.memory_space<vmem_shared>> -> memref<10240x128xf32, #tpu.memory_space<vmem_shared>>
      tpu.enqueue_indirect_dma source(%arg8 : memref<80x128xf32, #tpu.memory_space<vmem>>) target(%dma_start3A_541 : memref<10240x128xf32, #tpu.memory_space<vmem_shared>>) offsets(%dma_start3A_538 : memref<80xi32, #tpu.memory_space<vmem>>) semaphore(%arg17 : memref<!tpu.dma_semaphore, #tpu.memory_space<semaphore_mem>>) {add = true}
      %sub3A_542 = arith.constant 32 : i32
      %sub3A_543 = arith.subi %add3A_504, %sub3A_542 : i32
      %dma_start3A_544 = arith.constant 0 : i32
      %dma_start3A_545 = tpu.memref_slice %arg7[%sub3A_543, %dma_start3A_544] : memref<32x80xi32, #tpu.memory_space<vmem>> -> memref<1x80xi32, #tpu.memory_space<vmem>>
      %dma_start3A_546 = tpu.memref_squeeze %dma_start3A_545 : memref<1x80xi32, #tpu.memory_space<vmem>> -> memref<80xi32, #tpu.memory_space<vmem>>
      %dma_start3A_547 = arith.constant 0 : i32
      %dma_start3A_548 = arith.constant 0 : i32
      %dma_start3A_549 = tpu.memref_slice %arg13[%dma_start3A_547, %dma_start3A_548] : memref<10240x16xf32, #tpu.memory_space<vmem_shared>> -> memref<10240x16xf32, #tpu.memory_space<vmem_shared>>
      tpu.enqueue_indirect_dma source(%arg11 : memref<80x16xf32, #tpu.memory_space<vmem>>) target(%dma_start3A_549 : memref<10240x16xf32, #tpu.memory_space<vmem_shared>>) offsets(%dma_start3A_546 : memref<80xi32, #tpu.memory_space<vmem>>) semaphore(%arg20 : memref<!tpu.dma_semaphore, #tpu.memory_space<semaphore_mem>>) {add = true}
      %mul3A_550 = arith.constant 3 : i32
      %mul3A_551 = arith.muli %mul3A_550, %scan3A_497 : i32
      %add3A_552 = arith.constant 33 : i32
      %add3A_553 = arith.addi %add3A_552, %mul3A_551 : i32
      %add3A_554 = arith.constant 1 : i32
      %add3A_555 = arith.addi %add3A_553, %add3A_554 : i32
      %sub3A_556 = arith.constant 1 : i32
      %sub3A_557 = arith.subi %add3A_555, %sub3A_556 : i32
      %sub3A_558 = arith.constant 32 : i32
      %sub3A_559 = arith.subi %sub3A_557, %sub3A_558 : i32
      %dma_wait3A_560 = arith.constant 0 : i32
      %dma_wait3A_561 = tpu.memref_slice %arg7[%sub3A_559, %dma_wait3A_560] : memref<32x80xi32, #tpu.memory_space<vmem>> -> memref<1x80xi32, #tpu.memory_space<vmem>>
      %dma_wait3A_562 = tpu.memref_squeeze %dma_wait3A_561 : memref<1x80xi32, #tpu.memory_space<vmem>> -> memref<80xi32, #tpu.memory_space<vmem>>
      %dma_wait3A_563 = arith.constant 0 : i32
      %dma_wait3A_564 = arith.constant 0 : i32
      %dma_wait3A_565 = tpu.memref_slice %arg12[%dma_wait3A_563, %dma_wait3A_564] : memref<10240x128xf32, #tpu.memory_space<vmem_shared>> -> memref<10240x128xf32, #tpu.memory_space<vmem_shared>>
      tpu.wait_indirect_dma semaphore(%arg17 : memref<!tpu.dma_semaphore, #tpu.memory_space<semaphore_mem>>) src(%arg8 : memref<80x128xf32, #tpu.memory_space<vmem>>) dst(%dma_wait3A_565 : memref<10240x128xf32, #tpu.memory_space<vmem_shared>>)
      %sub3A_566 = arith.constant 32 : i32
      %sub3A_567 = arith.subi %sub3A_557, %sub3A_566 : i32
      %dma_wait3A_568 = arith.constant 0 : i32
      %dma_wait3A_569 = tpu.memref_slice %arg7[%sub3A_567, %dma_wait3A_568] : memref<32x80xi32, #tpu.memory_space<vmem>> -> memref<1x80xi32, #tpu.memory_space<vmem>>
      %dma_wait3A_570 = tpu.memref_squeeze %dma_wait3A_569 : memref<1x80xi32, #tpu.memory_space<vmem>> -> memref<80xi32, #tpu.memory_space<vmem>>
      %dma_wait3A_571 = arith.constant 0 : i32
      %dma_wait3A_572 = arith.constant 0 : i32
      %dma_wait3A_573 = tpu.memref_slice %arg13[%dma_wait3A_571, %dma_wait3A_572] : memref<10240x16xf32, #tpu.memory_space<vmem_shared>> -> memref<10240x16xf32, #tpu.memory_space<vmem_shared>>
      tpu.wait_indirect_dma semaphore(%arg20 : memref<!tpu.dma_semaphore, #tpu.memory_space<semaphore_mem>>) src(%arg11 : memref<80x16xf32, #tpu.memory_space<vmem>>) dst(%dma_wait3A_573 : memref<10240x16xf32, #tpu.memory_space<vmem_shared>>)
      %add3A_574 = arith.constant 2 : i32
      %add3A_575 = arith.addi %add3A_555, %add3A_574 : i32
      %lt3A_576 = arith.constant 64 : i32
      %lt3A_577 = arith.cmpi slt, %add3A_575, %lt3A_576 : i32
      %convert_element_type3A_578 = arith.extui %lt3A_577 : i1 to i32
      %cond3A_579 = arith.constant 0 : i32
      %cond3A_580 = arith.cmpi ne, %convert_element_type3A_578, %cond3A_579 : i32
      scf.if %cond3A_580 {
        %add3A_661 = arith.constant 2 : i32
        %add3A_662 = arith.addi %add3A_555, %add3A_661 : i32
        %sub3A_663 = arith.constant 32 : i32
        %sub3A_664 = arith.subi %add3A_662, %sub3A_663 : i32
        %dma_start3A_665 = arith.constant 0 : i32
        %dma_start3A_666 = tpu.memref_slice %arg6[%sub3A_664, %dma_start3A_665] : memref<32x80xi32, #tpu.memory_space<vmem>> -> memref<1x80xi32, #tpu.memory_space<vmem>>
        %dma_start3A_667 = tpu.memref_squeeze %dma_start3A_666 : memref<1x80xi32, #tpu.memory_space<vmem>> -> memref<80xi32, #tpu.memory_space<vmem>>
        %dma_start3A_668 = arith.constant 0 : i32
        %dma_start3A_669 = arith.constant 0 : i32
        %dma_start3A_670 = tpu.memref_slice %arg2[%dma_start3A_668, %dma_start3A_669] : memref<10000x128xf32, #tpu.memory_space<hbm>> -> memref<10000x128xf32, #tpu.memory_space<hbm>>
        tpu.enqueue_indirect_dma source(%dma_start3A_670 : memref<10000x128xf32, #tpu.memory_space<hbm>>) target(%arg8 : memref<80x128xf32, #tpu.memory_space<vmem>>) offsets(%dma_start3A_667 : memref<80xi32, #tpu.memory_space<vmem>>) semaphore(%arg14 : memref<!tpu.dma_semaphore, #tpu.memory_space<semaphore_mem>>)
      } else {
      }
      %sub3A_581 = arith.constant 32 : i32
      %sub3A_582 = arith.subi %add3A_555, %sub3A_581 : i32
      %dma_wait3A_583 = arith.constant 0 : i32
      %dma_wait3A_584 = tpu.memref_slice %arg6[%sub3A_582, %dma_wait3A_583] : memref<32x80xi32, #tpu.memory_space<vmem>> -> memref<1x80xi32, #tpu.memory_space<vmem>>
      %dma_wait3A_585 = tpu.memref_squeeze %dma_wait3A_584 : memref<1x80xi32, #tpu.memory_space<vmem>> -> memref<80xi32, #tpu.memory_space<vmem>>
      %dma_wait3A_586 = arith.constant 0 : i32
      %dma_wait3A_587 = arith.constant 0 : i32
      %dma_wait3A_588 = tpu.memref_slice %arg2[%dma_wait3A_586, %dma_wait3A_587] : memref<10000x128xf32, #tpu.memory_space<hbm>> -> memref<10000x128xf32, #tpu.memory_space<hbm>>
      tpu.wait_indirect_dma semaphore(%arg15 : memref<!tpu.dma_semaphore, #tpu.memory_space<semaphore_mem>>) src(%dma_wait3A_588 : memref<10000x128xf32, #tpu.memory_space<hbm>>) dst(%arg9 : memref<80x128xf32, #tpu.memory_space<vmem>>)
      %sub3A_589 = arith.constant 32 : i32
      %sub3A_590 = arith.subi %add3A_555, %sub3A_589 : i32
      %dma_start3A_591 = arith.constant 0 : i32
      %dma_start3A_592 = tpu.memref_slice %arg7[%sub3A_590, %dma_start3A_591] : memref<32x80xi32, #tpu.memory_space<vmem>> -> memref<1x80xi32, #tpu.memory_space<vmem>>
      %dma_start3A_593 = tpu.memref_squeeze %dma_start3A_592 : memref<1x80xi32, #tpu.memory_space<vmem>> -> memref<80xi32, #tpu.memory_space<vmem>>
      %dma_start3A_594 = arith.constant 0 : i32
      %dma_start3A_595 = arith.constant 0 : i32
      %dma_start3A_596 = tpu.memref_slice %arg12[%dma_start3A_594, %dma_start3A_595] : memref<10240x128xf32, #tpu.memory_space<vmem_shared>> -> memref<10240x128xf32, #tpu.memory_space<vmem_shared>>
      tpu.enqueue_indirect_dma source(%arg9 : memref<80x128xf32, #tpu.memory_space<vmem>>) target(%dma_start3A_596 : memref<10240x128xf32, #tpu.memory_space<vmem_shared>>) offsets(%dma_start3A_593 : memref<80xi32, #tpu.memory_space<vmem>>) semaphore(%arg18 : memref<!tpu.dma_semaphore, #tpu.memory_space<semaphore_mem>>) {add = true}
      %sub3A_597 = arith.constant 32 : i32
      %sub3A_598 = arith.subi %add3A_555, %sub3A_597 : i32
      %dma_start3A_599 = arith.constant 0 : i32
      %dma_start3A_600 = tpu.memref_slice %arg7[%sub3A_598, %dma_start3A_599] : memref<32x80xi32, #tpu.memory_space<vmem>> -> memref<1x80xi32, #tpu.memory_space<vmem>>
      %dma_start3A_601 = tpu.memref_squeeze %dma_start3A_600 : memref<1x80xi32, #tpu.memory_space<vmem>> -> memref<80xi32, #tpu.memory_space<vmem>>
      %dma_start3A_602 = arith.constant 0 : i32
      %dma_start3A_603 = arith.constant 0 : i32
      %dma_start3A_604 = tpu.memref_slice %arg13[%dma_start3A_602, %dma_start3A_603] : memref<10240x16xf32, #tpu.memory_space<vmem_shared>> -> memref<10240x16xf32, #tpu.memory_space<vmem_shared>>
      tpu.enqueue_indirect_dma source(%arg11 : memref<80x16xf32, #tpu.memory_space<vmem>>) target(%dma_start3A_604 : memref<10240x16xf32, #tpu.memory_space<vmem_shared>>) offsets(%dma_start3A_601 : memref<80xi32, #tpu.memory_space<vmem>>) semaphore(%arg21 : memref<!tpu.dma_semaphore, #tpu.memory_space<semaphore_mem>>) {add = true}
      %mul3A_605 = arith.constant 3 : i32
      %mul3A_606 = arith.muli %mul3A_605, %scan3A_497 : i32
      %add3A_607 = arith.constant 33 : i32
      %add3A_608 = arith.addi %add3A_607, %mul3A_606 : i32
      %add3A_609 = arith.constant 2 : i32
      %add3A_610 = arith.addi %add3A_608, %add3A_609 : i32
      %sub3A_611 = arith.constant 1 : i32
      %sub3A_612 = arith.subi %add3A_610, %sub3A_611 : i32
      %sub3A_613 = arith.constant 32 : i32
      %sub3A_614 = arith.subi %sub3A_612, %sub3A_613 : i32
      %dma_wait3A_615 = arith.constant 0 : i32
      %dma_wait3A_616 = tpu.memref_slice %arg7[%sub3A_614, %dma_wait3A_615] : memref<32x80xi32, #tpu.memory_space<vmem>> -> memref<1x80xi32, #tpu.memory_space<vmem>>
      %dma_wait3A_617 = tpu.memref_squeeze %dma_wait3A_616 : memref<1x80xi32, #tpu.memory_space<vmem>> -> memref<80xi32, #tpu.memory_space<vmem>>
      %dma_wait3A_618 = arith.constant 0 : i32
      %dma_wait3A_619 = arith.constant 0 : i32
      %dma_wait3A_620 = tpu.memref_slice %arg12[%dma_wait3A_618, %dma_wait3A_619] : memref<10240x128xf32, #tpu.memory_space<vmem_shared>> -> memref<10240x128xf32, #tpu.memory_space<vmem_shared>>
      tpu.wait_indirect_dma semaphore(%arg18 : memref<!tpu.dma_semaphore, #tpu.memory_space<semaphore_mem>>) src(%arg9 : memref<80x128xf32, #tpu.memory_space<vmem>>) dst(%dma_wait3A_620 : memref<10240x128xf32, #tpu.memory_space<vmem_shared>>)
      %sub3A_621 = arith.constant 32 : i32
      %sub3A_622 = arith.subi %sub3A_612, %sub3A_621 : i32
      %dma_wait3A_623 = arith.constant 0 : i32
      %dma_wait3A_624 = tpu.memref_slice %arg7[%sub3A_622, %dma_wait3A_623] : memref<32x80xi32, #tpu.memory_space<vmem>> -> memref<1x80xi32, #tpu.memory_space<vmem>>
      %dma_wait3A_625 = tpu.memref_squeeze %dma_wait3A_624 : memref<1x80xi32, #tpu.memory_space<vmem>> -> memref<80xi32, #tpu.memory_space<vmem>>
      %dma_wait3A_626 = arith.constant 0 : i32
      %dma_wait3A_627 = arith.constant 0 : i32
      %dma_wait3A_628 = tpu.memref_slice %arg13[%dma_wait3A_626, %dma_wait3A_627] : memref<10240x16xf32, #tpu.memory_space<vmem_shared>> -> memref<10240x16xf32, #tpu.memory_space<vmem_shared>>
      tpu.wait_indirect_dma semaphore(%arg21 : memref<!tpu.dma_semaphore, #tpu.memory_space<semaphore_mem>>) src(%arg11 : memref<80x16xf32, #tpu.memory_space<vmem>>) dst(%dma_wait3A_628 : memref<10240x16xf32, #tpu.memory_space<vmem_shared>>)
      %add3A_629 = arith.constant 2 : i32
      %add3A_630 = arith.addi %add3A_610, %add3A_629 : i32
      %lt3A_631 = arith.constant 64 : i32
      %lt3A_632 = arith.cmpi slt, %add3A_630, %lt3A_631 : i32
      %convert_element_type3A_633 = arith.extui %lt3A_632 : i1 to i32
      %cond3A_634 = arith.constant 0 : i32
      %cond3A_635 = arith.cmpi ne, %convert_element_type3A_633, %cond3A_634 : i32
      scf.if %cond3A_635 {
        %add3A_661 = arith.constant 2 : i32
        %add3A_662 = arith.addi %add3A_610, %add3A_661 : i32
        %sub3A_663 = arith.constant 32 : i32
        %sub3A_664 = arith.subi %add3A_662, %sub3A_663 : i32
        %dma_start3A_665 = arith.constant 0 : i32
        %dma_start3A_666 = tpu.memref_slice %arg6[%sub3A_664, %dma_start3A_665] : memref<32x80xi32, #tpu.memory_space<vmem>> -> memref<1x80xi32, #tpu.memory_space<vmem>>
        %dma_start3A_667 = tpu.memref_squeeze %dma_start3A_666 : memref<1x80xi32, #tpu.memory_space<vmem>> -> memref<80xi32, #tpu.memory_space<vmem>>
        %dma_start3A_668 = arith.constant 0 : i32
        %dma_start3A_669 = arith.constant 0 : i32
        %dma_start3A_670 = tpu.memref_slice %arg2[%dma_start3A_668, %dma_start3A_669] : memref<10000x128xf32, #tpu.memory_space<hbm>> -> memref<10000x128xf32, #tpu.memory_space<hbm>>
        tpu.enqueue_indirect_dma source(%dma_start3A_670 : memref<10000x128xf32, #tpu.memory_space<hbm>>) target(%arg9 : memref<80x128xf32, #tpu.memory_space<vmem>>) offsets(%dma_start3A_667 : memref<80xi32, #tpu.memory_space<vmem>>) semaphore(%arg15 : memref<!tpu.dma_semaphore, #tpu.memory_space<semaphore_mem>>)
      } else {
      }
      %sub3A_636 = arith.constant 32 : i32
      %sub3A_637 = arith.subi %add3A_610, %sub3A_636 : i32
      %dma_wait3A_638 = arith.constant 0 : i32
      %dma_wait3A_639 = tpu.memref_slice %arg6[%sub3A_637, %dma_wait3A_638] : memref<32x80xi32, #tpu.memory_space<vmem>> -> memref<1x80xi32, #tpu.memory_space<vmem>>
      %dma_wait3A_640 = tpu.memref_squeeze %dma_wait3A_639 : memref<1x80xi32, #tpu.memory_space<vmem>> -> memref<80xi32, #tpu.memory_space<vmem>>
      %dma_wait3A_641 = arith.constant 0 : i32
      %dma_wait3A_642 = arith.constant 0 : i32
      %dma_wait3A_643 = tpu.memref_slice %arg2[%dma_wait3A_641, %dma_wait3A_642] : memref<10000x128xf32, #tpu.memory_space<hbm>> -> memref<10000x128xf32, #tpu.memory_space<hbm>>
      tpu.wait_indirect_dma semaphore(%arg16 : memref<!tpu.dma_semaphore, #tpu.memory_space<semaphore_mem>>) src(%dma_wait3A_643 : memref<10000x128xf32, #tpu.memory_space<hbm>>) dst(%arg10 : memref<80x128xf32, #tpu.memory_space<vmem>>)
      %sub3A_644 = arith.constant 32 : i32
      %sub3A_645 = arith.subi %add3A_610, %sub3A_644 : i32
      %dma_start3A_646 = arith.constant 0 : i32
      %dma_start3A_647 = tpu.memref_slice %arg7[%sub3A_645, %dma_start3A_646] : memref<32x80xi32, #tpu.memory_space<vmem>> -> memref<1x80xi32, #tpu.memory_space<vmem>>
      %dma_start3A_648 = tpu.memref_squeeze %dma_start3A_647 : memref<1x80xi32, #tpu.memory_space<vmem>> -> memref<80xi32, #tpu.memory_space<vmem>>
      %dma_start3A_649 = arith.constant 0 : i32
      %dma_start3A_650 = arith.constant 0 : i32
      %dma_start3A_651 = tpu.memref_slice %arg12[%dma_start3A_649, %dma_start3A_650] : memref<10240x128xf32, #tpu.memory_space<vmem_shared>> -> memref<10240x128xf32, #tpu.memory_space<vmem_shared>>
      tpu.enqueue_indirect_dma source(%arg10 : memref<80x128xf32, #tpu.memory_space<vmem>>) target(%dma_start3A_651 : memref<10240x128xf32, #tpu.memory_space<vmem_shared>>) offsets(%dma_start3A_648 : memref<80xi32, #tpu.memory_space<vmem>>) semaphore(%arg19 : memref<!tpu.dma_semaphore, #tpu.memory_space<semaphore_mem>>) {add = true}
      %sub3A_652 = arith.constant 32 : i32
      %sub3A_653 = arith.subi %add3A_610, %sub3A_652 : i32
      %dma_start3A_654 = arith.constant 0 : i32
      %dma_start3A_655 = tpu.memref_slice %arg7[%sub3A_653, %dma_start3A_654] : memref<32x80xi32, #tpu.memory_space<vmem>> -> memref<1x80xi32, #tpu.memory_space<vmem>>
      %dma_start3A_656 = tpu.memref_squeeze %dma_start3A_655 : memref<1x80xi32, #tpu.memory_space<vmem>> -> memref<80xi32, #tpu.memory_space<vmem>>
      %dma_start3A_657 = arith.constant 0 : i32
      %dma_start3A_658 = arith.constant 0 : i32
      %dma_start3A_659 = tpu.memref_slice %arg13[%dma_start3A_657, %dma_start3A_658] : memref<10240x16xf32, #tpu.memory_space<vmem_shared>> -> memref<10240x16xf32, #tpu.memory_space<vmem_shared>>
      tpu.enqueue_indirect_dma source(%arg11 : memref<80x16xf32, #tpu.memory_space<vmem>>) target(%dma_start3A_659 : memref<10240x16xf32, #tpu.memory_space<vmem_shared>>) offsets(%dma_start3A_656 : memref<80xi32, #tpu.memory_space<vmem>>) semaphore(%arg22 : memref<!tpu.dma_semaphore, #tpu.memory_space<semaphore_mem>>) {add = true}
      %scan3A_660 = arith.constant 0 : i32
      scf.yield %scan3A_660 : i32
    }
    %scan3A_238 = arith.constant 10 : i32
    %dma_wait3A_239 = arith.constant 30 : i32
    %dma_wait3A_240 = arith.constant 0 : i32
    %dma_wait3A_241 = tpu.memref_slice %arg7[%dma_wait3A_239, %dma_wait3A_240] : memref<32x80xi32, #tpu.memory_space<vmem>> -> memref<1x80xi32, #tpu.memory_space<vmem>>
    %dma_wait3A_242 = tpu.memref_squeeze %dma_wait3A_241 : memref<1x80xi32, #tpu.memory_space<vmem>> -> memref<80xi32, #tpu.memory_space<vmem>>
    %dma_wait3A_243 = arith.constant 0 : i32
    %dma_wait3A_244 = arith.constant 0 : i32
    %dma_wait3A_245 = tpu.memref_slice %arg12[%dma_wait3A_243, %dma_wait3A_244] : memref<10240x128xf32, #tpu.memory_space<vmem_shared>> -> memref<10240x128xf32, #tpu.memory_space<vmem_shared>>
    tpu.wait_indirect_dma semaphore(%arg19 : memref<!tpu.dma_semaphore, #tpu.memory_space<semaphore_mem>>) src(%arg10 : memref<80x128xf32, #tpu.memory_space<vmem>>) dst(%dma_wait3A_245 : memref<10240x128xf32, #tpu.memory_space<vmem_shared>>)
    %dma_wait3A_246 = arith.constant 30 : i32
    %dma_wait3A_247 = arith.constant 0 : i32
    %dma_wait3A_248 = tpu.memref_slice %arg7[%dma_wait3A_246, %dma_wait3A_247] : memref<32x80xi32, #tpu.memory_space<vmem>> -> memref<1x80xi32, #tpu.memory_space<vmem>>
    %dma_wait3A_249 = tpu.memref_squeeze %dma_wait3A_248 : memref<1x80xi32, #tpu.memory_space<vmem>> -> memref<80xi32, #tpu.memory_space<vmem>>
    %dma_wait3A_250 = arith.constant 0 : i32
    %dma_wait3A_251 = arith.constant 0 : i32
    %dma_wait3A_252 = tpu.memref_slice %arg13[%dma_wait3A_250, %dma_wait3A_251] : memref<10240x16xf32, #tpu.memory_space<vmem_shared>> -> memref<10240x16xf32, #tpu.memory_space<vmem_shared>>
    tpu.wait_indirect_dma semaphore(%arg22 : memref<!tpu.dma_semaphore, #tpu.memory_space<semaphore_mem>>) src(%arg11 : memref<80x16xf32, #tpu.memory_space<vmem>>) dst(%dma_wait3A_252 : memref<10240x16xf32, #tpu.memory_space<vmem_shared>>)
    %dma_wait3A_253 = arith.constant 31 : i32
    %dma_wait3A_254 = arith.constant 0 : i32
    %dma_wait3A_255 = tpu.memref_slice %arg6[%dma_wait3A_253, %dma_wait3A_254] : memref<32x80xi32, #tpu.memory_space<vmem>> -> memref<1x80xi32, #tpu.memory_space<vmem>>
    %dma_wait3A_256 = tpu.memref_squeeze %dma_wait3A_255 : memref<1x80xi32, #tpu.memory_space<vmem>> -> memref<80xi32, #tpu.memory_space<vmem>>
    %dma_wait3A_257 = arith.constant 0 : i32
    %dma_wait3A_258 = arith.constant 0 : i32
    %dma_wait3A_259 = tpu.memref_slice %arg2[%dma_wait3A_257, %dma_wait3A_258] : memref<10000x128xf32, #tpu.memory_space<hbm>> -> memref<10000x128xf32, #tpu.memory_space<hbm>>
    tpu.wait_indirect_dma semaphore(%arg14 : memref<!tpu.dma_semaphore, #tpu.memory_space<semaphore_mem>>) src(%dma_wait3A_259 : memref<10000x128xf32, #tpu.memory_space<hbm>>) dst(%arg8 : memref<80x128xf32, #tpu.memory_space<vmem>>)
    %dma_start3A_260 = arith.constant 31 : i32
    %dma_start3A_261 = arith.constant 0 : i32
    %dma_start3A_262 = tpu.memref_slice %arg7[%dma_start3A_260, %dma_start3A_261] : memref<32x80xi32, #tpu.memory_space<vmem>> -> memref<1x80xi32, #tpu.memory_space<vmem>>
    %dma_start3A_263 = tpu.memref_squeeze %dma_start3A_262 : memref<1x80xi32, #tpu.memory_space<vmem>> -> memref<80xi32, #tpu.memory_space<vmem>>
    %dma_start3A_264 = arith.constant 0 : i32
    %dma_start3A_265 = arith.constant 0 : i32
    %dma_start3A_266 = tpu.memref_slice %arg12[%dma_start3A_264, %dma_start3A_265] : memref<10240x128xf32, #tpu.memory_space<vmem_shared>> -> memref<10240x128xf32, #tpu.memory_space<vmem_shared>>
    tpu.enqueue_indirect_dma source(%arg8 : memref<80x128xf32, #tpu.memory_space<vmem>>) target(%dma_start3A_266 : memref<10240x128xf32, #tpu.memory_space<vmem_shared>>) offsets(%dma_start3A_263 : memref<80xi32, #tpu.memory_space<vmem>>) semaphore(%arg17 : memref<!tpu.dma_semaphore, #tpu.memory_space<semaphore_mem>>) {add = true}
    %dma_start3A_267 = arith.constant 31 : i32
    %dma_start3A_268 = arith.constant 0 : i32
    %dma_start3A_269 = tpu.memref_slice %arg7[%dma_start3A_267, %dma_start3A_268] : memref<32x80xi32, #tpu.memory_space<vmem>> -> memref<1x80xi32, #tpu.memory_space<vmem>>
    %dma_start3A_270 = tpu.memref_squeeze %dma_start3A_269 : memref<1x80xi32, #tpu.memory_space<vmem>> -> memref<80xi32, #tpu.memory_space<vmem>>
    %dma_start3A_271 = arith.constant 0 : i32
    %dma_start3A_272 = arith.constant 0 : i32
    %dma_start3A_273 = tpu.memref_slice %arg13[%dma_start3A_271, %dma_start3A_272] : memref<10240x16xf32, #tpu.memory_space<vmem_shared>> -> memref<10240x16xf32, #tpu.memory_space<vmem_shared>>
    tpu.enqueue_indirect_dma source(%arg11 : memref<80x16xf32, #tpu.memory_space<vmem>>) target(%dma_start3A_273 : memref<10240x16xf32, #tpu.memory_space<vmem_shared>>) offsets(%dma_start3A_270 : memref<80xi32, #tpu.memory_space<vmem>>) semaphore(%arg20 : memref<!tpu.dma_semaphore, #tpu.memory_space<semaphore_mem>>) {add = true}
    %dma_wait3A_274 = arith.constant 31 : i32
    %dma_wait3A_275 = arith.constant 0 : i32
    %dma_wait3A_276 = tpu.memref_slice %arg7[%dma_wait3A_274, %dma_wait3A_275] : memref<32x80xi32, #tpu.memory_space<vmem>> -> memref<1x80xi32, #tpu.memory_space<vmem>>
    %dma_wait3A_277 = tpu.memref_squeeze %dma_wait3A_276 : memref<1x80xi32, #tpu.memory_space<vmem>> -> memref<80xi32, #tpu.memory_space<vmem>>
    %dma_wait3A_278 = arith.constant 0 : i32
    %dma_wait3A_279 = arith.constant 0 : i32
    %dma_wait3A_280 = tpu.memref_slice %arg12[%dma_wait3A_278, %dma_wait3A_279] : memref<10240x128xf32, #tpu.memory_space<vmem_shared>> -> memref<10240x128xf32, #tpu.memory_space<vmem_shared>>
    tpu.wait_indirect_dma semaphore(%arg17 : memref<!tpu.dma_semaphore, #tpu.memory_space<semaphore_mem>>) src(%arg8 : memref<80x128xf32, #tpu.memory_space<vmem>>) dst(%dma_wait3A_280 : memref<10240x128xf32, #tpu.memory_space<vmem_shared>>)
    %dma_wait3A_281 = arith.constant 31 : i32
    %dma_wait3A_282 = arith.constant 0 : i32
    %dma_wait3A_283 = tpu.memref_slice %arg7[%dma_wait3A_281, %dma_wait3A_282] : memref<32x80xi32, #tpu.memory_space<vmem>> -> memref<1x80xi32, #tpu.memory_space<vmem>>
    %dma_wait3A_284 = tpu.memref_squeeze %dma_wait3A_283 : memref<1x80xi32, #tpu.memory_space<vmem>> -> memref<80xi32, #tpu.memory_space<vmem>>
    %dma_wait3A_285 = arith.constant 0 : i32
    %dma_wait3A_286 = arith.constant 0 : i32
    %dma_wait3A_287 = tpu.memref_slice %arg13[%dma_wait3A_285, %dma_wait3A_286] : memref<10240x16xf32, #tpu.memory_space<vmem_shared>> -> memref<10240x16xf32, #tpu.memory_space<vmem_shared>>
    tpu.wait_indirect_dma semaphore(%arg20 : memref<!tpu.dma_semaphore, #tpu.memory_space<semaphore_mem>>) src(%arg11 : memref<80x16xf32, #tpu.memory_space<vmem>>) dst(%dma_wait3A_287 : memref<10240x16xf32, #tpu.memory_space<vmem_shared>>)
    %run_scoped3A_288 = arith.constant 0 : i32
    "tpu.region"() ({
      %run_scoped3A_497 = tpu.sem_alloc : memref<!tpu.dma_semaphore, #tpu.memory_space<semaphore_mem>>
      %dma_start3A_498 = arith.constant 0 : i32
      %dma_start3A_499 = arith.constant 0 : i32
      %dma_start3A_500 = arith.constant 0 : i32
      %dma_start3A_501 = tpu.memref_slice %arg3[%run_scoped3A_288, %dma_start3A_498, %dma_start3A_499, %dma_start3A_500] : memref<2x32x125x80xi32, #tpu.memory_space<hbm>> -> memref<1x32x125x80xi32, #tpu.memory_space<hbm>>
      %dma_start3A_502 = tpu.memref_squeeze %dma_start3A_501 : memref<1x32x125x80xi32, #tpu.memory_space<hbm>> -> memref<32x125x80xi32, #tpu.memory_space<hbm>>
      %dma_start3A_503 = arith.constant 0 : i32
      %dma_start3A_504 = arith.constant 0 : i32
      %dma_start3A_505 = tpu.memref_slice %dma_start3A_502[%add3A, %dma_start3A_503, %dma_start3A_504] : memref<32x125x80xi32, #tpu.memory_space<hbm>> -> memref<1x125x80xi32, #tpu.memory_space<hbm>>
      %dma_start3A_506 = tpu.memref_squeeze %dma_start3A_505 : memref<1x125x80xi32, #tpu.memory_space<hbm>> -> memref<125x80xi32, #tpu.memory_space<hbm>>
      %dma_start3A_507 = arith.constant 64 : i32
      %dma_start3A_508 = arith.constant 0 : i32
      %dma_start3A_509 = tpu.memref_slice %dma_start3A_506[%dma_start3A_507, %dma_start3A_508] : memref<125x80xi32, #tpu.memory_space<hbm>> -> memref<32x80xi32, #tpu.memory_space<hbm>>
      %dma_start3A_510 = arith.constant 0 : i32
      %dma_start3A_511 = arith.constant 0 : i32
      %dma_start3A_512 = arith.constant 0 : i32
      %dma_start3A_513 = tpu.memref_slice %arg3[%run_scoped3A_288, %dma_start3A_510, %dma_start3A_511, %dma_start3A_512] : memref<2x32x125x80xi32, #tpu.memory_space<hbm>> -> memref<1x32x125x80xi32, #tpu.memory_space<hbm>>
      %dma_start3A_514 = tpu.memref_squeeze %dma_start3A_513 : memref<1x32x125x80xi32, #tpu.memory_space<hbm>> -> memref<32x125x80xi32, #tpu.memory_space<hbm>>
      %dma_start3A_515 = arith.constant 0 : i32
      %dma_start3A_516 = arith.constant 0 : i32
      %dma_start3A_517 = tpu.memref_slice %dma_start3A_514[%add3A, %dma_start3A_515, %dma_start3A_516] : memref<32x125x80xi32, #tpu.memory_space<hbm>> -> memref<1x125x80xi32, #tpu.memory_space<hbm>>
      %dma_start3A_518 = tpu.memref_squeeze %dma_start3A_517 : memref<1x125x80xi32, #tpu.memory_space<hbm>> -> memref<125x80xi32, #tpu.memory_space<hbm>>
      %dma_start3A_519 = arith.constant 64 : i32
      %dma_start3A_520 = arith.constant 0 : i32
      %dma_start3A_521 = tpu.memref_slice %dma_start3A_518[%dma_start3A_519, %dma_start3A_520] : memref<125x80xi32, #tpu.memory_space<hbm>> -> memref<32x80xi32, #tpu.memory_space<hbm>>
      tpu.enqueue_dma source(%dma_start3A_521 : memref<32x80xi32, #tpu.memory_space<hbm>>) target(%arg6 : memref<32x80xi32, #tpu.memory_space<vmem>>) target_semaphore(%run_scoped3A_497 : memref<!tpu.dma_semaphore, #tpu.memory_space<semaphore_mem>>)
      %dma_wait3A_522 = arith.constant 0 : i32
      %dma_wait3A_523 = arith.constant 0 : i32
      %dma_wait3A_524 = arith.constant 0 : i32
      %dma_wait3A_525 = tpu.memref_slice %arg3[%run_scoped3A_288, %dma_wait3A_522, %dma_wait3A_523, %dma_wait3A_524] : memref<2x32x125x80xi32, #tpu.memory_space<hbm>> -> memref<1x32x125x80xi32, #tpu.memory_space<hbm>>
      %dma_wait3A_526 = tpu.memref_squeeze %dma_wait3A_525 : memref<1x32x125x80xi32, #tpu.memory_space<hbm>> -> memref<32x125x80xi32, #tpu.memory_space<hbm>>
      %dma_wait3A_527 = arith.constant 0 : i32
      %dma_wait3A_528 = arith.constant 0 : i32
      %dma_wait3A_529 = tpu.memref_slice %dma_wait3A_526[%add3A, %dma_wait3A_527, %dma_wait3A_528] : memref<32x125x80xi32, #tpu.memory_space<hbm>> -> memref<1x125x80xi32, #tpu.memory_space<hbm>>
      %dma_wait3A_530 = tpu.memref_squeeze %dma_wait3A_529 : memref<1x125x80xi32, #tpu.memory_space<hbm>> -> memref<125x80xi32, #tpu.memory_space<hbm>>
      %dma_wait3A_531 = arith.constant 64 : i32
      %dma_wait3A_532 = arith.constant 0 : i32
      %dma_wait3A_533 = tpu.memref_slice %dma_wait3A_530[%dma_wait3A_531, %dma_wait3A_532] : memref<125x80xi32, #tpu.memory_space<hbm>> -> memref<32x80xi32, #tpu.memory_space<hbm>>
      %dma_wait3A_534 = arith.constant 0 : i32
      %dma_wait3A_535 = arith.constant 0 : i32
      %dma_wait3A_536 = arith.constant 0 : i32
      %dma_wait3A_537 = tpu.memref_slice %arg3[%run_scoped3A_288, %dma_wait3A_534, %dma_wait3A_535, %dma_wait3A_536] : memref<2x32x125x80xi32, #tpu.memory_space<hbm>> -> memref<1x32x125x80xi32, #tpu.memory_space<hbm>>
      %dma_wait3A_538 = tpu.memref_squeeze %dma_wait3A_537 : memref<1x32x125x80xi32, #tpu.memory_space<hbm>> -> memref<32x125x80xi32, #tpu.memory_space<hbm>>
      %dma_wait3A_539 = arith.constant 0 : i32
      %dma_wait3A_540 = arith.constant 0 : i32
      %dma_wait3A_541 = tpu.memref_slice %dma_wait3A_538[%add3A, %dma_wait3A_539, %dma_wait3A_540] : memref<32x125x80xi32, #tpu.memory_space<hbm>> -> memref<1x125x80xi32, #tpu.memory_space<hbm>>
      %dma_wait3A_542 = tpu.memref_squeeze %dma_wait3A_541 : memref<1x125x80xi32, #tpu.memory_space<hbm>> -> memref<125x80xi32, #tpu.memory_space<hbm>>
      %dma_wait3A_543 = arith.constant 64 : i32
      %dma_wait3A_544 = arith.constant 0 : i32
      %dma_wait3A_545 = tpu.memref_slice %dma_wait3A_542[%dma_wait3A_543, %dma_wait3A_544] : memref<125x80xi32, #tpu.memory_space<hbm>> -> memref<32x80xi32, #tpu.memory_space<hbm>>
      tpu.wait_dma2 semaphore(%run_scoped3A_497 : memref<!tpu.dma_semaphore, #tpu.memory_space<semaphore_mem>>) src(%dma_wait3A_545 : memref<32x80xi32, #tpu.memory_space<hbm>>) dst(%arg6 : memref<32x80xi32, #tpu.memory_space<vmem>>)
      tpu.yield
    }) : () -> ()
    %run_scoped3A_289 = arith.constant 1 : i32
    "tpu.region"() ({
      %run_scoped3A_497 = tpu.sem_alloc : memref<!tpu.dma_semaphore, #tpu.memory_space<semaphore_mem>>
      %dma_start3A_498 = arith.constant 0 : i32
      %dma_start3A_499 = arith.constant 0 : i32
      %dma_start3A_500 = arith.constant 0 : i32
      %dma_start3A_501 = tpu.memref_slice %arg3[%run_scoped3A_289, %dma_start3A_498, %dma_start3A_499, %dma_start3A_500] : memref<2x32x125x80xi32, #tpu.memory_space<hbm>> -> memref<1x32x125x80xi32, #tpu.memory_space<hbm>>
      %dma_start3A_502 = tpu.memref_squeeze %dma_start3A_501 : memref<1x32x125x80xi32, #tpu.memory_space<hbm>> -> memref<32x125x80xi32, #tpu.memory_space<hbm>>
      %dma_start3A_503 = arith.constant 0 : i32
      %dma_start3A_504 = arith.constant 0 : i32
      %dma_start3A_505 = tpu.memref_slice %dma_start3A_502[%add3A, %dma_start3A_503, %dma_start3A_504] : memref<32x125x80xi32, #tpu.memory_space<hbm>> -> memref<1x125x80xi32, #tpu.memory_space<hbm>>
      %dma_start3A_506 = tpu.memref_squeeze %dma_start3A_505 : memref<1x125x80xi32, #tpu.memory_space<hbm>> -> memref<125x80xi32, #tpu.memory_space<hbm>>
      %dma_start3A_507 = arith.constant 64 : i32
      %dma_start3A_508 = arith.constant 0 : i32
      %dma_start3A_509 = tpu.memref_slice %dma_start3A_506[%dma_start3A_507, %dma_start3A_508] : memref<125x80xi32, #tpu.memory_space<hbm>> -> memref<32x80xi32, #tpu.memory_space<hbm>>
      %dma_start3A_510 = arith.constant 0 : i32
      %dma_start3A_511 = arith.constant 0 : i32
      %dma_start3A_512 = arith.constant 0 : i32
      %dma_start3A_513 = tpu.memref_slice %arg3[%run_scoped3A_289, %dma_start3A_510, %dma_start3A_511, %dma_start3A_512] : memref<2x32x125x80xi32, #tpu.memory_space<hbm>> -> memref<1x32x125x80xi32, #tpu.memory_space<hbm>>
      %dma_start3A_514 = tpu.memref_squeeze %dma_start3A_513 : memref<1x32x125x80xi32, #tpu.memory_space<hbm>> -> memref<32x125x80xi32, #tpu.memory_space<hbm>>
      %dma_start3A_515 = arith.constant 0 : i32
      %dma_start3A_516 = arith.constant 0 : i32
      %dma_start3A_517 = tpu.memref_slice %dma_start3A_514[%add3A, %dma_start3A_515, %dma_start3A_516] : memref<32x125x80xi32, #tpu.memory_space<hbm>> -> memref<1x125x80xi32, #tpu.memory_space<hbm>>
      %dma_start3A_518 = tpu.memref_squeeze %dma_start3A_517 : memref<1x125x80xi32, #tpu.memory_space<hbm>> -> memref<125x80xi32, #tpu.memory_space<hbm>>
      %dma_start3A_519 = arith.constant 64 : i32
      %dma_start3A_520 = arith.constant 0 : i32
      %dma_start3A_521 = tpu.memref_slice %dma_start3A_518[%dma_start3A_519, %dma_start3A_520] : memref<125x80xi32, #tpu.memory_space<hbm>> -> memref<32x80xi32, #tpu.memory_space<hbm>>
      tpu.enqueue_dma source(%dma_start3A_521 : memref<32x80xi32, #tpu.memory_space<hbm>>) target(%arg7 : memref<32x80xi32, #tpu.memory_space<vmem>>) target_semaphore(%run_scoped3A_497 : memref<!tpu.dma_semaphore, #tpu.memory_space<semaphore_mem>>)
      %dma_wait3A_522 = arith.constant 0 : i32
      %dma_wait3A_523 = arith.constant 0 : i32
      %dma_wait3A_524 = arith.constant 0 : i32
      %dma_wait3A_525 = tpu.memref_slice %arg3[%run_scoped3A_289, %dma_wait3A_522, %dma_wait3A_523, %dma_wait3A_524] : memref<2x32x125x80xi32, #tpu.memory_space<hbm>> -> memref<1x32x125x80xi32, #tpu.memory_space<hbm>>
      %dma_wait3A_526 = tpu.memref_squeeze %dma_wait3A_525 : memref<1x32x125x80xi32, #tpu.memory_space<hbm>> -> memref<32x125x80xi32, #tpu.memory_space<hbm>>
      %dma_wait3A_527 = arith.constant 0 : i32
      %dma_wait3A_528 = arith.constant 0 : i32
      %dma_wait3A_529 = tpu.memref_slice %dma_wait3A_526[%add3A, %dma_wait3A_527, %dma_wait3A_528] : memref<32x125x80xi32, #tpu.memory_space<hbm>> -> memref<1x125x80xi32, #tpu.memory_space<hbm>>
      %dma_wait3A_530 = tpu.memref_squeeze %dma_wait3A_529 : memref<1x125x80xi32, #tpu.memory_space<hbm>> -> memref<125x80xi32, #tpu.memory_space<hbm>>
      %dma_wait3A_531 = arith.constant 64 : i32
      %dma_wait3A_532 = arith.constant 0 : i32
      %dma_wait3A_533 = tpu.memref_slice %dma_wait3A_530[%dma_wait3A_531, %dma_wait3A_532] : memref<125x80xi32, #tpu.memory_space<hbm>> -> memref<32x80xi32, #tpu.memory_space<hbm>>
      %dma_wait3A_534 = arith.constant 0 : i32
      %dma_wait3A_535 = arith.constant 0 : i32
      %dma_wait3A_536 = arith.constant 0 : i32
      %dma_wait3A_537 = tpu.memref_slice %arg3[%run_scoped3A_289, %dma_wait3A_534, %dma_wait3A_535, %dma_wait3A_536] : memref<2x32x125x80xi32, #tpu.memory_space<hbm>> -> memref<1x32x125x80xi32, #tpu.memory_space<hbm>>
      %dma_wait3A_538 = tpu.memref_squeeze %dma_wait3A_537 : memref<1x32x125x80xi32, #tpu.memory_space<hbm>> -> memref<32x125x80xi32, #tpu.memory_space<hbm>>
      %dma_wait3A_539 = arith.constant 0 : i32
      %dma_wait3A_540 = arith.constant 0 : i32
      %dma_wait3A_541 = tpu.memref_slice %dma_wait3A_538[%add3A, %dma_wait3A_539, %dma_wait3A_540] : memref<32x125x80xi32, #tpu.memory_space<hbm>> -> memref<1x125x80xi32, #tpu.memory_space<hbm>>
      %dma_wait3A_542 = tpu.memref_squeeze %dma_wait3A_541 : memref<1x125x80xi32, #tpu.memory_space<hbm>> -> memref<125x80xi32, #tpu.memory_space<hbm>>
      %dma_wait3A_543 = arith.constant 64 : i32
      %dma_wait3A_544 = arith.constant 0 : i32
      %dma_wait3A_545 = tpu.memref_slice %dma_wait3A_542[%dma_wait3A_543, %dma_wait3A_544] : memref<125x80xi32, #tpu.memory_space<hbm>> -> memref<32x80xi32, #tpu.memory_space<hbm>>
      tpu.wait_dma2 semaphore(%run_scoped3A_497 : memref<!tpu.dma_semaphore, #tpu.memory_space<semaphore_mem>>) src(%dma_wait3A_545 : memref<32x80xi32, #tpu.memory_space<hbm>>) dst(%arg7 : memref<32x80xi32, #tpu.memory_space<vmem>>)
      tpu.yield
    }) : () -> ()
    %dma_start3A_290 = arith.constant 0 : i32
    %dma_start3A_291 = arith.constant 0 : i32
    %dma_start3A_292 = tpu.memref_slice %arg6[%dma_start3A_290, %dma_start3A_291] : memref<32x80xi32, #tpu.memory_space<vmem>> -> memref<1x80xi32, #tpu.memory_space<vmem>>
    %dma_start3A_293 = tpu.memref_squeeze %dma_start3A_292 : memref<1x80xi32, #tpu.memory_space<vmem>> -> memref<80xi32, #tpu.memory_space<vmem>>
    %dma_start3A_294 = arith.constant 0 : i32
    %dma_start3A_295 = arith.constant 0 : i32
    %dma_start3A_296 = tpu.memref_slice %arg2[%dma_start3A_294, %dma_start3A_295] : memref<10000x128xf32, #tpu.memory_space<hbm>> -> memref<10000x128xf32, #tpu.memory_space<hbm>>
    tpu.enqueue_indirect_dma source(%dma_start3A_296 : memref<10000x128xf32, #tpu.memory_space<hbm>>) target(%arg9 : memref<80x128xf32, #tpu.memory_space<vmem>>) offsets(%dma_start3A_293 : memref<80xi32, #tpu.memory_space<vmem>>) semaphore(%arg15 : memref<!tpu.dma_semaphore, #tpu.memory_space<semaphore_mem>>)
    %dma_start3A_297 = arith.constant 1 : i32
    %dma_start3A_298 = arith.constant 0 : i32
    %dma_start3A_299 = tpu.memref_slice %arg6[%dma_start3A_297, %dma_start3A_298] : memref<32x80xi32, #tpu.memory_space<vmem>> -> memref<1x80xi32, #tpu.memory_space<vmem>>
    %dma_start3A_300 = tpu.memref_squeeze %dma_start3A_299 : memref<1x80xi32, #tpu.memory_space<vmem>> -> memref<80xi32, #tpu.memory_space<vmem>>
    %dma_start3A_301 = arith.constant 0 : i32
    %dma_start3A_302 = arith.constant 0 : i32
    %dma_start3A_303 = tpu.memref_slice %arg2[%dma_start3A_301, %dma_start3A_302] : memref<10000x128xf32, #tpu.memory_space<hbm>> -> memref<10000x128xf32, #tpu.memory_space<hbm>>
    tpu.enqueue_indirect_dma source(%dma_start3A_303 : memref<10000x128xf32, #tpu.memory_space<hbm>>) target(%arg10 : memref<80x128xf32, #tpu.memory_space<vmem>>) offsets(%dma_start3A_300 : memref<80xi32, #tpu.memory_space<vmem>>) semaphore(%arg16 : memref<!tpu.dma_semaphore, #tpu.memory_space<semaphore_mem>>)
    %dma_start3A_304 = arith.constant 2 : i32
    %dma_start3A_305 = arith.constant 0 : i32
    %dma_start3A_306 = tpu.memref_slice %arg6[%dma_start3A_304, %dma_start3A_305] : memref<32x80xi32, #tpu.memory_space<vmem>> -> memref<1x80xi32, #tpu.memory_space<vmem>>
    %dma_start3A_307 = tpu.memref_squeeze %dma_start3A_306 : memref<1x80xi32, #tpu.memory_space<vmem>> -> memref<80xi32, #tpu.memory_space<vmem>>
    %dma_start3A_308 = arith.constant 0 : i32
    %dma_start3A_309 = arith.constant 0 : i32
    %dma_start3A_310 = tpu.memref_slice %arg2[%dma_start3A_308, %dma_start3A_309] : memref<10000x128xf32, #tpu.memory_space<hbm>> -> memref<10000x128xf32, #tpu.memory_space<hbm>>
    tpu.enqueue_indirect_dma source(%dma_start3A_310 : memref<10000x128xf32, #tpu.memory_space<hbm>>) target(%arg8 : memref<80x128xf32, #tpu.memory_space<vmem>>) offsets(%dma_start3A_307 : memref<80xi32, #tpu.memory_space<vmem>>) semaphore(%arg14 : memref<!tpu.dma_semaphore, #tpu.memory_space<semaphore_mem>>)
    %dma_wait3A_311 = arith.constant 0 : i32
    %dma_wait3A_312 = arith.constant 0 : i32
    %dma_wait3A_313 = tpu.memref_slice %arg6[%dma_wait3A_311, %dma_wait3A_312] : memref<32x80xi32, #tpu.memory_space<vmem>> -> memref<1x80xi32, #tpu.memory_space<vmem>>
    %dma_wait3A_314 = tpu.memref_squeeze %dma_wait3A_313 : memref<1x80xi32, #tpu.memory_space<vmem>> -> memref<80xi32, #tpu.memory_space<vmem>>
    %dma_wait3A_315 = arith.constant 0 : i32
    %dma_wait3A_316 = arith.constant 0 : i32
    %dma_wait3A_317 = tpu.memref_slice %arg2[%dma_wait3A_315, %dma_wait3A_316] : memref<10000x128xf32, #tpu.memory_space<hbm>> -> memref<10000x128xf32, #tpu.memory_space<hbm>>
    tpu.wait_indirect_dma semaphore(%arg15 : memref<!tpu.dma_semaphore, #tpu.memory_space<semaphore_mem>>) src(%dma_wait3A_317 : memref<10000x128xf32, #tpu.memory_space<hbm>>) dst(%arg9 : memref<80x128xf32, #tpu.memory_space<vmem>>)
    %dma_start3A_318 = arith.constant 0 : i32
    %dma_start3A_319 = arith.constant 0 : i32
    %dma_start3A_320 = tpu.memref_slice %arg7[%dma_start3A_318, %dma_start3A_319] : memref<32x80xi32, #tpu.memory_space<vmem>> -> memref<1x80xi32, #tpu.memory_space<vmem>>
    %dma_start3A_321 = tpu.memref_squeeze %dma_start3A_320 : memref<1x80xi32, #tpu.memory_space<vmem>> -> memref<80xi32, #tpu.memory_space<vmem>>
    %dma_start3A_322 = arith.constant 0 : i32
    %dma_start3A_323 = arith.constant 0 : i32
    %dma_start3A_324 = tpu.memref_slice %arg12[%dma_start3A_322, %dma_start3A_323] : memref<10240x128xf32, #tpu.memory_space<vmem_shared>> -> memref<10240x128xf32, #tpu.memory_space<vmem_shared>>
    tpu.enqueue_indirect_dma source(%arg9 : memref<80x128xf32, #tpu.memory_space<vmem>>) target(%dma_start3A_324 : memref<10240x128xf32, #tpu.memory_space<vmem_shared>>) offsets(%dma_start3A_321 : memref<80xi32, #tpu.memory_space<vmem>>) semaphore(%arg18 : memref<!tpu.dma_semaphore, #tpu.memory_space<semaphore_mem>>) {add = true}
    %dma_start3A_325 = arith.constant 0 : i32
    %dma_start3A_326 = arith.constant 0 : i32
    %dma_start3A_327 = tpu.memref_slice %arg7[%dma_start3A_325, %dma_start3A_326] : memref<32x80xi32, #tpu.memory_space<vmem>> -> memref<1x80xi32, #tpu.memory_space<vmem>>
    %dma_start3A_328 = tpu.memref_squeeze %dma_start3A_327 : memref<1x80xi32, #tpu.memory_space<vmem>> -> memref<80xi32, #tpu.memory_space<vmem>>
    %dma_start3A_329 = arith.constant 0 : i32
    %dma_start3A_330 = arith.constant 0 : i32
    %dma_start3A_331 = tpu.memref_slice %arg13[%dma_start3A_329, %dma_start3A_330] : memref<10240x16xf32, #tpu.memory_space<vmem_shared>> -> memref<10240x16xf32, #tpu.memory_space<vmem_shared>>
    tpu.enqueue_indirect_dma source(%arg11 : memref<80x16xf32, #tpu.memory_space<vmem>>) target(%dma_start3A_331 : memref<10240x16xf32, #tpu.memory_space<vmem_shared>>) offsets(%dma_start3A_328 : memref<80xi32, #tpu.memory_space<vmem>>) semaphore(%arg21 : memref<!tpu.dma_semaphore, #tpu.memory_space<semaphore_mem>>) {add = true}
    %scan3A_332 = arith.constant 0 : i32
    %scan3A_333 = arith.constant 0 : i32
    %scan3A_334 = arith.constant 10 : i32
    %scan3A_335 = arith.addi %scan3A_333, %scan3A_334 : i32
    %scan3A_336 = arith.constant 1 : i32
    %scan3A_337 = scf.for %scan3A_497 = %scan3A_333 to %scan3A_335 step %scan3A_336 iter_args(%scan3A_498 = %scan3A_332) -> (i32)  : i32 {
      %mul3A_499 = arith.constant 3 : i32
      %mul3A_500 = arith.muli %mul3A_499, %scan3A_497 : i32
      %add3A_501 = arith.constant 65 : i32
      %add3A_502 = arith.addi %add3A_501, %mul3A_500 : i32
      %add3A_503 = arith.constant 0 : i32
      %add3A_504 = arith.addi %add3A_502, %add3A_503 : i32
      %sub3A = arith.constant 1 : i32
      %sub3A_505 = arith.subi %add3A_504, %sub3A : i32
      %sub3A_506 = arith.constant 64 : i32
      %sub3A_507 = arith.subi %sub3A_505, %sub3A_506 : i32
      %dma_wait3A_508 = arith.constant 0 : i32
      %dma_wait3A_509 = tpu.memref_slice %arg7[%sub3A_507, %dma_wait3A_508] : memref<32x80xi32, #tpu.memory_space<vmem>> -> memref<1x80xi32, #tpu.memory_space<vmem>>
      %dma_wait3A_510 = tpu.memref_squeeze %dma_wait3A_509 : memref<1x80xi32, #tpu.memory_space<vmem>> -> memref<80xi32, #tpu.memory_space<vmem>>
      %dma_wait3A_511 = arith.constant 0 : i32
      %dma_wait3A_512 = arith.constant 0 : i32
      %dma_wait3A_513 = tpu.memref_slice %arg12[%dma_wait3A_511, %dma_wait3A_512] : memref<10240x128xf32, #tpu.memory_space<vmem_shared>> -> memref<10240x128xf32, #tpu.memory_space<vmem_shared>>
      tpu.wait_indirect_dma semaphore(%arg18 : memref<!tpu.dma_semaphore, #tpu.memory_space<semaphore_mem>>) src(%arg9 : memref<80x128xf32, #tpu.memory_space<vmem>>) dst(%dma_wait3A_513 : memref<10240x128xf32, #tpu.memory_space<vmem_shared>>)
      %sub3A_514 = arith.constant 64 : i32
      %sub3A_515 = arith.subi %sub3A_505, %sub3A_514 : i32
      %dma_wait3A_516 = arith.constant 0 : i32
      %dma_wait3A_517 = tpu.memref_slice %arg7[%sub3A_515, %dma_wait3A_516] : memref<32x80xi32, #tpu.memory_space<vmem>> -> memref<1x80xi32, #tpu.memory_space<vmem>>
      %dma_wait3A_518 = tpu.memref_squeeze %dma_wait3A_517 : memref<1x80xi32, #tpu.memory_space<vmem>> -> memref<80xi32, #tpu.memory_space<vmem>>
      %dma_wait3A_519 = arith.constant 0 : i32
      %dma_wait3A_520 = arith.constant 0 : i32
      %dma_wait3A_521 = tpu.memref_slice %arg13[%dma_wait3A_519, %dma_wait3A_520] : memref<10240x16xf32, #tpu.memory_space<vmem_shared>> -> memref<10240x16xf32, #tpu.memory_space<vmem_shared>>
      tpu.wait_indirect_dma semaphore(%arg21 : memref<!tpu.dma_semaphore, #tpu.memory_space<semaphore_mem>>) src(%arg11 : memref<80x16xf32, #tpu.memory_space<vmem>>) dst(%dma_wait3A_521 : memref<10240x16xf32, #tpu.memory_space<vmem_shared>>)
      %add3A_522 = arith.constant 2 : i32
      %add3A_523 = arith.addi %add3A_504, %add3A_522 : i32
      %lt3A = arith.constant 96 : i32
      %lt3A_524 = arith.cmpi slt, %add3A_523, %lt3A : i32
      %convert_element_type3A = arith.extui %lt3A_524 : i1 to i32
      %cond3A = arith.constant 0 : i32
      %cond3A_525 = arith.cmpi ne, %convert_element_type3A, %cond3A : i32
      scf.if %cond3A_525 {
        %add3A_661 = arith.constant 2 : i32
        %add3A_662 = arith.addi %add3A_504, %add3A_661 : i32
        %sub3A_663 = arith.constant 64 : i32
        %sub3A_664 = arith.subi %add3A_662, %sub3A_663 : i32
        %dma_start3A_665 = arith.constant 0 : i32
        %dma_start3A_666 = tpu.memref_slice %arg6[%sub3A_664, %dma_start3A_665] : memref<32x80xi32, #tpu.memory_space<vmem>> -> memref<1x80xi32, #tpu.memory_space<vmem>>
        %dma_start3A_667 = tpu.memref_squeeze %dma_start3A_666 : memref<1x80xi32, #tpu.memory_space<vmem>> -> memref<80xi32, #tpu.memory_space<vmem>>
        %dma_start3A_668 = arith.constant 0 : i32
        %dma_start3A_669 = arith.constant 0 : i32
        %dma_start3A_670 = tpu.memref_slice %arg2[%dma_start3A_668, %dma_start3A_669] : memref<10000x128xf32, #tpu.memory_space<hbm>> -> memref<10000x128xf32, #tpu.memory_space<hbm>>
        tpu.enqueue_indirect_dma source(%dma_start3A_670 : memref<10000x128xf32, #tpu.memory_space<hbm>>) target(%arg9 : memref<80x128xf32, #tpu.memory_space<vmem>>) offsets(%dma_start3A_667 : memref<80xi32, #tpu.memory_space<vmem>>) semaphore(%arg15 : memref<!tpu.dma_semaphore, #tpu.memory_space<semaphore_mem>>)
      } else {
      }
      %sub3A_526 = arith.constant 64 : i32
      %sub3A_527 = arith.subi %add3A_504, %sub3A_526 : i32
      %dma_wait3A_528 = arith.constant 0 : i32
      %dma_wait3A_529 = tpu.memref_slice %arg6[%sub3A_527, %dma_wait3A_528] : memref<32x80xi32, #tpu.memory_space<vmem>> -> memref<1x80xi32, #tpu.memory_space<vmem>>
      %dma_wait3A_530 = tpu.memref_squeeze %dma_wait3A_529 : memref<1x80xi32, #tpu.memory_space<vmem>> -> memref<80xi32, #tpu.memory_space<vmem>>
      %dma_wait3A_531 = arith.constant 0 : i32
      %dma_wait3A_532 = arith.constant 0 : i32
      %dma_wait3A_533 = tpu.memref_slice %arg2[%dma_wait3A_531, %dma_wait3A_532] : memref<10000x128xf32, #tpu.memory_space<hbm>> -> memref<10000x128xf32, #tpu.memory_space<hbm>>
      tpu.wait_indirect_dma semaphore(%arg16 : memref<!tpu.dma_semaphore, #tpu.memory_space<semaphore_mem>>) src(%dma_wait3A_533 : memref<10000x128xf32, #tpu.memory_space<hbm>>) dst(%arg10 : memref<80x128xf32, #tpu.memory_space<vmem>>)
      %sub3A_534 = arith.constant 64 : i32
      %sub3A_535 = arith.subi %add3A_504, %sub3A_534 : i32
      %dma_start3A_536 = arith.constant 0 : i32
      %dma_start3A_537 = tpu.memref_slice %arg7[%sub3A_535, %dma_start3A_536] : memref<32x80xi32, #tpu.memory_space<vmem>> -> memref<1x80xi32, #tpu.memory_space<vmem>>
      %dma_start3A_538 = tpu.memref_squeeze %dma_start3A_537 : memref<1x80xi32, #tpu.memory_space<vmem>> -> memref<80xi32, #tpu.memory_space<vmem>>
      %dma_start3A_539 = arith.constant 0 : i32
      %dma_start3A_540 = arith.constant 0 : i32
      %dma_start3A_541 = tpu.memref_slice %arg12[%dma_start3A_539, %dma_start3A_540] : memref<10240x128xf32, #tpu.memory_space<vmem_shared>> -> memref<10240x128xf32, #tpu.memory_space<vmem_shared>>
      tpu.enqueue_indirect_dma source(%arg10 : memref<80x128xf32, #tpu.memory_space<vmem>>) target(%dma_start3A_541 : memref<10240x128xf32, #tpu.memory_space<vmem_shared>>) offsets(%dma_start3A_538 : memref<80xi32, #tpu.memory_space<vmem>>) semaphore(%arg19 : memref<!tpu.dma_semaphore, #tpu.memory_space<semaphore_mem>>) {add = true}
      %sub3A_542 = arith.constant 64 : i32
      %sub3A_543 = arith.subi %add3A_504, %sub3A_542 : i32
      %dma_start3A_544 = arith.constant 0 : i32
      %dma_start3A_545 = tpu.memref_slice %arg7[%sub3A_543, %dma_start3A_544] : memref<32x80xi32, #tpu.memory_space<vmem>> -> memref<1x80xi32, #tpu.memory_space<vmem>>
      %dma_start3A_546 = tpu.memref_squeeze %dma_start3A_545 : memref<1x80xi32, #tpu.memory_space<vmem>> -> memref<80xi32, #tpu.memory_space<vmem>>
      %dma_start3A_547 = arith.constant 0 : i32
      %dma_start3A_548 = arith.constant 0 : i32
      %dma_start3A_549 = tpu.memref_slice %arg13[%dma_start3A_547, %dma_start3A_548] : memref<10240x16xf32, #tpu.memory_space<vmem_shared>> -> memref<10240x16xf32, #tpu.memory_space<vmem_shared>>
      tpu.enqueue_indirect_dma source(%arg11 : memref<80x16xf32, #tpu.memory_space<vmem>>) target(%dma_start3A_549 : memref<10240x16xf32, #tpu.memory_space<vmem_shared>>) offsets(%dma_start3A_546 : memref<80xi32, #tpu.memory_space<vmem>>) semaphore(%arg22 : memref<!tpu.dma_semaphore, #tpu.memory_space<semaphore_mem>>) {add = true}
      %mul3A_550 = arith.constant 3 : i32
      %mul3A_551 = arith.muli %mul3A_550, %scan3A_497 : i32
      %add3A_552 = arith.constant 65 : i32
      %add3A_553 = arith.addi %add3A_552, %mul3A_551 : i32
      %add3A_554 = arith.constant 1 : i32
      %add3A_555 = arith.addi %add3A_553, %add3A_554 : i32
      %sub3A_556 = arith.constant 1 : i32
      %sub3A_557 = arith.subi %add3A_555, %sub3A_556 : i32
      %sub3A_558 = arith.constant 64 : i32
      %sub3A_559 = arith.subi %sub3A_557, %sub3A_558 : i32
      %dma_wait3A_560 = arith.constant 0 : i32
      %dma_wait3A_561 = tpu.memref_slice %arg7[%sub3A_559, %dma_wait3A_560] : memref<32x80xi32, #tpu.memory_space<vmem>> -> memref<1x80xi32, #tpu.memory_space<vmem>>
      %dma_wait3A_562 = tpu.memref_squeeze %dma_wait3A_561 : memref<1x80xi32, #tpu.memory_space<vmem>> -> memref<80xi32, #tpu.memory_space<vmem>>
      %dma_wait3A_563 = arith.constant 0 : i32
      %dma_wait3A_564 = arith.constant 0 : i32
      %dma_wait3A_565 = tpu.memref_slice %arg12[%dma_wait3A_563, %dma_wait3A_564] : memref<10240x128xf32, #tpu.memory_space<vmem_shared>> -> memref<10240x128xf32, #tpu.memory_space<vmem_shared>>
      tpu.wait_indirect_dma semaphore(%arg19 : memref<!tpu.dma_semaphore, #tpu.memory_space<semaphore_mem>>) src(%arg10 : memref<80x128xf32, #tpu.memory_space<vmem>>) dst(%dma_wait3A_565 : memref<10240x128xf32, #tpu.memory_space<vmem_shared>>)
      %sub3A_566 = arith.constant 64 : i32
      %sub3A_567 = arith.subi %sub3A_557, %sub3A_566 : i32
      %dma_wait3A_568 = arith.constant 0 : i32
      %dma_wait3A_569 = tpu.memref_slice %arg7[%sub3A_567, %dma_wait3A_568] : memref<32x80xi32, #tpu.memory_space<vmem>> -> memref<1x80xi32, #tpu.memory_space<vmem>>
      %dma_wait3A_570 = tpu.memref_squeeze %dma_wait3A_569 : memref<1x80xi32, #tpu.memory_space<vmem>> -> memref<80xi32, #tpu.memory_space<vmem>>
      %dma_wait3A_571 = arith.constant 0 : i32
      %dma_wait3A_572 = arith.constant 0 : i32
      %dma_wait3A_573 = tpu.memref_slice %arg13[%dma_wait3A_571, %dma_wait3A_572] : memref<10240x16xf32, #tpu.memory_space<vmem_shared>> -> memref<10240x16xf32, #tpu.memory_space<vmem_shared>>
      tpu.wait_indirect_dma semaphore(%arg22 : memref<!tpu.dma_semaphore, #tpu.memory_space<semaphore_mem>>) src(%arg11 : memref<80x16xf32, #tpu.memory_space<vmem>>) dst(%dma_wait3A_573 : memref<10240x16xf32, #tpu.memory_space<vmem_shared>>)
      %add3A_574 = arith.constant 2 : i32
      %add3A_575 = arith.addi %add3A_555, %add3A_574 : i32
      %lt3A_576 = arith.constant 96 : i32
      %lt3A_577 = arith.cmpi slt, %add3A_575, %lt3A_576 : i32
      %convert_element_type3A_578 = arith.extui %lt3A_577 : i1 to i32
      %cond3A_579 = arith.constant 0 : i32
      %cond3A_580 = arith.cmpi ne, %convert_element_type3A_578, %cond3A_579 : i32
      scf.if %cond3A_580 {
        %add3A_661 = arith.constant 2 : i32
        %add3A_662 = arith.addi %add3A_555, %add3A_661 : i32
        %sub3A_663 = arith.constant 64 : i32
        %sub3A_664 = arith.subi %add3A_662, %sub3A_663 : i32
        %dma_start3A_665 = arith.constant 0 : i32
        %dma_start3A_666 = tpu.memref_slice %arg6[%sub3A_664, %dma_start3A_665] : memref<32x80xi32, #tpu.memory_space<vmem>> -> memref<1x80xi32, #tpu.memory_space<vmem>>
        %dma_start3A_667 = tpu.memref_squeeze %dma_start3A_666 : memref<1x80xi32, #tpu.memory_space<vmem>> -> memref<80xi32, #tpu.memory_space<vmem>>
        %dma_start3A_668 = arith.constant 0 : i32
        %dma_start3A_669 = arith.constant 0 : i32
        %dma_start3A_670 = tpu.memref_slice %arg2[%dma_start3A_668, %dma_start3A_669] : memref<10000x128xf32, #tpu.memory_space<hbm>> -> memref<10000x128xf32, #tpu.memory_space<hbm>>
        tpu.enqueue_indirect_dma source(%dma_start3A_670 : memref<10000x128xf32, #tpu.memory_space<hbm>>) target(%arg10 : memref<80x128xf32, #tpu.memory_space<vmem>>) offsets(%dma_start3A_667 : memref<80xi32, #tpu.memory_space<vmem>>) semaphore(%arg16 : memref<!tpu.dma_semaphore, #tpu.memory_space<semaphore_mem>>)
      } else {
      }
      %sub3A_581 = arith.constant 64 : i32
      %sub3A_582 = arith.subi %add3A_555, %sub3A_581 : i32
      %dma_wait3A_583 = arith.constant 0 : i32
      %dma_wait3A_584 = tpu.memref_slice %arg6[%sub3A_582, %dma_wait3A_583] : memref<32x80xi32, #tpu.memory_space<vmem>> -> memref<1x80xi32, #tpu.memory_space<vmem>>
      %dma_wait3A_585 = tpu.memref_squeeze %dma_wait3A_584 : memref<1x80xi32, #tpu.memory_space<vmem>> -> memref<80xi32, #tpu.memory_space<vmem>>
      %dma_wait3A_586 = arith.constant 0 : i32
      %dma_wait3A_587 = arith.constant 0 : i32
      %dma_wait3A_588 = tpu.memref_slice %arg2[%dma_wait3A_586, %dma_wait3A_587] : memref<10000x128xf32, #tpu.memory_space<hbm>> -> memref<10000x128xf32, #tpu.memory_space<hbm>>
      tpu.wait_indirect_dma semaphore(%arg14 : memref<!tpu.dma_semaphore, #tpu.memory_space<semaphore_mem>>) src(%dma_wait3A_588 : memref<10000x128xf32, #tpu.memory_space<hbm>>) dst(%arg8 : memref<80x128xf32, #tpu.memory_space<vmem>>)
      %sub3A_589 = arith.constant 64 : i32
      %sub3A_590 = arith.subi %add3A_555, %sub3A_589 : i32
      %dma_start3A_591 = arith.constant 0 : i32
      %dma_start3A_592 = tpu.memref_slice %arg7[%sub3A_590, %dma_start3A_591] : memref<32x80xi32, #tpu.memory_space<vmem>> -> memref<1x80xi32, #tpu.memory_space<vmem>>
      %dma_start3A_593 = tpu.memref_squeeze %dma_start3A_592 : memref<1x80xi32, #tpu.memory_space<vmem>> -> memref<80xi32, #tpu.memory_space<vmem>>
      %dma_start3A_594 = arith.constant 0 : i32
      %dma_start3A_595 = arith.constant 0 : i32
      %dma_start3A_596 = tpu.memref_slice %arg12[%dma_start3A_594, %dma_start3A_595] : memref<10240x128xf32, #tpu.memory_space<vmem_shared>> -> memref<10240x128xf32, #tpu.memory_space<vmem_shared>>
      tpu.enqueue_indirect_dma source(%arg8 : memref<80x128xf32, #tpu.memory_space<vmem>>) target(%dma_start3A_596 : memref<10240x128xf32, #tpu.memory_space<vmem_shared>>) offsets(%dma_start3A_593 : memref<80xi32, #tpu.memory_space<vmem>>) semaphore(%arg17 : memref<!tpu.dma_semaphore, #tpu.memory_space<semaphore_mem>>) {add = true}
      %sub3A_597 = arith.constant 64 : i32
      %sub3A_598 = arith.subi %add3A_555, %sub3A_597 : i32
      %dma_start3A_599 = arith.constant 0 : i32
      %dma_start3A_600 = tpu.memref_slice %arg7[%sub3A_598, %dma_start3A_599] : memref<32x80xi32, #tpu.memory_space<vmem>> -> memref<1x80xi32, #tpu.memory_space<vmem>>
      %dma_start3A_601 = tpu.memref_squeeze %dma_start3A_600 : memref<1x80xi32, #tpu.memory_space<vmem>> -> memref<80xi32, #tpu.memory_space<vmem>>
      %dma_start3A_602 = arith.constant 0 : i32
      %dma_start3A_603 = arith.constant 0 : i32
      %dma_start3A_604 = tpu.memref_slice %arg13[%dma_start3A_602, %dma_start3A_603] : memref<10240x16xf32, #tpu.memory_space<vmem_shared>> -> memref<10240x16xf32, #tpu.memory_space<vmem_shared>>
      tpu.enqueue_indirect_dma source(%arg11 : memref<80x16xf32, #tpu.memory_space<vmem>>) target(%dma_start3A_604 : memref<10240x16xf32, #tpu.memory_space<vmem_shared>>) offsets(%dma_start3A_601 : memref<80xi32, #tpu.memory_space<vmem>>) semaphore(%arg20 : memref<!tpu.dma_semaphore, #tpu.memory_space<semaphore_mem>>) {add = true}
      %mul3A_605 = arith.constant 3 : i32
      %mul3A_606 = arith.muli %mul3A_605, %scan3A_497 : i32
      %add3A_607 = arith.constant 65 : i32
      %add3A_608 = arith.addi %add3A_607, %mul3A_606 : i32
      %add3A_609 = arith.constant 2 : i32
      %add3A_610 = arith.addi %add3A_608, %add3A_609 : i32
      %sub3A_611 = arith.constant 1 : i32
      %sub3A_612 = arith.subi %add3A_610, %sub3A_611 : i32
      %sub3A_613 = arith.constant 64 : i32
      %sub3A_614 = arith.subi %sub3A_612, %sub3A_613 : i32
      %dma_wait3A_615 = arith.constant 0 : i32
      %dma_wait3A_616 = tpu.memref_slice %arg7[%sub3A_614, %dma_wait3A_615] : memref<32x80xi32, #tpu.memory_space<vmem>> -> memref<1x80xi32, #tpu.memory_space<vmem>>
      %dma_wait3A_617 = tpu.memref_squeeze %dma_wait3A_616 : memref<1x80xi32, #tpu.memory_space<vmem>> -> memref<80xi32, #tpu.memory_space<vmem>>
      %dma_wait3A_618 = arith.constant 0 : i32
      %dma_wait3A_619 = arith.constant 0 : i32
      %dma_wait3A_620 = tpu.memref_slice %arg12[%dma_wait3A_618, %dma_wait3A_619] : memref<10240x128xf32, #tpu.memory_space<vmem_shared>> -> memref<10240x128xf32, #tpu.memory_space<vmem_shared>>
      tpu.wait_indirect_dma semaphore(%arg17 : memref<!tpu.dma_semaphore, #tpu.memory_space<semaphore_mem>>) src(%arg8 : memref<80x128xf32, #tpu.memory_space<vmem>>) dst(%dma_wait3A_620 : memref<10240x128xf32, #tpu.memory_space<vmem_shared>>)
      %sub3A_621 = arith.constant 64 : i32
      %sub3A_622 = arith.subi %sub3A_612, %sub3A_621 : i32
      %dma_wait3A_623 = arith.constant 0 : i32
      %dma_wait3A_624 = tpu.memref_slice %arg7[%sub3A_622, %dma_wait3A_623] : memref<32x80xi32, #tpu.memory_space<vmem>> -> memref<1x80xi32, #tpu.memory_space<vmem>>
      %dma_wait3A_625 = tpu.memref_squeeze %dma_wait3A_624 : memref<1x80xi32, #tpu.memory_space<vmem>> -> memref<80xi32, #tpu.memory_space<vmem>>
      %dma_wait3A_626 = arith.constant 0 : i32
      %dma_wait3A_627 = arith.constant 0 : i32
      %dma_wait3A_628 = tpu.memref_slice %arg13[%dma_wait3A_626, %dma_wait3A_627] : memref<10240x16xf32, #tpu.memory_space<vmem_shared>> -> memref<10240x16xf32, #tpu.memory_space<vmem_shared>>
      tpu.wait_indirect_dma semaphore(%arg20 : memref<!tpu.dma_semaphore, #tpu.memory_space<semaphore_mem>>) src(%arg11 : memref<80x16xf32, #tpu.memory_space<vmem>>) dst(%dma_wait3A_628 : memref<10240x16xf32, #tpu.memory_space<vmem_shared>>)
      %add3A_629 = arith.constant 2 : i32
      %add3A_630 = arith.addi %add3A_610, %add3A_629 : i32
      %lt3A_631 = arith.constant 96 : i32
      %lt3A_632 = arith.cmpi slt, %add3A_630, %lt3A_631 : i32
      %convert_element_type3A_633 = arith.extui %lt3A_632 : i1 to i32
      %cond3A_634 = arith.constant 0 : i32
      %cond3A_635 = arith.cmpi ne, %convert_element_type3A_633, %cond3A_634 : i32
      scf.if %cond3A_635 {
        %add3A_661 = arith.constant 2 : i32
        %add3A_662 = arith.addi %add3A_610, %add3A_661 : i32
        %sub3A_663 = arith.constant 64 : i32
        %sub3A_664 = arith.subi %add3A_662, %sub3A_663 : i32
        %dma_start3A_665 = arith.constant 0 : i32
        %dma_start3A_666 = tpu.memref_slice %arg6[%sub3A_664, %dma_start3A_665] : memref<32x80xi32, #tpu.memory_space<vmem>> -> memref<1x80xi32, #tpu.memory_space<vmem>>
        %dma_start3A_667 = tpu.memref_squeeze %dma_start3A_666 : memref<1x80xi32, #tpu.memory_space<vmem>> -> memref<80xi32, #tpu.memory_space<vmem>>
        %dma_start3A_668 = arith.constant 0 : i32
        %dma_start3A_669 = arith.constant 0 : i32
        %dma_start3A_670 = tpu.memref_slice %arg2[%dma_start3A_668, %dma_start3A_669] : memref<10000x128xf32, #tpu.memory_space<hbm>> -> memref<10000x128xf32, #tpu.memory_space<hbm>>
        tpu.enqueue_indirect_dma source(%dma_start3A_670 : memref<10000x128xf32, #tpu.memory_space<hbm>>) target(%arg8 : memref<80x128xf32, #tpu.memory_space<vmem>>) offsets(%dma_start3A_667 : memref<80xi32, #tpu.memory_space<vmem>>) semaphore(%arg14 : memref<!tpu.dma_semaphore, #tpu.memory_space<semaphore_mem>>)
      } else {
      }
      %sub3A_636 = arith.constant 64 : i32
      %sub3A_637 = arith.subi %add3A_610, %sub3A_636 : i32
      %dma_wait3A_638 = arith.constant 0 : i32
      %dma_wait3A_639 = tpu.memref_slice %arg6[%sub3A_637, %dma_wait3A_638] : memref<32x80xi32, #tpu.memory_space<vmem>> -> memref<1x80xi32, #tpu.memory_space<vmem>>
      %dma_wait3A_640 = tpu.memref_squeeze %dma_wait3A_639 : memref<1x80xi32, #tpu.memory_space<vmem>> -> memref<80xi32, #tpu.memory_space<vmem>>
      %dma_wait3A_641 = arith.constant 0 : i32
      %dma_wait3A_642 = arith.constant 0 : i32
      %dma_wait3A_643 = tpu.memref_slice %arg2[%dma_wait3A_641, %dma_wait3A_642] : memref<10000x128xf32, #tpu.memory_space<hbm>> -> memref<10000x128xf32, #tpu.memory_space<hbm>>
      tpu.wait_indirect_dma semaphore(%arg15 : memref<!tpu.dma_semaphore, #tpu.memory_space<semaphore_mem>>) src(%dma_wait3A_643 : memref<10000x128xf32, #tpu.memory_space<hbm>>) dst(%arg9 : memref<80x128xf32, #tpu.memory_space<vmem>>)
      %sub3A_644 = arith.constant 64 : i32
      %sub3A_645 = arith.subi %add3A_610, %sub3A_644 : i32
      %dma_start3A_646 = arith.constant 0 : i32
      %dma_start3A_647 = tpu.memref_slice %arg7[%sub3A_645, %dma_start3A_646] : memref<32x80xi32, #tpu.memory_space<vmem>> -> memref<1x80xi32, #tpu.memory_space<vmem>>
      %dma_start3A_648 = tpu.memref_squeeze %dma_start3A_647 : memref<1x80xi32, #tpu.memory_space<vmem>> -> memref<80xi32, #tpu.memory_space<vmem>>
      %dma_start3A_649 = arith.constant 0 : i32
      %dma_start3A_650 = arith.constant 0 : i32
      %dma_start3A_651 = tpu.memref_slice %arg12[%dma_start3A_649, %dma_start3A_650] : memref<10240x128xf32, #tpu.memory_space<vmem_shared>> -> memref<10240x128xf32, #tpu.memory_space<vmem_shared>>
      tpu.enqueue_indirect_dma source(%arg9 : memref<80x128xf32, #tpu.memory_space<vmem>>) target(%dma_start3A_651 : memref<10240x128xf32, #tpu.memory_space<vmem_shared>>) offsets(%dma_start3A_648 : memref<80xi32, #tpu.memory_space<vmem>>) semaphore(%arg18 : memref<!tpu.dma_semaphore, #tpu.memory_space<semaphore_mem>>) {add = true}
      %sub3A_652 = arith.constant 64 : i32
      %sub3A_653 = arith.subi %add3A_610, %sub3A_652 : i32
      %dma_start3A_654 = arith.constant 0 : i32
      %dma_start3A_655 = tpu.memref_slice %arg7[%sub3A_653, %dma_start3A_654] : memref<32x80xi32, #tpu.memory_space<vmem>> -> memref<1x80xi32, #tpu.memory_space<vmem>>
      %dma_start3A_656 = tpu.memref_squeeze %dma_start3A_655 : memref<1x80xi32, #tpu.memory_space<vmem>> -> memref<80xi32, #tpu.memory_space<vmem>>
      %dma_start3A_657 = arith.constant 0 : i32
      %dma_start3A_658 = arith.constant 0 : i32
      %dma_start3A_659 = tpu.memref_slice %arg13[%dma_start3A_657, %dma_start3A_658] : memref<10240x16xf32, #tpu.memory_space<vmem_shared>> -> memref<10240x16xf32, #tpu.memory_space<vmem_shared>>
      tpu.enqueue_indirect_dma source(%arg11 : memref<80x16xf32, #tpu.memory_space<vmem>>) target(%dma_start3A_659 : memref<10240x16xf32, #tpu.memory_space<vmem_shared>>) offsets(%dma_start3A_656 : memref<80xi32, #tpu.memory_space<vmem>>) semaphore(%arg21 : memref<!tpu.dma_semaphore, #tpu.memory_space<semaphore_mem>>) {add = true}
      %scan3A_660 = arith.constant 0 : i32
      scf.yield %scan3A_660 : i32
    }
    %scan3A_338 = arith.constant 10 : i32
    %dma_wait3A_339 = arith.constant 30 : i32
    %dma_wait3A_340 = arith.constant 0 : i32
    %dma_wait3A_341 = tpu.memref_slice %arg7[%dma_wait3A_339, %dma_wait3A_340] : memref<32x80xi32, #tpu.memory_space<vmem>> -> memref<1x80xi32, #tpu.memory_space<vmem>>
    %dma_wait3A_342 = tpu.memref_squeeze %dma_wait3A_341 : memref<1x80xi32, #tpu.memory_space<vmem>> -> memref<80xi32, #tpu.memory_space<vmem>>
    %dma_wait3A_343 = arith.constant 0 : i32
    %dma_wait3A_344 = arith.constant 0 : i32
    %dma_wait3A_345 = tpu.memref_slice %arg12[%dma_wait3A_343, %dma_wait3A_344] : memref<10240x128xf32, #tpu.memory_space<vmem_shared>> -> memref<10240x128xf32, #tpu.memory_space<vmem_shared>>
    tpu.wait_indirect_dma semaphore(%arg18 : memref<!tpu.dma_semaphore, #tpu.memory_space<semaphore_mem>>) src(%arg9 : memref<80x128xf32, #tpu.memory_space<vmem>>) dst(%dma_wait3A_345 : memref<10240x128xf32, #tpu.memory_space<vmem_shared>>)
    %dma_wait3A_346 = arith.constant 30 : i32
    %dma_wait3A_347 = arith.constant 0 : i32
    %dma_wait3A_348 = tpu.memref_slice %arg7[%dma_wait3A_346, %dma_wait3A_347] : memref<32x80xi32, #tpu.memory_space<vmem>> -> memref<1x80xi32, #tpu.memory_space<vmem>>
    %dma_wait3A_349 = tpu.memref_squeeze %dma_wait3A_348 : memref<1x80xi32, #tpu.memory_space<vmem>> -> memref<80xi32, #tpu.memory_space<vmem>>
    %dma_wait3A_350 = arith.constant 0 : i32
    %dma_wait3A_351 = arith.constant 0 : i32
    %dma_wait3A_352 = tpu.memref_slice %arg13[%dma_wait3A_350, %dma_wait3A_351] : memref<10240x16xf32, #tpu.memory_space<vmem_shared>> -> memref<10240x16xf32, #tpu.memory_space<vmem_shared>>
    tpu.wait_indirect_dma semaphore(%arg21 : memref<!tpu.dma_semaphore, #tpu.memory_space<semaphore_mem>>) src(%arg11 : memref<80x16xf32, #tpu.memory_space<vmem>>) dst(%dma_wait3A_352 : memref<10240x16xf32, #tpu.memory_space<vmem_shared>>)
    %dma_wait3A_353 = arith.constant 31 : i32
    %dma_wait3A_354 = arith.constant 0 : i32
    %dma_wait3A_355 = tpu.memref_slice %arg6[%dma_wait3A_353, %dma_wait3A_354] : memref<32x80xi32, #tpu.memory_space<vmem>> -> memref<1x80xi32, #tpu.memory_space<vmem>>
    %dma_wait3A_356 = tpu.memref_squeeze %dma_wait3A_355 : memref<1x80xi32, #tpu.memory_space<vmem>> -> memref<80xi32, #tpu.memory_space<vmem>>
    %dma_wait3A_357 = arith.constant 0 : i32
    %dma_wait3A_358 = arith.constant 0 : i32
    %dma_wait3A_359 = tpu.memref_slice %arg2[%dma_wait3A_357, %dma_wait3A_358] : memref<10000x128xf32, #tpu.memory_space<hbm>> -> memref<10000x128xf32, #tpu.memory_space<hbm>>
    tpu.wait_indirect_dma semaphore(%arg16 : memref<!tpu.dma_semaphore, #tpu.memory_space<semaphore_mem>>) src(%dma_wait3A_359 : memref<10000x128xf32, #tpu.memory_space<hbm>>) dst(%arg10 : memref<80x128xf32, #tpu.memory_space<vmem>>)
    %dma_start3A_360 = arith.constant 31 : i32
    %dma_start3A_361 = arith.constant 0 : i32
    %dma_start3A_362 = tpu.memref_slice %arg7[%dma_start3A_360, %dma_start3A_361] : memref<32x80xi32, #tpu.memory_space<vmem>> -> memref<1x80xi32, #tpu.memory_space<vmem>>
    %dma_start3A_363 = tpu.memref_squeeze %dma_start3A_362 : memref<1x80xi32, #tpu.memory_space<vmem>> -> memref<80xi32, #tpu.memory_space<vmem>>
    %dma_start3A_364 = arith.constant 0 : i32
    %dma_start3A_365 = arith.constant 0 : i32
    %dma_start3A_366 = tpu.memref_slice %arg12[%dma_start3A_364, %dma_start3A_365] : memref<10240x128xf32, #tpu.memory_space<vmem_shared>> -> memref<10240x128xf32, #tpu.memory_space<vmem_shared>>
    tpu.enqueue_indirect_dma source(%arg10 : memref<80x128xf32, #tpu.memory_space<vmem>>) target(%dma_start3A_366 : memref<10240x128xf32, #tpu.memory_space<vmem_shared>>) offsets(%dma_start3A_363 : memref<80xi32, #tpu.memory_space<vmem>>) semaphore(%arg19 : memref<!tpu.dma_semaphore, #tpu.memory_space<semaphore_mem>>) {add = true}
    %dma_start3A_367 = arith.constant 31 : i32
    %dma_start3A_368 = arith.constant 0 : i32
    %dma_start3A_369 = tpu.memref_slice %arg7[%dma_start3A_367, %dma_start3A_368] : memref<32x80xi32, #tpu.memory_space<vmem>> -> memref<1x80xi32, #tpu.memory_space<vmem>>
    %dma_start3A_370 = tpu.memref_squeeze %dma_start3A_369 : memref<1x80xi32, #tpu.memory_space<vmem>> -> memref<80xi32, #tpu.memory_space<vmem>>
    %dma_start3A_371 = arith.constant 0 : i32
    %dma_start3A_372 = arith.constant 0 : i32
    %dma_start3A_373 = tpu.memref_slice %arg13[%dma_start3A_371, %dma_start3A_372] : memref<10240x16xf32, #tpu.memory_space<vmem_shared>> -> memref<10240x16xf32, #tpu.memory_space<vmem_shared>>
    tpu.enqueue_indirect_dma source(%arg11 : memref<80x16xf32, #tpu.memory_space<vmem>>) target(%dma_start3A_373 : memref<10240x16xf32, #tpu.memory_space<vmem_shared>>) offsets(%dma_start3A_370 : memref<80xi32, #tpu.memory_space<vmem>>) semaphore(%arg22 : memref<!tpu.dma_semaphore, #tpu.memory_space<semaphore_mem>>) {add = true}
    %dma_wait3A_374 = arith.constant 31 : i32
    %dma_wait3A_375 = arith.constant 0 : i32
    %dma_wait3A_376 = tpu.memref_slice %arg7[%dma_wait3A_374, %dma_wait3A_375] : memref<32x80xi32, #tpu.memory_space<vmem>> -> memref<1x80xi32, #tpu.memory_space<vmem>>
    %dma_wait3A_377 = tpu.memref_squeeze %dma_wait3A_376 : memref<1x80xi32, #tpu.memory_space<vmem>> -> memref<80xi32, #tpu.memory_space<vmem>>
    %dma_wait3A_378 = arith.constant 0 : i32
    %dma_wait3A_379 = arith.constant 0 : i32
    %dma_wait3A_380 = tpu.memref_slice %arg12[%dma_wait3A_378, %dma_wait3A_379] : memref<10240x128xf32, #tpu.memory_space<vmem_shared>> -> memref<10240x128xf32, #tpu.memory_space<vmem_shared>>
    tpu.wait_indirect_dma semaphore(%arg19 : memref<!tpu.dma_semaphore, #tpu.memory_space<semaphore_mem>>) src(%arg10 : memref<80x128xf32, #tpu.memory_space<vmem>>) dst(%dma_wait3A_380 : memref<10240x128xf32, #tpu.memory_space<vmem_shared>>)
    %dma_wait3A_381 = arith.constant 31 : i32
    %dma_wait3A_382 = arith.constant 0 : i32
    %dma_wait3A_383 = tpu.memref_slice %arg7[%dma_wait3A_381, %dma_wait3A_382] : memref<32x80xi32, #tpu.memory_space<vmem>> -> memref<1x80xi32, #tpu.memory_space<vmem>>
    %dma_wait3A_384 = tpu.memref_squeeze %dma_wait3A_383 : memref<1x80xi32, #tpu.memory_space<vmem>> -> memref<80xi32, #tpu.memory_space<vmem>>
    %dma_wait3A_385 = arith.constant 0 : i32
    %dma_wait3A_386 = arith.constant 0 : i32
    %dma_wait3A_387 = tpu.memref_slice %arg13[%dma_wait3A_385, %dma_wait3A_386] : memref<10240x16xf32, #tpu.memory_space<vmem_shared>> -> memref<10240x16xf32, #tpu.memory_space<vmem_shared>>
    tpu.wait_indirect_dma semaphore(%arg22 : memref<!tpu.dma_semaphore, #tpu.memory_space<semaphore_mem>>) src(%arg11 : memref<80x16xf32, #tpu.memory_space<vmem>>) dst(%dma_wait3A_387 : memref<10240x16xf32, #tpu.memory_space<vmem_shared>>)
    %run_scoped3A_388 = arith.constant 0 : i32
    "tpu.region"() ({
      %run_scoped3A_497 = tpu.sem_alloc : memref<!tpu.dma_semaphore, #tpu.memory_space<semaphore_mem>>
      %dma_start3A_498 = arith.constant 0 : i32
      %dma_start3A_499 = arith.constant 0 : i32
      %dma_start3A_500 = arith.constant 0 : i32
      %dma_start3A_501 = tpu.memref_slice %arg3[%run_scoped3A_388, %dma_start3A_498, %dma_start3A_499, %dma_start3A_500] : memref<2x32x125x80xi32, #tpu.memory_space<hbm>> -> memref<1x32x125x80xi32, #tpu.memory_space<hbm>>
      %dma_start3A_502 = tpu.memref_squeeze %dma_start3A_501 : memref<1x32x125x80xi32, #tpu.memory_space<hbm>> -> memref<32x125x80xi32, #tpu.memory_space<hbm>>
      %dma_start3A_503 = arith.constant 0 : i32
      %dma_start3A_504 = arith.constant 0 : i32
      %dma_start3A_505 = tpu.memref_slice %dma_start3A_502[%add3A, %dma_start3A_503, %dma_start3A_504] : memref<32x125x80xi32, #tpu.memory_space<hbm>> -> memref<1x125x80xi32, #tpu.memory_space<hbm>>
      %dma_start3A_506 = tpu.memref_squeeze %dma_start3A_505 : memref<1x125x80xi32, #tpu.memory_space<hbm>> -> memref<125x80xi32, #tpu.memory_space<hbm>>
      %dma_start3A_507 = arith.constant 93 : i32
      %dma_start3A_508 = arith.constant 0 : i32
      %dma_start3A_509 = tpu.memref_slice %dma_start3A_506[%dma_start3A_507, %dma_start3A_508] : memref<125x80xi32, #tpu.memory_space<hbm>> -> memref<32x80xi32, #tpu.memory_space<hbm>>
      %dma_start3A_510 = arith.constant 0 : i32
      %dma_start3A_511 = arith.constant 0 : i32
      %dma_start3A_512 = arith.constant 0 : i32
      %dma_start3A_513 = tpu.memref_slice %arg3[%run_scoped3A_388, %dma_start3A_510, %dma_start3A_511, %dma_start3A_512] : memref<2x32x125x80xi32, #tpu.memory_space<hbm>> -> memref<1x32x125x80xi32, #tpu.memory_space<hbm>>
      %dma_start3A_514 = tpu.memref_squeeze %dma_start3A_513 : memref<1x32x125x80xi32, #tpu.memory_space<hbm>> -> memref<32x125x80xi32, #tpu.memory_space<hbm>>
      %dma_start3A_515 = arith.constant 0 : i32
      %dma_start3A_516 = arith.constant 0 : i32
      %dma_start3A_517 = tpu.memref_slice %dma_start3A_514[%add3A, %dma_start3A_515, %dma_start3A_516] : memref<32x125x80xi32, #tpu.memory_space<hbm>> -> memref<1x125x80xi32, #tpu.memory_space<hbm>>
      %dma_start3A_518 = tpu.memref_squeeze %dma_start3A_517 : memref<1x125x80xi32, #tpu.memory_space<hbm>> -> memref<125x80xi32, #tpu.memory_space<hbm>>
      %dma_start3A_519 = arith.constant 93 : i32
      %dma_start3A_520 = arith.constant 0 : i32
      %dma_start3A_521 = tpu.memref_slice %dma_start3A_518[%dma_start3A_519, %dma_start3A_520] : memref<125x80xi32, #tpu.memory_space<hbm>> -> memref<32x80xi32, #tpu.memory_space<hbm>>
      tpu.enqueue_dma source(%dma_start3A_521 : memref<32x80xi32, #tpu.memory_space<hbm>>) target(%arg6 : memref<32x80xi32, #tpu.memory_space<vmem>>) target_semaphore(%run_scoped3A_497 : memref<!tpu.dma_semaphore, #tpu.memory_space<semaphore_mem>>)
      %dma_wait3A_522 = arith.constant 0 : i32
      %dma_wait3A_523 = arith.constant 0 : i32
      %dma_wait3A_524 = arith.constant 0 : i32
      %dma_wait3A_525 = tpu.memref_slice %arg3[%run_scoped3A_388, %dma_wait3A_522, %dma_wait3A_523, %dma_wait3A_524] : memref<2x32x125x80xi32, #tpu.memory_space<hbm>> -> memref<1x32x125x80xi32, #tpu.memory_space<hbm>>
      %dma_wait3A_526 = tpu.memref_squeeze %dma_wait3A_525 : memref<1x32x125x80xi32, #tpu.memory_space<hbm>> -> memref<32x125x80xi32, #tpu.memory_space<hbm>>
      %dma_wait3A_527 = arith.constant 0 : i32
      %dma_wait3A_528 = arith.constant 0 : i32
      %dma_wait3A_529 = tpu.memref_slice %dma_wait3A_526[%add3A, %dma_wait3A_527, %dma_wait3A_528] : memref<32x125x80xi32, #tpu.memory_space<hbm>> -> memref<1x125x80xi32, #tpu.memory_space<hbm>>
      %dma_wait3A_530 = tpu.memref_squeeze %dma_wait3A_529 : memref<1x125x80xi32, #tpu.memory_space<hbm>> -> memref<125x80xi32, #tpu.memory_space<hbm>>
      %dma_wait3A_531 = arith.constant 93 : i32
      %dma_wait3A_532 = arith.constant 0 : i32
      %dma_wait3A_533 = tpu.memref_slice %dma_wait3A_530[%dma_wait3A_531, %dma_wait3A_532] : memref<125x80xi32, #tpu.memory_space<hbm>> -> memref<32x80xi32, #tpu.memory_space<hbm>>
      %dma_wait3A_534 = arith.constant 0 : i32
      %dma_wait3A_535 = arith.constant 0 : i32
      %dma_wait3A_536 = arith.constant 0 : i32
      %dma_wait3A_537 = tpu.memref_slice %arg3[%run_scoped3A_388, %dma_wait3A_534, %dma_wait3A_535, %dma_wait3A_536] : memref<2x32x125x80xi32, #tpu.memory_space<hbm>> -> memref<1x32x125x80xi32, #tpu.memory_space<hbm>>
      %dma_wait3A_538 = tpu.memref_squeeze %dma_wait3A_537 : memref<1x32x125x80xi32, #tpu.memory_space<hbm>> -> memref<32x125x80xi32, #tpu.memory_space<hbm>>
      %dma_wait3A_539 = arith.constant 0 : i32
      %dma_wait3A_540 = arith.constant 0 : i32
      %dma_wait3A_541 = tpu.memref_slice %dma_wait3A_538[%add3A, %dma_wait3A_539, %dma_wait3A_540] : memref<32x125x80xi32, #tpu.memory_space<hbm>> -> memref<1x125x80xi32, #tpu.memory_space<hbm>>
      %dma_wait3A_542 = tpu.memref_squeeze %dma_wait3A_541 : memref<1x125x80xi32, #tpu.memory_space<hbm>> -> memref<125x80xi32, #tpu.memory_space<hbm>>
      %dma_wait3A_543 = arith.constant 93 : i32
      %dma_wait3A_544 = arith.constant 0 : i32
      %dma_wait3A_545 = tpu.memref_slice %dma_wait3A_542[%dma_wait3A_543, %dma_wait3A_544] : memref<125x80xi32, #tpu.memory_space<hbm>> -> memref<32x80xi32, #tpu.memory_space<hbm>>
      tpu.wait_dma2 semaphore(%run_scoped3A_497 : memref<!tpu.dma_semaphore, #tpu.memory_space<semaphore_mem>>) src(%dma_wait3A_545 : memref<32x80xi32, #tpu.memory_space<hbm>>) dst(%arg6 : memref<32x80xi32, #tpu.memory_space<vmem>>)
      tpu.yield
    }) : () -> ()
    %run_scoped3A_389 = arith.constant 1 : i32
    "tpu.region"() ({
      %run_scoped3A_497 = tpu.sem_alloc : memref<!tpu.dma_semaphore, #tpu.memory_space<semaphore_mem>>
      %dma_start3A_498 = arith.constant 0 : i32
      %dma_start3A_499 = arith.constant 0 : i32
      %dma_start3A_500 = arith.constant 0 : i32
      %dma_start3A_501 = tpu.memref_slice %arg3[%run_scoped3A_389, %dma_start3A_498, %dma_start3A_499, %dma_start3A_500] : memref<2x32x125x80xi32, #tpu.memory_space<hbm>> -> memref<1x32x125x80xi32, #tpu.memory_space<hbm>>
      %dma_start3A_502 = tpu.memref_squeeze %dma_start3A_501 : memref<1x32x125x80xi32, #tpu.memory_space<hbm>> -> memref<32x125x80xi32, #tpu.memory_space<hbm>>
      %dma_start3A_503 = arith.constant 0 : i32
      %dma_start3A_504 = arith.constant 0 : i32
      %dma_start3A_505 = tpu.memref_slice %dma_start3A_502[%add3A, %dma_start3A_503, %dma_start3A_504] : memref<32x125x80xi32, #tpu.memory_space<hbm>> -> memref<1x125x80xi32, #tpu.memory_space<hbm>>
      %dma_start3A_506 = tpu.memref_squeeze %dma_start3A_505 : memref<1x125x80xi32, #tpu.memory_space<hbm>> -> memref<125x80xi32, #tpu.memory_space<hbm>>
      %dma_start3A_507 = arith.constant 93 : i32
      %dma_start3A_508 = arith.constant 0 : i32
      %dma_start3A_509 = tpu.memref_slice %dma_start3A_506[%dma_start3A_507, %dma_start3A_508] : memref<125x80xi32, #tpu.memory_space<hbm>> -> memref<32x80xi32, #tpu.memory_space<hbm>>
      %dma_start3A_510 = arith.constant 0 : i32
      %dma_start3A_511 = arith.constant 0 : i32
      %dma_start3A_512 = arith.constant 0 : i32
      %dma_start3A_513 = tpu.memref_slice %arg3[%run_scoped3A_389, %dma_start3A_510, %dma_start3A_511, %dma_start3A_512] : memref<2x32x125x80xi32, #tpu.memory_space<hbm>> -> memref<1x32x125x80xi32, #tpu.memory_space<hbm>>
      %dma_start3A_514 = tpu.memref_squeeze %dma_start3A_513 : memref<1x32x125x80xi32, #tpu.memory_space<hbm>> -> memref<32x125x80xi32, #tpu.memory_space<hbm>>
      %dma_start3A_515 = arith.constant 0 : i32
      %dma_start3A_516 = arith.constant 0 : i32
      %dma_start3A_517 = tpu.memref_slice %dma_start3A_514[%add3A, %dma_start3A_515, %dma_start3A_516] : memref<32x125x80xi32, #tpu.memory_space<hbm>> -> memref<1x125x80xi32, #tpu.memory_space<hbm>>
      %dma_start3A_518 = tpu.memref_squeeze %dma_start3A_517 : memref<1x125x80xi32, #tpu.memory_space<hbm>> -> memref<125x80xi32, #tpu.memory_space<hbm>>
      %dma_start3A_519 = arith.constant 93 : i32
      %dma_start3A_520 = arith.constant 0 : i32
      %dma_start3A_521 = tpu.memref_slice %dma_start3A_518[%dma_start3A_519, %dma_start3A_520] : memref<125x80xi32, #tpu.memory_space<hbm>> -> memref<32x80xi32, #tpu.memory_space<hbm>>
      tpu.enqueue_dma source(%dma_start3A_521 : memref<32x80xi32, #tpu.memory_space<hbm>>) target(%arg7 : memref<32x80xi32, #tpu.memory_space<vmem>>) target_semaphore(%run_scoped3A_497 : memref<!tpu.dma_semaphore, #tpu.memory_space<semaphore_mem>>)
      %dma_wait3A_522 = arith.constant 0 : i32
      %dma_wait3A_523 = arith.constant 0 : i32
      %dma_wait3A_524 = arith.constant 0 : i32
      %dma_wait3A_525 = tpu.memref_slice %arg3[%run_scoped3A_389, %dma_wait3A_522, %dma_wait3A_523, %dma_wait3A_524] : memref<2x32x125x80xi32, #tpu.memory_space<hbm>> -> memref<1x32x125x80xi32, #tpu.memory_space<hbm>>
      %dma_wait3A_526 = tpu.memref_squeeze %dma_wait3A_525 : memref<1x32x125x80xi32, #tpu.memory_space<hbm>> -> memref<32x125x80xi32, #tpu.memory_space<hbm>>
      %dma_wait3A_527 = arith.constant 0 : i32
      %dma_wait3A_528 = arith.constant 0 : i32
      %dma_wait3A_529 = tpu.memref_slice %dma_wait3A_526[%add3A, %dma_wait3A_527, %dma_wait3A_528] : memref<32x125x80xi32, #tpu.memory_space<hbm>> -> memref<1x125x80xi32, #tpu.memory_space<hbm>>
      %dma_wait3A_530 = tpu.memref_squeeze %dma_wait3A_529 : memref<1x125x80xi32, #tpu.memory_space<hbm>> -> memref<125x80xi32, #tpu.memory_space<hbm>>
      %dma_wait3A_531 = arith.constant 93 : i32
      %dma_wait3A_532 = arith.constant 0 : i32
      %dma_wait3A_533 = tpu.memref_slice %dma_wait3A_530[%dma_wait3A_531, %dma_wait3A_532] : memref<125x80xi32, #tpu.memory_space<hbm>> -> memref<32x80xi32, #tpu.memory_space<hbm>>
      %dma_wait3A_534 = arith.constant 0 : i32
      %dma_wait3A_535 = arith.constant 0 : i32
      %dma_wait3A_536 = arith.constant 0 : i32
      %dma_wait3A_537 = tpu.memref_slice %arg3[%run_scoped3A_389, %dma_wait3A_534, %dma_wait3A_535, %dma_wait3A_536] : memref<2x32x125x80xi32, #tpu.memory_space<hbm>> -> memref<1x32x125x80xi32, #tpu.memory_space<hbm>>
      %dma_wait3A_538 = tpu.memref_squeeze %dma_wait3A_537 : memref<1x32x125x80xi32, #tpu.memory_space<hbm>> -> memref<32x125x80xi32, #tpu.memory_space<hbm>>
      %dma_wait3A_539 = arith.constant 0 : i32
      %dma_wait3A_540 = arith.constant 0 : i32
      %dma_wait3A_541 = tpu.memref_slice %dma_wait3A_538[%add3A, %dma_wait3A_539, %dma_wait3A_540] : memref<32x125x80xi32, #tpu.memory_space<hbm>> -> memref<1x125x80xi32, #tpu.memory_space<hbm>>
      %dma_wait3A_542 = tpu.memref_squeeze %dma_wait3A_541 : memref<1x125x80xi32, #tpu.memory_space<hbm>> -> memref<125x80xi32, #tpu.memory_space<hbm>>
      %dma_wait3A_543 = arith.constant 93 : i32
      %dma_wait3A_544 = arith.constant 0 : i32
      %dma_wait3A_545 = tpu.memref_slice %dma_wait3A_542[%dma_wait3A_543, %dma_wait3A_544] : memref<125x80xi32, #tpu.memory_space<hbm>> -> memref<32x80xi32, #tpu.memory_space<hbm>>
      tpu.wait_dma2 semaphore(%run_scoped3A_497 : memref<!tpu.dma_semaphore, #tpu.memory_space<semaphore_mem>>) src(%dma_wait3A_545 : memref<32x80xi32, #tpu.memory_space<hbm>>) dst(%arg7 : memref<32x80xi32, #tpu.memory_space<vmem>>)
      tpu.yield
    }) : () -> ()
    %dma_start3A_390 = arith.constant 3 : i32
    %dma_start3A_391 = arith.constant 0 : i32
    %dma_start3A_392 = tpu.memref_slice %arg6[%dma_start3A_390, %dma_start3A_391] : memref<32x80xi32, #tpu.memory_space<vmem>> -> memref<1x80xi32, #tpu.memory_space<vmem>>
    %dma_start3A_393 = tpu.memref_squeeze %dma_start3A_392 : memref<1x80xi32, #tpu.memory_space<vmem>> -> memref<80xi32, #tpu.memory_space<vmem>>
    %dma_start3A_394 = arith.constant 0 : i32
    %dma_start3A_395 = arith.constant 0 : i32
    %dma_start3A_396 = tpu.memref_slice %arg2[%dma_start3A_394, %dma_start3A_395] : memref<10000x128xf32, #tpu.memory_space<hbm>> -> memref<10000x128xf32, #tpu.memory_space<hbm>>
    tpu.enqueue_indirect_dma source(%dma_start3A_396 : memref<10000x128xf32, #tpu.memory_space<hbm>>) target(%arg8 : memref<80x128xf32, #tpu.memory_space<vmem>>) offsets(%dma_start3A_393 : memref<80xi32, #tpu.memory_space<vmem>>) semaphore(%arg14 : memref<!tpu.dma_semaphore, #tpu.memory_space<semaphore_mem>>)
    %dma_start3A_397 = arith.constant 4 : i32
    %dma_start3A_398 = arith.constant 0 : i32
    %dma_start3A_399 = tpu.memref_slice %arg6[%dma_start3A_397, %dma_start3A_398] : memref<32x80xi32, #tpu.memory_space<vmem>> -> memref<1x80xi32, #tpu.memory_space<vmem>>
    %dma_start3A_400 = tpu.memref_squeeze %dma_start3A_399 : memref<1x80xi32, #tpu.memory_space<vmem>> -> memref<80xi32, #tpu.memory_space<vmem>>
    %dma_start3A_401 = arith.constant 0 : i32
    %dma_start3A_402 = arith.constant 0 : i32
    %dma_start3A_403 = tpu.memref_slice %arg2[%dma_start3A_401, %dma_start3A_402] : memref<10000x128xf32, #tpu.memory_space<hbm>> -> memref<10000x128xf32, #tpu.memory_space<hbm>>
    tpu.enqueue_indirect_dma source(%dma_start3A_403 : memref<10000x128xf32, #tpu.memory_space<hbm>>) target(%arg9 : memref<80x128xf32, #tpu.memory_space<vmem>>) offsets(%dma_start3A_400 : memref<80xi32, #tpu.memory_space<vmem>>) semaphore(%arg15 : memref<!tpu.dma_semaphore, #tpu.memory_space<semaphore_mem>>)
    %dma_start3A_404 = arith.constant 5 : i32
    %dma_start3A_405 = arith.constant 0 : i32
    %dma_start3A_406 = tpu.memref_slice %arg6[%dma_start3A_404, %dma_start3A_405] : memref<32x80xi32, #tpu.memory_space<vmem>> -> memref<1x80xi32, #tpu.memory_space<vmem>>
    %dma_start3A_407 = tpu.memref_squeeze %dma_start3A_406 : memref<1x80xi32, #tpu.memory_space<vmem>> -> memref<80xi32, #tpu.memory_space<vmem>>
    %dma_start3A_408 = arith.constant 0 : i32
    %dma_start3A_409 = arith.constant 0 : i32
    %dma_start3A_410 = tpu.memref_slice %arg2[%dma_start3A_408, %dma_start3A_409] : memref<10000x128xf32, #tpu.memory_space<hbm>> -> memref<10000x128xf32, #tpu.memory_space<hbm>>
    tpu.enqueue_indirect_dma source(%dma_start3A_410 : memref<10000x128xf32, #tpu.memory_space<hbm>>) target(%arg10 : memref<80x128xf32, #tpu.memory_space<vmem>>) offsets(%dma_start3A_407 : memref<80xi32, #tpu.memory_space<vmem>>) semaphore(%arg16 : memref<!tpu.dma_semaphore, #tpu.memory_space<semaphore_mem>>)
    %dma_wait3A_411 = arith.constant 3 : i32
    %dma_wait3A_412 = arith.constant 0 : i32
    %dma_wait3A_413 = tpu.memref_slice %arg6[%dma_wait3A_411, %dma_wait3A_412] : memref<32x80xi32, #tpu.memory_space<vmem>> -> memref<1x80xi32, #tpu.memory_space<vmem>>
    %dma_wait3A_414 = tpu.memref_squeeze %dma_wait3A_413 : memref<1x80xi32, #tpu.memory_space<vmem>> -> memref<80xi32, #tpu.memory_space<vmem>>
    %dma_wait3A_415 = arith.constant 0 : i32
    %dma_wait3A_416 = arith.constant 0 : i32
    %dma_wait3A_417 = tpu.memref_slice %arg2[%dma_wait3A_415, %dma_wait3A_416] : memref<10000x128xf32, #tpu.memory_space<hbm>> -> memref<10000x128xf32, #tpu.memory_space<hbm>>
    tpu.wait_indirect_dma semaphore(%arg14 : memref<!tpu.dma_semaphore, #tpu.memory_space<semaphore_mem>>) src(%dma_wait3A_417 : memref<10000x128xf32, #tpu.memory_space<hbm>>) dst(%arg8 : memref<80x128xf32, #tpu.memory_space<vmem>>)
    %dma_start3A_418 = arith.constant 3 : i32
    %dma_start3A_419 = arith.constant 0 : i32
    %dma_start3A_420 = tpu.memref_slice %arg7[%dma_start3A_418, %dma_start3A_419] : memref<32x80xi32, #tpu.memory_space<vmem>> -> memref<1x80xi32, #tpu.memory_space<vmem>>
    %dma_start3A_421 = tpu.memref_squeeze %dma_start3A_420 : memref<1x80xi32, #tpu.memory_space<vmem>> -> memref<80xi32, #tpu.memory_space<vmem>>
    %dma_start3A_422 = arith.constant 0 : i32
    %dma_start3A_423 = arith.constant 0 : i32
    %dma_start3A_424 = tpu.memref_slice %arg12[%dma_start3A_422, %dma_start3A_423] : memref<10240x128xf32, #tpu.memory_space<vmem_shared>> -> memref<10240x128xf32, #tpu.memory_space<vmem_shared>>
    tpu.enqueue_indirect_dma source(%arg8 : memref<80x128xf32, #tpu.memory_space<vmem>>) target(%dma_start3A_424 : memref<10240x128xf32, #tpu.memory_space<vmem_shared>>) offsets(%dma_start3A_421 : memref<80xi32, #tpu.memory_space<vmem>>) semaphore(%arg17 : memref<!tpu.dma_semaphore, #tpu.memory_space<semaphore_mem>>) {add = true}
    %dma_start3A_425 = arith.constant 3 : i32
    %dma_start3A_426 = arith.constant 0 : i32
    %dma_start3A_427 = tpu.memref_slice %arg7[%dma_start3A_425, %dma_start3A_426] : memref<32x80xi32, #tpu.memory_space<vmem>> -> memref<1x80xi32, #tpu.memory_space<vmem>>
    %dma_start3A_428 = tpu.memref_squeeze %dma_start3A_427 : memref<1x80xi32, #tpu.memory_space<vmem>> -> memref<80xi32, #tpu.memory_space<vmem>>
    %dma_start3A_429 = arith.constant 0 : i32
    %dma_start3A_430 = arith.constant 0 : i32
    %dma_start3A_431 = tpu.memref_slice %arg13[%dma_start3A_429, %dma_start3A_430] : memref<10240x16xf32, #tpu.memory_space<vmem_shared>> -> memref<10240x16xf32, #tpu.memory_space<vmem_shared>>
    tpu.enqueue_indirect_dma source(%arg11 : memref<80x16xf32, #tpu.memory_space<vmem>>) target(%dma_start3A_431 : memref<10240x16xf32, #tpu.memory_space<vmem_shared>>) offsets(%dma_start3A_428 : memref<80xi32, #tpu.memory_space<vmem>>) semaphore(%arg20 : memref<!tpu.dma_semaphore, #tpu.memory_space<semaphore_mem>>) {add = true}
    %scan3A_432 = arith.constant 0 : i32
    %scan3A_433 = arith.constant 0 : i32
    %scan3A_434 = arith.constant 9 : i32
    %scan3A_435 = arith.addi %scan3A_433, %scan3A_434 : i32
    %scan3A_436 = arith.constant 1 : i32
    %scan3A_437 = scf.for %scan3A_497 = %scan3A_433 to %scan3A_435 step %scan3A_436 iter_args(%scan3A_498 = %scan3A_432) -> (i32)  : i32 {
      %mul3A_499 = arith.constant 3 : i32
      %mul3A_500 = arith.muli %mul3A_499, %scan3A_497 : i32
      %add3A_501 = arith.constant 97 : i32
      %add3A_502 = arith.addi %add3A_501, %mul3A_500 : i32
      %add3A_503 = arith.constant 0 : i32
      %add3A_504 = arith.addi %add3A_502, %add3A_503 : i32
      %sub3A = arith.constant 1 : i32
      %sub3A_505 = arith.subi %add3A_504, %sub3A : i32
      %sub3A_506 = arith.constant 93 : i32
      %sub3A_507 = arith.subi %sub3A_505, %sub3A_506 : i32
      %dma_wait3A_508 = arith.constant 0 : i32
      %dma_wait3A_509 = tpu.memref_slice %arg7[%sub3A_507, %dma_wait3A_508] : memref<32x80xi32, #tpu.memory_space<vmem>> -> memref<1x80xi32, #tpu.memory_space<vmem>>
      %dma_wait3A_510 = tpu.memref_squeeze %dma_wait3A_509 : memref<1x80xi32, #tpu.memory_space<vmem>> -> memref<80xi32, #tpu.memory_space<vmem>>
      %dma_wait3A_511 = arith.constant 0 : i32
      %dma_wait3A_512 = arith.constant 0 : i32
      %dma_wait3A_513 = tpu.memref_slice %arg12[%dma_wait3A_511, %dma_wait3A_512] : memref<10240x128xf32, #tpu.memory_space<vmem_shared>> -> memref<10240x128xf32, #tpu.memory_space<vmem_shared>>
      tpu.wait_indirect_dma semaphore(%arg17 : memref<!tpu.dma_semaphore, #tpu.memory_space<semaphore_mem>>) src(%arg8 : memref<80x128xf32, #tpu.memory_space<vmem>>) dst(%dma_wait3A_513 : memref<10240x128xf32, #tpu.memory_space<vmem_shared>>)
      %sub3A_514 = arith.constant 93 : i32
      %sub3A_515 = arith.subi %sub3A_505, %sub3A_514 : i32
      %dma_wait3A_516 = arith.constant 0 : i32
      %dma_wait3A_517 = tpu.memref_slice %arg7[%sub3A_515, %dma_wait3A_516] : memref<32x80xi32, #tpu.memory_space<vmem>> -> memref<1x80xi32, #tpu.memory_space<vmem>>
      %dma_wait3A_518 = tpu.memref_squeeze %dma_wait3A_517 : memref<1x80xi32, #tpu.memory_space<vmem>> -> memref<80xi32, #tpu.memory_space<vmem>>
      %dma_wait3A_519 = arith.constant 0 : i32
      %dma_wait3A_520 = arith.constant 0 : i32
      %dma_wait3A_521 = tpu.memref_slice %arg13[%dma_wait3A_519, %dma_wait3A_520] : memref<10240x16xf32, #tpu.memory_space<vmem_shared>> -> memref<10240x16xf32, #tpu.memory_space<vmem_shared>>
      tpu.wait_indirect_dma semaphore(%arg20 : memref<!tpu.dma_semaphore, #tpu.memory_space<semaphore_mem>>) src(%arg11 : memref<80x16xf32, #tpu.memory_space<vmem>>) dst(%dma_wait3A_521 : memref<10240x16xf32, #tpu.memory_space<vmem_shared>>)
      %add3A_522 = arith.constant 2 : i32
      %add3A_523 = arith.addi %add3A_504, %add3A_522 : i32
      %lt3A = arith.constant 125 : i32
      %lt3A_524 = arith.cmpi slt, %add3A_523, %lt3A : i32
      %convert_element_type3A = arith.extui %lt3A_524 : i1 to i32
      %cond3A = arith.constant 0 : i32
      %cond3A_525 = arith.cmpi ne, %convert_element_type3A, %cond3A : i32
      scf.if %cond3A_525 {
        %add3A_661 = arith.constant 2 : i32
        %add3A_662 = arith.addi %add3A_504, %add3A_661 : i32
        %sub3A_663 = arith.constant 93 : i32
        %sub3A_664 = arith.subi %add3A_662, %sub3A_663 : i32
        %dma_start3A_665 = arith.constant 0 : i32
        %dma_start3A_666 = tpu.memref_slice %arg6[%sub3A_664, %dma_start3A_665] : memref<32x80xi32, #tpu.memory_space<vmem>> -> memref<1x80xi32, #tpu.memory_space<vmem>>
        %dma_start3A_667 = tpu.memref_squeeze %dma_start3A_666 : memref<1x80xi32, #tpu.memory_space<vmem>> -> memref<80xi32, #tpu.memory_space<vmem>>
        %dma_start3A_668 = arith.constant 0 : i32
        %dma_start3A_669 = arith.constant 0 : i32
        %dma_start3A_670 = tpu.memref_slice %arg2[%dma_start3A_668, %dma_start3A_669] : memref<10000x128xf32, #tpu.memory_space<hbm>> -> memref<10000x128xf32, #tpu.memory_space<hbm>>
        tpu.enqueue_indirect_dma source(%dma_start3A_670 : memref<10000x128xf32, #tpu.memory_space<hbm>>) target(%arg8 : memref<80x128xf32, #tpu.memory_space<vmem>>) offsets(%dma_start3A_667 : memref<80xi32, #tpu.memory_space<vmem>>) semaphore(%arg14 : memref<!tpu.dma_semaphore, #tpu.memory_space<semaphore_mem>>)
      } else {
      }
      %sub3A_526 = arith.constant 93 : i32
      %sub3A_527 = arith.subi %add3A_504, %sub3A_526 : i32
      %dma_wait3A_528 = arith.constant 0 : i32
      %dma_wait3A_529 = tpu.memref_slice %arg6[%sub3A_527, %dma_wait3A_528] : memref<32x80xi32, #tpu.memory_space<vmem>> -> memref<1x80xi32, #tpu.memory_space<vmem>>
      %dma_wait3A_530 = tpu.memref_squeeze %dma_wait3A_529 : memref<1x80xi32, #tpu.memory_space<vmem>> -> memref<80xi32, #tpu.memory_space<vmem>>
      %dma_wait3A_531 = arith.constant 0 : i32
      %dma_wait3A_532 = arith.constant 0 : i32
      %dma_wait3A_533 = tpu.memref_slice %arg2[%dma_wait3A_531, %dma_wait3A_532] : memref<10000x128xf32, #tpu.memory_space<hbm>> -> memref<10000x128xf32, #tpu.memory_space<hbm>>
      tpu.wait_indirect_dma semaphore(%arg15 : memref<!tpu.dma_semaphore, #tpu.memory_space<semaphore_mem>>) src(%dma_wait3A_533 : memref<10000x128xf32, #tpu.memory_space<hbm>>) dst(%arg9 : memref<80x128xf32, #tpu.memory_space<vmem>>)
      %sub3A_534 = arith.constant 93 : i32
      %sub3A_535 = arith.subi %add3A_504, %sub3A_534 : i32
      %dma_start3A_536 = arith.constant 0 : i32
      %dma_start3A_537 = tpu.memref_slice %arg7[%sub3A_535, %dma_start3A_536] : memref<32x80xi32, #tpu.memory_space<vmem>> -> memref<1x80xi32, #tpu.memory_space<vmem>>
      %dma_start3A_538 = tpu.memref_squeeze %dma_start3A_537 : memref<1x80xi32, #tpu.memory_space<vmem>> -> memref<80xi32, #tpu.memory_space<vmem>>
      %dma_start3A_539 = arith.constant 0 : i32
      %dma_start3A_540 = arith.constant 0 : i32
      %dma_start3A_541 = tpu.memref_slice %arg12[%dma_start3A_539, %dma_start3A_540] : memref<10240x128xf32, #tpu.memory_space<vmem_shared>> -> memref<10240x128xf32, #tpu.memory_space<vmem_shared>>
      tpu.enqueue_indirect_dma source(%arg9 : memref<80x128xf32, #tpu.memory_space<vmem>>) target(%dma_start3A_541 : memref<10240x128xf32, #tpu.memory_space<vmem_shared>>) offsets(%dma_start3A_538 : memref<80xi32, #tpu.memory_space<vmem>>) semaphore(%arg18 : memref<!tpu.dma_semaphore, #tpu.memory_space<semaphore_mem>>) {add = true}
      %sub3A_542 = arith.constant 93 : i32
      %sub3A_543 = arith.subi %add3A_504, %sub3A_542 : i32
      %dma_start3A_544 = arith.constant 0 : i32
      %dma_start3A_545 = tpu.memref_slice %arg7[%sub3A_543, %dma_start3A_544] : memref<32x80xi32, #tpu.memory_space<vmem>> -> memref<1x80xi32, #tpu.memory_space<vmem>>
      %dma_start3A_546 = tpu.memref_squeeze %dma_start3A_545 : memref<1x80xi32, #tpu.memory_space<vmem>> -> memref<80xi32, #tpu.memory_space<vmem>>
      %dma_start3A_547 = arith.constant 0 : i32
      %dma_start3A_548 = arith.constant 0 : i32
      %dma_start3A_549 = tpu.memref_slice %arg13[%dma_start3A_547, %dma_start3A_548] : memref<10240x16xf32, #tpu.memory_space<vmem_shared>> -> memref<10240x16xf32, #tpu.memory_space<vmem_shared>>
      tpu.enqueue_indirect_dma source(%arg11 : memref<80x16xf32, #tpu.memory_space<vmem>>) target(%dma_start3A_549 : memref<10240x16xf32, #tpu.memory_space<vmem_shared>>) offsets(%dma_start3A_546 : memref<80xi32, #tpu.memory_space<vmem>>) semaphore(%arg21 : memref<!tpu.dma_semaphore, #tpu.memory_space<semaphore_mem>>) {add = true}
      %mul3A_550 = arith.constant 3 : i32
      %mul3A_551 = arith.muli %mul3A_550, %scan3A_497 : i32
      %add3A_552 = arith.constant 97 : i32
      %add3A_553 = arith.addi %add3A_552, %mul3A_551 : i32
      %add3A_554 = arith.constant 1 : i32
      %add3A_555 = arith.addi %add3A_553, %add3A_554 : i32
      %sub3A_556 = arith.constant 1 : i32
      %sub3A_557 = arith.subi %add3A_555, %sub3A_556 : i32
      %sub3A_558 = arith.constant 93 : i32
      %sub3A_559 = arith.subi %sub3A_557, %sub3A_558 : i32
      %dma_wait3A_560 = arith.constant 0 : i32
      %dma_wait3A_561 = tpu.memref_slice %arg7[%sub3A_559, %dma_wait3A_560] : memref<32x80xi32, #tpu.memory_space<vmem>> -> memref<1x80xi32, #tpu.memory_space<vmem>>
      %dma_wait3A_562 = tpu.memref_squeeze %dma_wait3A_561 : memref<1x80xi32, #tpu.memory_space<vmem>> -> memref<80xi32, #tpu.memory_space<vmem>>
      %dma_wait3A_563 = arith.constant 0 : i32
      %dma_wait3A_564 = arith.constant 0 : i32
      %dma_wait3A_565 = tpu.memref_slice %arg12[%dma_wait3A_563, %dma_wait3A_564] : memref<10240x128xf32, #tpu.memory_space<vmem_shared>> -> memref<10240x128xf32, #tpu.memory_space<vmem_shared>>
      tpu.wait_indirect_dma semaphore(%arg18 : memref<!tpu.dma_semaphore, #tpu.memory_space<semaphore_mem>>) src(%arg9 : memref<80x128xf32, #tpu.memory_space<vmem>>) dst(%dma_wait3A_565 : memref<10240x128xf32, #tpu.memory_space<vmem_shared>>)
      %sub3A_566 = arith.constant 93 : i32
      %sub3A_567 = arith.subi %sub3A_557, %sub3A_566 : i32
      %dma_wait3A_568 = arith.constant 0 : i32
      %dma_wait3A_569 = tpu.memref_slice %arg7[%sub3A_567, %dma_wait3A_568] : memref<32x80xi32, #tpu.memory_space<vmem>> -> memref<1x80xi32, #tpu.memory_space<vmem>>
      %dma_wait3A_570 = tpu.memref_squeeze %dma_wait3A_569 : memref<1x80xi32, #tpu.memory_space<vmem>> -> memref<80xi32, #tpu.memory_space<vmem>>
      %dma_wait3A_571 = arith.constant 0 : i32
      %dma_wait3A_572 = arith.constant 0 : i32
      %dma_wait3A_573 = tpu.memref_slice %arg13[%dma_wait3A_571, %dma_wait3A_572] : memref<10240x16xf32, #tpu.memory_space<vmem_shared>> -> memref<10240x16xf32, #tpu.memory_space<vmem_shared>>
      tpu.wait_indirect_dma semaphore(%arg21 : memref<!tpu.dma_semaphore, #tpu.memory_space<semaphore_mem>>) src(%arg11 : memref<80x16xf32, #tpu.memory_space<vmem>>) dst(%dma_wait3A_573 : memref<10240x16xf32, #tpu.memory_space<vmem_shared>>)
      %add3A_574 = arith.constant 2 : i32
      %add3A_575 = arith.addi %add3A_555, %add3A_574 : i32
      %lt3A_576 = arith.constant 125 : i32
      %lt3A_577 = arith.cmpi slt, %add3A_575, %lt3A_576 : i32
      %convert_element_type3A_578 = arith.extui %lt3A_577 : i1 to i32
      %cond3A_579 = arith.constant 0 : i32
      %cond3A_580 = arith.cmpi ne, %convert_element_type3A_578, %cond3A_579 : i32
      scf.if %cond3A_580 {
        %add3A_661 = arith.constant 2 : i32
        %add3A_662 = arith.addi %add3A_555, %add3A_661 : i32
        %sub3A_663 = arith.constant 93 : i32
        %sub3A_664 = arith.subi %add3A_662, %sub3A_663 : i32
        %dma_start3A_665 = arith.constant 0 : i32
        %dma_start3A_666 = tpu.memref_slice %arg6[%sub3A_664, %dma_start3A_665] : memref<32x80xi32, #tpu.memory_space<vmem>> -> memref<1x80xi32, #tpu.memory_space<vmem>>
        %dma_start3A_667 = tpu.memref_squeeze %dma_start3A_666 : memref<1x80xi32, #tpu.memory_space<vmem>> -> memref<80xi32, #tpu.memory_space<vmem>>
        %dma_start3A_668 = arith.constant 0 : i32
        %dma_start3A_669 = arith.constant 0 : i32
        %dma_start3A_670 = tpu.memref_slice %arg2[%dma_start3A_668, %dma_start3A_669] : memref<10000x128xf32, #tpu.memory_space<hbm>> -> memref<10000x128xf32, #tpu.memory_space<hbm>>
        tpu.enqueue_indirect_dma source(%dma_start3A_670 : memref<10000x128xf32, #tpu.memory_space<hbm>>) target(%arg9 : memref<80x128xf32, #tpu.memory_space<vmem>>) offsets(%dma_start3A_667 : memref<80xi32, #tpu.memory_space<vmem>>) semaphore(%arg15 : memref<!tpu.dma_semaphore, #tpu.memory_space<semaphore_mem>>)
      } else {
      }
      %sub3A_581 = arith.constant 93 : i32
      %sub3A_582 = arith.subi %add3A_555, %sub3A_581 : i32
      %dma_wait3A_583 = arith.constant 0 : i32
      %dma_wait3A_584 = tpu.memref_slice %arg6[%sub3A_582, %dma_wait3A_583] : memref<32x80xi32, #tpu.memory_space<vmem>> -> memref<1x80xi32, #tpu.memory_space<vmem>>
      %dma_wait3A_585 = tpu.memref_squeeze %dma_wait3A_584 : memref<1x80xi32, #tpu.memory_space<vmem>> -> memref<80xi32, #tpu.memory_space<vmem>>
      %dma_wait3A_586 = arith.constant 0 : i32
      %dma_wait3A_587 = arith.constant 0 : i32
      %dma_wait3A_588 = tpu.memref_slice %arg2[%dma_wait3A_586, %dma_wait3A_587] : memref<10000x128xf32, #tpu.memory_space<hbm>> -> memref<10000x128xf32, #tpu.memory_space<hbm>>
      tpu.wait_indirect_dma semaphore(%arg16 : memref<!tpu.dma_semaphore, #tpu.memory_space<semaphore_mem>>) src(%dma_wait3A_588 : memref<10000x128xf32, #tpu.memory_space<hbm>>) dst(%arg10 : memref<80x128xf32, #tpu.memory_space<vmem>>)
      %sub3A_589 = arith.constant 93 : i32
      %sub3A_590 = arith.subi %add3A_555, %sub3A_589 : i32
      %dma_start3A_591 = arith.constant 0 : i32
      %dma_start3A_592 = tpu.memref_slice %arg7[%sub3A_590, %dma_start3A_591] : memref<32x80xi32, #tpu.memory_space<vmem>> -> memref<1x80xi32, #tpu.memory_space<vmem>>
      %dma_start3A_593 = tpu.memref_squeeze %dma_start3A_592 : memref<1x80xi32, #tpu.memory_space<vmem>> -> memref<80xi32, #tpu.memory_space<vmem>>
      %dma_start3A_594 = arith.constant 0 : i32
      %dma_start3A_595 = arith.constant 0 : i32
      %dma_start3A_596 = tpu.memref_slice %arg12[%dma_start3A_594, %dma_start3A_595] : memref<10240x128xf32, #tpu.memory_space<vmem_shared>> -> memref<10240x128xf32, #tpu.memory_space<vmem_shared>>
      tpu.enqueue_indirect_dma source(%arg10 : memref<80x128xf32, #tpu.memory_space<vmem>>) target(%dma_start3A_596 : memref<10240x128xf32, #tpu.memory_space<vmem_shared>>) offsets(%dma_start3A_593 : memref<80xi32, #tpu.memory_space<vmem>>) semaphore(%arg19 : memref<!tpu.dma_semaphore, #tpu.memory_space<semaphore_mem>>) {add = true}
      %sub3A_597 = arith.constant 93 : i32
      %sub3A_598 = arith.subi %add3A_555, %sub3A_597 : i32
      %dma_start3A_599 = arith.constant 0 : i32
      %dma_start3A_600 = tpu.memref_slice %arg7[%sub3A_598, %dma_start3A_599] : memref<32x80xi32, #tpu.memory_space<vmem>> -> memref<1x80xi32, #tpu.memory_space<vmem>>
      %dma_start3A_601 = tpu.memref_squeeze %dma_start3A_600 : memref<1x80xi32, #tpu.memory_space<vmem>> -> memref<80xi32, #tpu.memory_space<vmem>>
      %dma_start3A_602 = arith.constant 0 : i32
      %dma_start3A_603 = arith.constant 0 : i32
      %dma_start3A_604 = tpu.memref_slice %arg13[%dma_start3A_602, %dma_start3A_603] : memref<10240x16xf32, #tpu.memory_space<vmem_shared>> -> memref<10240x16xf32, #tpu.memory_space<vmem_shared>>
      tpu.enqueue_indirect_dma source(%arg11 : memref<80x16xf32, #tpu.memory_space<vmem>>) target(%dma_start3A_604 : memref<10240x16xf32, #tpu.memory_space<vmem_shared>>) offsets(%dma_start3A_601 : memref<80xi32, #tpu.memory_space<vmem>>) semaphore(%arg22 : memref<!tpu.dma_semaphore, #tpu.memory_space<semaphore_mem>>) {add = true}
      %mul3A_605 = arith.constant 3 : i32
      %mul3A_606 = arith.muli %mul3A_605, %scan3A_497 : i32
      %add3A_607 = arith.constant 97 : i32
      %add3A_608 = arith.addi %add3A_607, %mul3A_606 : i32
      %add3A_609 = arith.constant 2 : i32
      %add3A_610 = arith.addi %add3A_608, %add3A_609 : i32
      %sub3A_611 = arith.constant 1 : i32
      %sub3A_612 = arith.subi %add3A_610, %sub3A_611 : i32
      %sub3A_613 = arith.constant 93 : i32
      %sub3A_614 = arith.subi %sub3A_612, %sub3A_613 : i32
      %dma_wait3A_615 = arith.constant 0 : i32
      %dma_wait3A_616 = tpu.memref_slice %arg7[%sub3A_614, %dma_wait3A_615] : memref<32x80xi32, #tpu.memory_space<vmem>> -> memref<1x80xi32, #tpu.memory_space<vmem>>
      %dma_wait3A_617 = tpu.memref_squeeze %dma_wait3A_616 : memref<1x80xi32, #tpu.memory_space<vmem>> -> memref<80xi32, #tpu.memory_space<vmem>>
      %dma_wait3A_618 = arith.constant 0 : i32
      %dma_wait3A_619 = arith.constant 0 : i32
      %dma_wait3A_620 = tpu.memref_slice %arg12[%dma_wait3A_618, %dma_wait3A_619] : memref<10240x128xf32, #tpu.memory_space<vmem_shared>> -> memref<10240x128xf32, #tpu.memory_space<vmem_shared>>
      tpu.wait_indirect_dma semaphore(%arg19 : memref<!tpu.dma_semaphore, #tpu.memory_space<semaphore_mem>>) src(%arg10 : memref<80x128xf32, #tpu.memory_space<vmem>>) dst(%dma_wait3A_620 : memref<10240x128xf32, #tpu.memory_space<vmem_shared>>)
      %sub3A_621 = arith.constant 93 : i32
      %sub3A_622 = arith.subi %sub3A_612, %sub3A_621 : i32
      %dma_wait3A_623 = arith.constant 0 : i32
      %dma_wait3A_624 = tpu.memref_slice %arg7[%sub3A_622, %dma_wait3A_623] : memref<32x80xi32, #tpu.memory_space<vmem>> -> memref<1x80xi32, #tpu.memory_space<vmem>>
      %dma_wait3A_625 = tpu.memref_squeeze %dma_wait3A_624 : memref<1x80xi32, #tpu.memory_space<vmem>> -> memref<80xi32, #tpu.memory_space<vmem>>
      %dma_wait3A_626 = arith.constant 0 : i32
      %dma_wait3A_627 = arith.constant 0 : i32
      %dma_wait3A_628 = tpu.memref_slice %arg13[%dma_wait3A_626, %dma_wait3A_627] : memref<10240x16xf32, #tpu.memory_space<vmem_shared>> -> memref<10240x16xf32, #tpu.memory_space<vmem_shared>>
      tpu.wait_indirect_dma semaphore(%arg22 : memref<!tpu.dma_semaphore, #tpu.memory_space<semaphore_mem>>) src(%arg11 : memref<80x16xf32, #tpu.memory_space<vmem>>) dst(%dma_wait3A_628 : memref<10240x16xf32, #tpu.memory_space<vmem_shared>>)
      %add3A_629 = arith.constant 2 : i32
      %add3A_630 = arith.addi %add3A_610, %add3A_629 : i32
      %lt3A_631 = arith.constant 125 : i32
      %lt3A_632 = arith.cmpi slt, %add3A_630, %lt3A_631 : i32
      %convert_element_type3A_633 = arith.extui %lt3A_632 : i1 to i32
      %cond3A_634 = arith.constant 0 : i32
      %cond3A_635 = arith.cmpi ne, %convert_element_type3A_633, %cond3A_634 : i32
      scf.if %cond3A_635 {
        %add3A_661 = arith.constant 2 : i32
        %add3A_662 = arith.addi %add3A_610, %add3A_661 : i32
        %sub3A_663 = arith.constant 93 : i32
        %sub3A_664 = arith.subi %add3A_662, %sub3A_663 : i32
        %dma_start3A_665 = arith.constant 0 : i32
        %dma_start3A_666 = tpu.memref_slice %arg6[%sub3A_664, %dma_start3A_665] : memref<32x80xi32, #tpu.memory_space<vmem>> -> memref<1x80xi32, #tpu.memory_space<vmem>>
        %dma_start3A_667 = tpu.memref_squeeze %dma_start3A_666 : memref<1x80xi32, #tpu.memory_space<vmem>> -> memref<80xi32, #tpu.memory_space<vmem>>
        %dma_start3A_668 = arith.constant 0 : i32
        %dma_start3A_669 = arith.constant 0 : i32
        %dma_start3A_670 = tpu.memref_slice %arg2[%dma_start3A_668, %dma_start3A_669] : memref<10000x128xf32, #tpu.memory_space<hbm>> -> memref<10000x128xf32, #tpu.memory_space<hbm>>
        tpu.enqueue_indirect_dma source(%dma_start3A_670 : memref<10000x128xf32, #tpu.memory_space<hbm>>) target(%arg10 : memref<80x128xf32, #tpu.memory_space<vmem>>) offsets(%dma_start3A_667 : memref<80xi32, #tpu.memory_space<vmem>>) semaphore(%arg16 : memref<!tpu.dma_semaphore, #tpu.memory_space<semaphore_mem>>)
      } else {
      }
      %sub3A_636 = arith.constant 93 : i32
      %sub3A_637 = arith.subi %add3A_610, %sub3A_636 : i32
      %dma_wait3A_638 = arith.constant 0 : i32
      %dma_wait3A_639 = tpu.memref_slice %arg6[%sub3A_637, %dma_wait3A_638] : memref<32x80xi32, #tpu.memory_space<vmem>> -> memref<1x80xi32, #tpu.memory_space<vmem>>
      %dma_wait3A_640 = tpu.memref_squeeze %dma_wait3A_639 : memref<1x80xi32, #tpu.memory_space<vmem>> -> memref<80xi32, #tpu.memory_space<vmem>>
      %dma_wait3A_641 = arith.constant 0 : i32
      %dma_wait3A_642 = arith.constant 0 : i32
      %dma_wait3A_643 = tpu.memref_slice %arg2[%dma_wait3A_641, %dma_wait3A_642] : memref<10000x128xf32, #tpu.memory_space<hbm>> -> memref<10000x128xf32, #tpu.memory_space<hbm>>
      tpu.wait_indirect_dma semaphore(%arg14 : memref<!tpu.dma_semaphore, #tpu.memory_space<semaphore_mem>>) src(%dma_wait3A_643 : memref<10000x128xf32, #tpu.memory_space<hbm>>) dst(%arg8 : memref<80x128xf32, #tpu.memory_space<vmem>>)
      %sub3A_644 = arith.constant 93 : i32
      %sub3A_645 = arith.subi %add3A_610, %sub3A_644 : i32
      %dma_start3A_646 = arith.constant 0 : i32
      %dma_start3A_647 = tpu.memref_slice %arg7[%sub3A_645, %dma_start3A_646] : memref<32x80xi32, #tpu.memory_space<vmem>> -> memref<1x80xi32, #tpu.memory_space<vmem>>
      %dma_start3A_648 = tpu.memref_squeeze %dma_start3A_647 : memref<1x80xi32, #tpu.memory_space<vmem>> -> memref<80xi32, #tpu.memory_space<vmem>>
      %dma_start3A_649 = arith.constant 0 : i32
      %dma_start3A_650 = arith.constant 0 : i32
      %dma_start3A_651 = tpu.memref_slice %arg12[%dma_start3A_649, %dma_start3A_650] : memref<10240x128xf32, #tpu.memory_space<vmem_shared>> -> memref<10240x128xf32, #tpu.memory_space<vmem_shared>>
      tpu.enqueue_indirect_dma source(%arg8 : memref<80x128xf32, #tpu.memory_space<vmem>>) target(%dma_start3A_651 : memref<10240x128xf32, #tpu.memory_space<vmem_shared>>) offsets(%dma_start3A_648 : memref<80xi32, #tpu.memory_space<vmem>>) semaphore(%arg17 : memref<!tpu.dma_semaphore, #tpu.memory_space<semaphore_mem>>) {add = true}
      %sub3A_652 = arith.constant 93 : i32
      %sub3A_653 = arith.subi %add3A_610, %sub3A_652 : i32
      %dma_start3A_654 = arith.constant 0 : i32
      %dma_start3A_655 = tpu.memref_slice %arg7[%sub3A_653, %dma_start3A_654] : memref<32x80xi32, #tpu.memory_space<vmem>> -> memref<1x80xi32, #tpu.memory_space<vmem>>
      %dma_start3A_656 = tpu.memref_squeeze %dma_start3A_655 : memref<1x80xi32, #tpu.memory_space<vmem>> -> memref<80xi32, #tpu.memory_space<vmem>>
      %dma_start3A_657 = arith.constant 0 : i32
      %dma_start3A_658 = arith.constant 0 : i32
      %dma_start3A_659 = tpu.memref_slice %arg13[%dma_start3A_657, %dma_start3A_658] : memref<10240x16xf32, #tpu.memory_space<vmem_shared>> -> memref<10240x16xf32, #tpu.memory_space<vmem_shared>>
      tpu.enqueue_indirect_dma source(%arg11 : memref<80x16xf32, #tpu.memory_space<vmem>>) target(%dma_start3A_659 : memref<10240x16xf32, #tpu.memory_space<vmem_shared>>) offsets(%dma_start3A_656 : memref<80xi32, #tpu.memory_space<vmem>>) semaphore(%arg20 : memref<!tpu.dma_semaphore, #tpu.memory_space<semaphore_mem>>) {add = true}
      %scan3A_660 = arith.constant 0 : i32
      scf.yield %scan3A_660 : i32
    }
    %scan3A_438 = arith.constant 9 : i32
    %dma_wait3A_439 = arith.constant 30 : i32
    %dma_wait3A_440 = arith.constant 0 : i32
    %dma_wait3A_441 = tpu.memref_slice %arg7[%dma_wait3A_439, %dma_wait3A_440] : memref<32x80xi32, #tpu.memory_space<vmem>> -> memref<1x80xi32, #tpu.memory_space<vmem>>
    %dma_wait3A_442 = tpu.memref_squeeze %dma_wait3A_441 : memref<1x80xi32, #tpu.memory_space<vmem>> -> memref<80xi32, #tpu.memory_space<vmem>>
    %dma_wait3A_443 = arith.constant 0 : i32
    %dma_wait3A_444 = arith.constant 0 : i32
    %dma_wait3A_445 = tpu.memref_slice %arg12[%dma_wait3A_443, %dma_wait3A_444] : memref<10240x128xf32, #tpu.memory_space<vmem_shared>> -> memref<10240x128xf32, #tpu.memory_space<vmem_shared>>
    tpu.wait_indirect_dma semaphore(%arg17 : memref<!tpu.dma_semaphore, #tpu.memory_space<semaphore_mem>>) src(%arg8 : memref<80x128xf32, #tpu.memory_space<vmem>>) dst(%dma_wait3A_445 : memref<10240x128xf32, #tpu.memory_space<vmem_shared>>)
    %dma_wait3A_446 = arith.constant 30 : i32
    %dma_wait3A_447 = arith.constant 0 : i32
    %dma_wait3A_448 = tpu.memref_slice %arg7[%dma_wait3A_446, %dma_wait3A_447] : memref<32x80xi32, #tpu.memory_space<vmem>> -> memref<1x80xi32, #tpu.memory_space<vmem>>
    %dma_wait3A_449 = tpu.memref_squeeze %dma_wait3A_448 : memref<1x80xi32, #tpu.memory_space<vmem>> -> memref<80xi32, #tpu.memory_space<vmem>>
    %dma_wait3A_450 = arith.constant 0 : i32
    %dma_wait3A_451 = arith.constant 0 : i32
    %dma_wait3A_452 = tpu.memref_slice %arg13[%dma_wait3A_450, %dma_wait3A_451] : memref<10240x16xf32, #tpu.memory_space<vmem_shared>> -> memref<10240x16xf32, #tpu.memory_space<vmem_shared>>
    tpu.wait_indirect_dma semaphore(%arg20 : memref<!tpu.dma_semaphore, #tpu.memory_space<semaphore_mem>>) src(%arg11 : memref<80x16xf32, #tpu.memory_space<vmem>>) dst(%dma_wait3A_452 : memref<10240x16xf32, #tpu.memory_space<vmem_shared>>)
    %dma_wait3A_453 = arith.constant 31 : i32
    %dma_wait3A_454 = arith.constant 0 : i32
    %dma_wait3A_455 = tpu.memref_slice %arg6[%dma_wait3A_453, %dma_wait3A_454] : memref<32x80xi32, #tpu.memory_space<vmem>> -> memref<1x80xi32, #tpu.memory_space<vmem>>
    %dma_wait3A_456 = tpu.memref_squeeze %dma_wait3A_455 : memref<1x80xi32, #tpu.memory_space<vmem>> -> memref<80xi32, #tpu.memory_space<vmem>>
    %dma_wait3A_457 = arith.constant 0 : i32
    %dma_wait3A_458 = arith.constant 0 : i32
    %dma_wait3A_459 = tpu.memref_slice %arg2[%dma_wait3A_457, %dma_wait3A_458] : memref<10000x128xf32, #tpu.memory_space<hbm>> -> memref<10000x128xf32, #tpu.memory_space<hbm>>
    tpu.wait_indirect_dma semaphore(%arg15 : memref<!tpu.dma_semaphore, #tpu.memory_space<semaphore_mem>>) src(%dma_wait3A_459 : memref<10000x128xf32, #tpu.memory_space<hbm>>) dst(%arg9 : memref<80x128xf32, #tpu.memory_space<vmem>>)
    %dma_start3A_460 = arith.constant 31 : i32
    %dma_start3A_461 = arith.constant 0 : i32
    %dma_start3A_462 = tpu.memref_slice %arg7[%dma_start3A_460, %dma_start3A_461] : memref<32x80xi32, #tpu.memory_space<vmem>> -> memref<1x80xi32, #tpu.memory_space<vmem>>
    %dma_start3A_463 = tpu.memref_squeeze %dma_start3A_462 : memref<1x80xi32, #tpu.memory_space<vmem>> -> memref<80xi32, #tpu.memory_space<vmem>>
    %dma_start3A_464 = arith.constant 0 : i32
    %dma_start3A_465 = arith.constant 0 : i32
    %dma_start3A_466 = tpu.memref_slice %arg12[%dma_start3A_464, %dma_start3A_465] : memref<10240x128xf32, #tpu.memory_space<vmem_shared>> -> memref<10240x128xf32, #tpu.memory_space<vmem_shared>>
    tpu.enqueue_indirect_dma source(%arg9 : memref<80x128xf32, #tpu.memory_space<vmem>>) target(%dma_start3A_466 : memref<10240x128xf32, #tpu.memory_space<vmem_shared>>) offsets(%dma_start3A_463 : memref<80xi32, #tpu.memory_space<vmem>>) semaphore(%arg18 : memref<!tpu.dma_semaphore, #tpu.memory_space<semaphore_mem>>) {add = true}
    %dma_start3A_467 = arith.constant 31 : i32
    %dma_start3A_468 = arith.constant 0 : i32
    %dma_start3A_469 = tpu.memref_slice %arg7[%dma_start3A_467, %dma_start3A_468] : memref<32x80xi32, #tpu.memory_space<vmem>> -> memref<1x80xi32, #tpu.memory_space<vmem>>
    %dma_start3A_470 = tpu.memref_squeeze %dma_start3A_469 : memref<1x80xi32, #tpu.memory_space<vmem>> -> memref<80xi32, #tpu.memory_space<vmem>>
    %dma_start3A_471 = arith.constant 0 : i32
    %dma_start3A_472 = arith.constant 0 : i32
    %dma_start3A_473 = tpu.memref_slice %arg13[%dma_start3A_471, %dma_start3A_472] : memref<10240x16xf32, #tpu.memory_space<vmem_shared>> -> memref<10240x16xf32, #tpu.memory_space<vmem_shared>>
    tpu.enqueue_indirect_dma source(%arg11 : memref<80x16xf32, #tpu.memory_space<vmem>>) target(%dma_start3A_473 : memref<10240x16xf32, #tpu.memory_space<vmem_shared>>) offsets(%dma_start3A_470 : memref<80xi32, #tpu.memory_space<vmem>>) semaphore(%arg21 : memref<!tpu.dma_semaphore, #tpu.memory_space<semaphore_mem>>) {add = true}
    %dma_wait3A_474 = arith.constant 31 : i32
    %dma_wait3A_475 = arith.constant 0 : i32
    %dma_wait3A_476 = tpu.memref_slice %arg7[%dma_wait3A_474, %dma_wait3A_475] : memref<32x80xi32, #tpu.memory_space<vmem>> -> memref<1x80xi32, #tpu.memory_space<vmem>>
    %dma_wait3A_477 = tpu.memref_squeeze %dma_wait3A_476 : memref<1x80xi32, #tpu.memory_space<vmem>> -> memref<80xi32, #tpu.memory_space<vmem>>
    %dma_wait3A_478 = arith.constant 0 : i32
    %dma_wait3A_479 = arith.constant 0 : i32
    %dma_wait3A_480 = tpu.memref_slice %arg12[%dma_wait3A_478, %dma_wait3A_479] : memref<10240x128xf32, #tpu.memory_space<vmem_shared>> -> memref<10240x128xf32, #tpu.memory_space<vmem_shared>>
    tpu.wait_indirect_dma semaphore(%arg18 : memref<!tpu.dma_semaphore, #tpu.memory_space<semaphore_mem>>) src(%arg9 : memref<80x128xf32, #tpu.memory_space<vmem>>) dst(%dma_wait3A_480 : memref<10240x128xf32, #tpu.memory_space<vmem_shared>>)
    %dma_wait3A_481 = arith.constant 31 : i32
    %dma_wait3A_482 = arith.constant 0 : i32
    %dma_wait3A_483 = tpu.memref_slice %arg7[%dma_wait3A_481, %dma_wait3A_482] : memref<32x80xi32, #tpu.memory_space<vmem>> -> memref<1x80xi32, #tpu.memory_space<vmem>>
    %dma_wait3A_484 = tpu.memref_squeeze %dma_wait3A_483 : memref<1x80xi32, #tpu.memory_space<vmem>> -> memref<80xi32, #tpu.memory_space<vmem>>
    %dma_wait3A_485 = arith.constant 0 : i32
    %dma_wait3A_486 = arith.constant 0 : i32
    %dma_wait3A_487 = tpu.memref_slice %arg13[%dma_wait3A_485, %dma_wait3A_486] : memref<10240x16xf32, #tpu.memory_space<vmem_shared>> -> memref<10240x16xf32, #tpu.memory_space<vmem_shared>>
    tpu.wait_indirect_dma semaphore(%arg21 : memref<!tpu.dma_semaphore, #tpu.memory_space<semaphore_mem>>) src(%arg11 : memref<80x16xf32, #tpu.memory_space<vmem>>) dst(%dma_wait3A_487 : memref<10240x16xf32, #tpu.memory_space<vmem_shared>>)
    %barrier3A_488 = arith.constant 0 : index
    tpu.barrier barrier_id(%barrier3A_488)
    %mul3A_489 = arith.constant 640 : i32
    %mul3A_490 = arith.muli %arg1, %mul3A_489 : i32
    %mul3A_491 = arith.constant 640 : i32
    %mul3A_492 = arith.muli %arg1, %mul3A_491 : i32
    "tpu.region"() ({
      %run_scoped3A_497 = tpu.sem_alloc : memref<!tpu.dma_semaphore, #tpu.memory_space<semaphore_mem>>
      %dma_start3A_498 = arith.constant 0 : i32
      %dma_start3A_499 = arith.constant 0 : i32
      %dma_start3A_500 = tpu.memref_slice %arg4[%arg0, %dma_start3A_498, %dma_start3A_499] : memref<2x10240x128xf32, #tpu.memory_space<hbm>> -> memref<1x10240x128xf32, #tpu.memory_space<hbm>>
      %dma_start3A_501 = tpu.memref_squeeze %dma_start3A_500 : memref<1x10240x128xf32, #tpu.memory_space<hbm>> -> memref<10240x128xf32, #tpu.memory_space<hbm>>
      %dma_start3A_502 = arith.constant 0 : i32
      %dma_start3A_503 = tpu.memref_slice %dma_start3A_501[%mul3A_492, %dma_start3A_502] : memref<10240x128xf32, #tpu.memory_space<hbm>> -> memref<640x128xf32, #tpu.memory_space<hbm>>
      %dma_start3A_504 = arith.constant 0 : i32
      %dma_start3A_505 = tpu.memref_slice %arg12[%mul3A_490, %dma_start3A_504] : memref<10240x128xf32, #tpu.memory_space<vmem_shared>> -> memref<640x128xf32, #tpu.memory_space<vmem_shared>>
      tpu.enqueue_dma source(%dma_start3A_505 : memref<640x128xf32, #tpu.memory_space<vmem_shared>>) target(%dma_start3A_503 : memref<640x128xf32, #tpu.memory_space<hbm>>) target_semaphore(%run_scoped3A_497 : memref<!tpu.dma_semaphore, #tpu.memory_space<semaphore_mem>>)
      %dma_wait3A_506 = arith.constant 0 : i32
      %dma_wait3A_507 = arith.constant 0 : i32
      %dma_wait3A_508 = tpu.memref_slice %arg4[%arg0, %dma_wait3A_506, %dma_wait3A_507] : memref<2x10240x128xf32, #tpu.memory_space<hbm>> -> memref<1x10240x128xf32, #tpu.memory_space<hbm>>
      %dma_wait3A_509 = tpu.memref_squeeze %dma_wait3A_508 : memref<1x10240x128xf32, #tpu.memory_space<hbm>> -> memref<10240x128xf32, #tpu.memory_space<hbm>>
      %dma_wait3A_510 = arith.constant 0 : i32
      %dma_wait3A_511 = tpu.memref_slice %dma_wait3A_509[%mul3A_492, %dma_wait3A_510] : memref<10240x128xf32, #tpu.memory_space<hbm>> -> memref<640x128xf32, #tpu.memory_space<hbm>>
      %dma_wait3A_512 = arith.constant 0 : i32
      %dma_wait3A_513 = tpu.memref_slice %arg12[%mul3A_490, %dma_wait3A_512] : memref<10240x128xf32, #tpu.memory_space<vmem_shared>> -> memref<640x128xf32, #tpu.memory_space<vmem_shared>>
      tpu.wait_dma2 semaphore(%run_scoped3A_497 : memref<!tpu.dma_semaphore, #tpu.memory_space<semaphore_mem>>) src(%dma_wait3A_513 : memref<640x128xf32, #tpu.memory_space<vmem_shared>>) dst(%dma_wait3A_511 : memref<640x128xf32, #tpu.memory_space<hbm>>)
      tpu.yield
    }) : () -> ()
    %mul3A_493 = arith.constant 640 : i32
    %mul3A_494 = arith.muli %arg1, %mul3A_493 : i32
    %mul3A_495 = arith.constant 640 : i32
    %mul3A_496 = arith.muli %arg1, %mul3A_495 : i32
    "tpu.region"() ({
      %run_scoped3A_497 = tpu.sem_alloc : memref<!tpu.dma_semaphore, #tpu.memory_space<semaphore_mem>>
      %dma_start3A_498 = arith.constant 0 : i32
      %dma_start3A_499 = arith.constant 0 : i32
      %dma_start3A_500 = tpu.memref_slice %arg5[%arg0, %dma_start3A_498, %dma_start3A_499] : memref<2x10240x16xf32, #tpu.memory_space<hbm>> -> memref<1x10240x16xf32, #tpu.memory_space<hbm>>
      %dma_start3A_501 = tpu.memref_squeeze %dma_start3A_500 : memref<1x10240x16xf32, #tpu.memory_space<hbm>> -> memref<10240x16xf32, #tpu.memory_space<hbm>>
      %dma_start3A_502 = arith.constant 0 : i32
      %dma_start3A_503 = tpu.memref_slice %dma_start3A_501[%mul3A_496, %dma_start3A_502] : memref<10240x16xf32, #tpu.memory_space<hbm>> -> memref<640x16xf32, #tpu.memory_space<hbm>>
      %dma_start3A_504 = arith.constant 0 : i32
      %dma_start3A_505 = tpu.memref_slice %arg13[%mul3A_494, %dma_start3A_504] : memref<10240x16xf32, #tpu.memory_space<vmem_shared>> -> memref<640x16xf32, #tpu.memory_space<vmem_shared>>
      tpu.enqueue_dma source(%dma_start3A_505 : memref<640x16xf32, #tpu.memory_space<vmem_shared>>) target(%dma_start3A_503 : memref<640x16xf32, #tpu.memory_space<hbm>>) target_semaphore(%run_scoped3A_497 : memref<!tpu.dma_semaphore, #tpu.memory_space<semaphore_mem>>)
      %dma_wait3A_506 = arith.constant 0 : i32
      %dma_wait3A_507 = arith.constant 0 : i32
      %dma_wait3A_508 = tpu.memref_slice %arg5[%arg0, %dma_wait3A_506, %dma_wait3A_507] : memref<2x10240x16xf32, #tpu.memory_space<hbm>> -> memref<1x10240x16xf32, #tpu.memory_space<hbm>>
      %dma_wait3A_509 = tpu.memref_squeeze %dma_wait3A_508 : memref<1x10240x16xf32, #tpu.memory_space<hbm>> -> memref<10240x16xf32, #tpu.memory_space<hbm>>
      %dma_wait3A_510 = arith.constant 0 : i32
      %dma_wait3A_511 = tpu.memref_slice %dma_wait3A_509[%mul3A_496, %dma_wait3A_510] : memref<10240x16xf32, #tpu.memory_space<hbm>> -> memref<640x16xf32, #tpu.memory_space<hbm>>
      %dma_wait3A_512 = arith.constant 0 : i32
      %dma_wait3A_513 = tpu.memref_slice %arg13[%mul3A_494, %dma_wait3A_512] : memref<10240x16xf32, #tpu.memory_space<vmem_shared>> -> memref<640x16xf32, #tpu.memory_space<vmem_shared>>
      tpu.wait_dma2 semaphore(%run_scoped3A_497 : memref<!tpu.dma_semaphore, #tpu.memory_space<semaphore_mem>>) src(%dma_wait3A_513 : memref<640x16xf32, #tpu.memory_space<vmem_shared>>) dst(%dma_wait3A_511 : memref<640x16xf32, #tpu.memory_space<hbm>>)
      tpu.yield
    }) : () -> ()
    return
  }
}

module attributes {stable_mosaic.version = 14 : i64} {
  func.func @_tc_body(%arg0: i32, %arg1: memref<2000x128xf32, #tpu.memory_space<vmem>>, %arg2: memref<2x2000x128xf32, #tpu.memory_space<vmem>>, %arg3: memref<2x2000x16xf32, #tpu.memory_space<vmem>>, %arg4: memref<128x128xf32, #tpu.memory_space<vmem>>, %arg5: memref<1x128xf32, #tpu.memory_space<vmem>>, %arg6: memref<128x128xf32, #tpu.memory_space<vmem>>, %arg7: memref<1x128xf32, #tpu.memory_space<vmem>>, %arg8: memref<2000x128xf32, #tpu.memory_space<vmem>>) attributes {dimension_semantics = [#tpu.dimension_semantics<arbitrary>], iteration_bounds = array<i64: 5>, scalar_prefetch = 0 : i64, scratch_operands = 0 : i64, tpu.core_type = #tpu.core_type<tc>, window_params = [{transform_indices = @transform_0, window_bounds = array<i64: 2000, 128>}, {transform_indices = @transform_1, window_bounds = array<i64: 2, 2000, 128>}, {transform_indices = @transform_2, window_bounds = array<i64: 2, 2000, 16>}, {pipeline_mode = #tpu.pipeline_mode<synchronous>, transform_indices = @transform_3, window_bounds = array<i64: 128, 128>}, {pipeline_mode = #tpu.pipeline_mode<synchronous>, transform_indices = @transform_4, window_bounds = array<i64: 1, 128>}, {pipeline_mode = #tpu.pipeline_mode<synchronous>, transform_indices = @transform_5, window_bounds = array<i64: 128, 128>}, {pipeline_mode = #tpu.pipeline_mode<synchronous>, transform_indices = @transform_6, window_bounds = array<i64: 1, 128>}, {transform_indices = @transform_7, window_bounds = array<i64: 2000, 128>}]} {
    %get3A = arith.constant 0 : index
    %get3A_0 = arith.constant 0 : index
    %get3A_1 = vector.load %arg1[%get3A, %get3A_0] : memref<2000x128xf32, #tpu.memory_space<vmem>>, vector<2000x128xf32>
    %get3A_2 = arith.constant 0 : index
    %get3A_3 = arith.constant 0 : index
    %get3A_4 = arith.constant 0 : index
    %get3A_5 = vector.load %arg2[%get3A_2, %get3A_3, %get3A_4] : memref<2x2000x128xf32, #tpu.memory_space<vmem>>, vector<1x2000x128xf32>
    %get3A_6 = vector.shape_cast %get3A_5 : vector<1x2000x128xf32> to vector<2000x128xf32>
    %get3A_7 = arith.constant 1 : index
    %get3A_8 = arith.constant 0 : index
    %get3A_9 = arith.constant 0 : index
    %get3A_10 = vector.load %arg2[%get3A_7, %get3A_8, %get3A_9] : memref<2x2000x128xf32, #tpu.memory_space<vmem>>, vector<1x2000x128xf32>
    %get3A_11 = vector.shape_cast %get3A_10 : vector<1x2000x128xf32> to vector<2000x128xf32>
    %add3A = arith.addf %get3A_6, %get3A_11 : vector<2000x128xf32>
    %get3A_12 = arith.constant 0 : index
    %get3A_13 = arith.constant 0 : index
    %get3A_14 = arith.constant 0 : index
    %get3A_15 = vector.load %arg3[%get3A_12, %get3A_13, %get3A_14] : memref<2x2000x16xf32, #tpu.memory_space<vmem>>, vector<1x2000x16xf32>
    %get3A_16 = vector.shape_cast %get3A_15 : vector<1x2000x16xf32> to vector<2000x16xf32>
    %get3A_17 = arith.constant 1 : index
    %get3A_18 = arith.constant 0 : index
    %get3A_19 = arith.constant 0 : index
    %get3A_20 = vector.load %arg3[%get3A_17, %get3A_18, %get3A_19] : memref<2x2000x16xf32, #tpu.memory_space<vmem>>, vector<1x2000x16xf32>
    %get3A_21 = vector.shape_cast %get3A_20 : vector<1x2000x16xf32> to vector<2000x16xf32>
    %add3A_22 = arith.addf %get3A_16, %get3A_21 : vector<2000x16xf32>
    %slice3A = vector.extract_strided_slice %add3A_22 {offsets = [0, 0], sizes = [2000, 1], strides = [1, 1]} : vector<2000x16xf32> to vector<2000x1xf32>
    %get3A_23 = arith.constant 0 : index
    %get3A_24 = arith.constant 0 : index
    %get3A_25 = vector.load %arg4[%get3A_23, %get3A_24] : memref<128x128xf32, #tpu.memory_space<vmem>>, vector<128x128xf32>
    %dot_general3A = arith.constant dense<0.000000e+00> : vector<2000x128xf32>
    %dot_general3A_26 = tpu.matmul %get3A_1, %get3A_25, %dot_general3A {dimension_numbers = #tpu.dot_dimension_numbers<[1], [0], [0], [1], [0, 0, 1, 1], [], []>, transpose_lhs_hint = false} : vector<2000x128xf32>, vector<128x128xf32>, vector<2000x128xf32> -> vector<2000x128xf32>
    %get3A_27 = arith.constant 0 : index
    %get3A_28 = arith.constant 0 : index
    %get3A_29 = vector.load %arg5[%get3A_27, %get3A_28] : memref<1x128xf32, #tpu.memory_space<vmem>>, vector<1x128xf32>
    %add3A_30 = vector.broadcast %get3A_29 : vector<1x128xf32> to vector<2000x128xf32>
    %add3A_31 = arith.addf %dot_general3A_26, %add3A_30 : vector<2000x128xf32>
    %get3A_32 = arith.constant 0 : index
    %get3A_33 = arith.constant 0 : index
    %get3A_34 = vector.load %arg6[%get3A_32, %get3A_33] : memref<128x128xf32, #tpu.memory_space<vmem>>, vector<128x128xf32>
    %dot_general3A_35 = arith.constant dense<0.000000e+00> : vector<2000x128xf32>
    %dot_general3A_36 = tpu.matmul %add3A, %get3A_34, %dot_general3A_35 {dimension_numbers = #tpu.dot_dimension_numbers<[1], [0], [0], [1], [0, 0, 1, 1], [], []>, transpose_lhs_hint = false} : vector<2000x128xf32>, vector<128x128xf32>, vector<2000x128xf32> -> vector<2000x128xf32>
    %get3A_37 = arith.constant 0 : index
    %get3A_38 = arith.constant 0 : index
    %get3A_39 = vector.load %arg7[%get3A_37, %get3A_38] : memref<1x128xf32, #tpu.memory_space<vmem>>, vector<1x128xf32>
    %mul3A = vector.broadcast %slice3A : vector<2000x1xf32> to vector<2000x128xf32>
    %mul3A_40 = vector.broadcast %get3A_39 : vector<1x128xf32> to vector<2000x128xf32>
    %mul3A_41 = arith.mulf %mul3A, %mul3A_40 : vector<2000x128xf32>
    %add3A_42 = arith.addf %dot_general3A_36, %mul3A_41 : vector<2000x128xf32>
    %max3A = arith.constant 1.000000e+00 : f32
    %max3A_43 = vector.broadcast %max3A : f32 to vector<2000x1xf32>
    %max3A_44 = arith.maximumf %slice3A, %max3A_43 : vector<2000x1xf32>
    %div3A = vector.broadcast %max3A_44 : vector<2000x1xf32> to vector<2000x128xf32>
    %div3A_45 = arith.divf %add3A_42, %div3A : vector<2000x128xf32>
    %add3A_46 = arith.addf %add3A_31, %div3A_45 : vector<2000x128xf32>
    %max3A_47 = arith.constant 0.000000e+00 : f32
    %max3A_48 = vector.broadcast %max3A_47 : f32 to vector<2000x128xf32>
    %max3A_49 = arith.maximumf %add3A_46, %max3A_48 : vector<2000x128xf32>
    %swap3A = arith.constant 0 : index
    %swap3A_50 = arith.constant 0 : index
    %swap3A_51 = vector.load %arg8[%swap3A, %swap3A_50] : memref<2000x128xf32, #tpu.memory_space<vmem>>, vector<2000x128xf32>
    tpu.vector_store %arg8[%swap3A, %swap3A_50], %max3A_49 {strides = array<i32>} : memref<2000x128xf32, #tpu.memory_space<vmem>>, vector<2000x128xf32>,
    return
  }
  func.func @transform_0(%arg0: i32) -> (i32, i32) {
    %c0_i32 = arith.constant 0 : i32
    %c0_i32_0 = arith.constant 0 : i32
    return %arg0, %c0_i32 : i32, i32
  }
  func.func @transform_1(%arg0: i32) -> (i32, i32, i32) {
    %c0_i32 = arith.constant 0 : i32
    %c0_i32_0 = arith.constant 0 : i32
    %c0_i32_1 = arith.constant 0 : i32
    return %c0_i32, %arg0, %c0_i32_0 : i32, i32, i32
  }
  func.func @transform_2(%arg0: i32) -> (i32, i32, i32) {
    %c0_i32 = arith.constant 0 : i32
    %c0_i32_0 = arith.constant 0 : i32
    %c0_i32_1 = arith.constant 0 : i32
    return %c0_i32, %arg0, %c0_i32_0 : i32, i32, i32
  }
  func.func @transform_3(%arg0: i32) -> (i32, i32) {
    %c0_i32 = arith.constant 0 : i32
    %c0_i32_0 = arith.constant 0 : i32
    %c0_i32_1 = arith.constant 0 : i32
    return %c0_i32, %c0_i32_0 : i32, i32
  }
  func.func @transform_4(%arg0: i32) -> (i32, i32) {
    %c0_i32 = arith.constant 0 : i32
    %c0_i32_0 = arith.constant 0 : i32
    %c0_i32_1 = arith.constant 0 : i32
    return %c0_i32, %c0_i32_0 : i32, i32
  }
  func.func @transform_5(%arg0: i32) -> (i32, i32) {
    %c0_i32 = arith.constant 0 : i32
    %c0_i32_0 = arith.constant 0 : i32
    %c0_i32_1 = arith.constant 0 : i32
    return %c0_i32, %c0_i32_0 : i32, i32
  }
  func.func @transform_6(%arg0: i32) -> (i32, i32) {
    %c0_i32 = arith.constant 0 : i32
    %c0_i32_0 = arith.constant 0 : i32
    %c0_i32_1 = arith.constant 0 : i32
    return %c0_i32, %c0_i32_0 : i32, i32
  }
  func.func @transform_7(%arg0: i32) -> (i32, i32) {
    %c0_i32 = arith.constant 0 : i32
    %c0_i32_0 = arith.constant 0 : i32
    return %arg0, %c0_i32 : i32, i32
  }
}

</mosaic_0001>

<sc_bundles>
// kernel: kernel.4.cloned.1.call-start
scs
__scs_entry_jumppad:
0x0: {  	(pc) =	sbr.rel $0x88, $3  }
0x1: {  	(tag) =	ssettag $0x0;
	lr =	simm.s32 $0x1  }
0x2: {  	[smem:$0x3F9B] =	sst lr;
	_ =	strace $0xD0000000  }
0x3: {  	_ = 	snop  }
0x4: {  	_ = 	snop  }
0x5: {  	_ = 	snop  }
0x6: {  	_ = 	snop  }
0x7: {  	_ = 	snop  }
__scs_overlays_trampoline_lowered:
0x8: {  	[smem:$0x3FAA] =	sst s0  }
0x9: {  	[smem:$0x3FAB] =	sst s1  }
0xa: {  	[smem:$0x3FAC] =	sst s2  }
0xb: {  	[smem:$0x3FAD] =	sst s3  }
0xc: {  	[smem:$0x3FAE] =	sst s4  }
0xd: {  	[smem:$0x3FAF] =	sst s5  }
0xe: {  	[smem:$0x3FB0] =	sst s6  }
0xf: {  	[smem:$0x3FB1] =	sst s7  }
0x10: {  	[smem:$0x3FB2] =	sst s8  }
0x11: {  	[smem:$0x3FB3] =	sst s9;
	s0 =	simm.s32 @!p0 $0x0  }
0x12: {  	s1 =	sld [smem:$0x3F99];
	s0 =	simm.s32 @p0 $0x1  }
0x13: {  	[smem:$0x3FB4] =	sst s0;
	s0 =	simm.s32 @!p1 $0x0  }
0x14: {  	s2 =	sld [smem:$0x3F98];
	s0 =	simm.s32 @p1 $0x1  }
0x15: {  	[smem:$0x3FB5] =	sst s0;
	s0 =	simm.s32 @!p2 $0x0  }
0x16: {  	s3 =	sld [smem:$0x3FDB];
	s0 =	simm.s32 @p2 $0x1  }
0x17: {  	s4 =	simm.s32 $0x1BF5;
	[smem:$0x3FB7] =	sst s0  }
0x18: {  	s0 =	sld [smem:$0x3F9A];
	_ =	swait.ge [sflag:s4], $0x0  }
0x19: {  	s7 =	sld [smem:$0x3F9B]  }
0x1a: {  	s8 =	sadd.s32 $0xFFFFE003, lr  }
0x1b: {  	s9 =	sadd.s32 $0xFFFFFEF7, lr;
	s5 =	simm.s32 $0xFFFFFFFF;
	p2 =	slt.u32 s8, $0xFFFFF086  }
0x1c: {  	p1 =	slt.u32 s9, $0xF7A;
	s5 =	simm.s32 @!p2 $0x0  }
0x1d: {  	s5 =	simm.s32 @p1 $0x1;
	p0 =	seq.s32 s7, s2  }
0x1e: {  	s7 =	smul.u32 @!p0 $0xF7A, s2;
	p2 =	seq.s32 @!p0 s5, $0x0  }
0x1f: {  	s9 =	smul.u32 $0xF7A, s1;
	s8 =	simm.s32 @!p0 $0x1BF5;
	p2 =	por !p2, p0  }
0x20: {  	[sflag:s8] =	ssyncset.s32 @!p0 $0xFFFFF086;
	s6 =	sadd.s32 @!p0 s3, s7;
	s7 =	simm.s32 @!p0 $0x108  }
0x21: {  	s3 =	sadd.s32 s3, s9;
	s6 =	sadd.s32 @!p0 $0x88, s6;
	s7 =	simm.s32 @p2 $0x1082  }
0x22: {  	[simem:s7], [sflag:s8] =	dma.local @!p0 [hbm:s6], $0xF7A  }
0x23: {  	s9 =	sor.u32 $0xD0000000, s2;
	s6 =	simm.s32 $0x108;
	_ =	swait.ge @!p0 [sflag:s8], $0x0  }
0x24: {  	s3 =	sadd.s32 $0x88, s3;
	s6 =	simm.s32 @!p1 $0x1082;
	[sflag:s4] =	ssyncset.s32 $0xFFFFF086  }
0x25: {  	[simem:s6], [sflag:s4] =	dma.local [hbm:s3], $0xF7A  }
0x26: {  	[smem:$0x3F9B] =	sst s1;
	(tag) =	ssettag s2;
	_ =	strace s9  }
0x27: {  	s1 =	sld [smem:$0x3FAB]  }
0x28: {  	s2 =	sld [smem:$0x3FAC]  }
0x29: {  	s4 =	sld [smem:$0x3FAE]  }
0x2a: {  	p0 =	seq.s32 s5, $0x0;
	s5 =	sld [smem:$0x3FAF]  }
0x2b: {  	s6 =	sld [smem:$0x3FB0]  }
0x2c: {  	s7 =	sld [smem:$0x3FB1]  }
0x2d: {  	s3 =	simm.s32 $0x108;
	s8 =	sld [smem:$0x3FB2]  }
0x2e: {  	s3 =	simm.s32 @!p0 $0x1082;
	s9 =	sld [smem:$0x3FB3]  }
0x2f: {  	lr =	sadd.s32 s0, s3;
	s0 =	sld [smem:$0x3FAA]  }
0x30: {  	s3 =	sld [smem:$0x3FAD]  }
0x31: {  	[smem:$0x3FB6] =	sst s10  }
0x32: {  	s10 =	sld [smem:$0x3FB4];
	_ =	sdelay $0x3  }
0x33: {  	p0 =	seq.s32 s10, $0x1;
	s10 =	sld [smem:$0x3FB6];
	_ =	sdelay $0x3  }
0x34: {  	[smem:$0x3FB6] =	sst s10  }
0x35: {  	s10 =	sld [smem:$0x3FB5];
	_ =	sdelay $0x3  }
0x36: {  	p1 =	seq.s32 s10, $0x1;
	s10 =	sld [smem:$0x3FB6];
	_ =	sdelay $0x3  }
0x37: {  	[smem:$0x3FB6] =	sst s10  }
0x38: {  	s10 =	sld [smem:$0x3FB7]  }
0x39: {  	_ = 	snop;
	(pc) =	sbr.ind lr, $3  }
0x3a: {  	_ = 	snop  }
0x3b: {  	_ = 	snop  }
0x3c: {  	p2 =	seq.s32 s10, $0x1;
	s10 =	sld [smem:$0x3FB6]  }
0x3d: {  	_ =	shalt  }
0x3e: {  	_ =	shalt  }
0x3f: {  	_ =	shalt  }
0x40: {  	_ =	shalt  }
0x41: {  	_ =	shalt  }
0x42: {  	_ =	shalt  }
0x43: {  	_ =	shalt  }
0x44: {  	_ =	shalt  }
0x45: {  	_ =	shalt  }
0x46: {  	_ =	shalt  }
0x47: {  	_ =	shalt  }
0x48: {  	_ =	shalt  }
0x49: {  	_ =	shalt  }
0x4a: {  	_ =	shalt  }
0x4b: {  	_ =	shalt  }
0x4c: {  	_ =	shalt  }
0x4d: {  	_ =	shalt  }
0x4e: {  	_ =	shalt  }
0x4f: {  	_ =	shalt  }
0x50: {  	_ =	shalt  }
0x51: {  	_ =	shalt  }
0x52: {  	_ =	shalt  }
0x53: {  	_ =	shalt  }
0x54: {  	_ =	shalt  }
0x55: {  	_ =	shalt  }
0x56: {  	_ =	shalt  }
0x57: {  	_ =	shalt  }
0x58: {  	_ =	shalt  }
0x59: {  	_ =	shalt  }
0x5a: {  	_ =	shalt  }
0x5b: {  	_ =	shalt  }
0x5c: {  	_ =	shalt  }
0x5d: {  	_ =	shalt  }
0x5e: {  	_ =	shalt  }
0x5f: {  	_ =	shalt  }
0x60: {  	_ =	shalt  }
0x61: {  	_ =	shalt  }
0x62: {  	_ =	shalt  }
0x63: {  	_ =	shalt  }
0x64: {  	_ =	shalt  }
0x65: {  	_ =	shalt  }
0x66: {  	_ =	shalt  }
0x67: {  	_ =	shalt  }
0x68: {  	_ =	shalt  }
0x69: {  	_ =	shalt  }
0x6a: {  	_ =	shalt  }
0x6b: {  	_ =	shalt  }
0x6c: {  	_ =	shalt  }
0x6d: {  	_ =	shalt  }
0x6e: {  	_ =	shalt  }
0x6f: {  	_ =	shalt  }
0x70: {  	_ =	shalt  }
0x71: {  	_ =	shalt  }
0x72: {  	_ =	shalt  }
0x73: {  	_ =	shalt  }
0x74: {  	_ =	shalt  }
0x75: {  	_ =	shalt  }
0x76: {  	_ =	shalt  }
0x77: {  	_ =	shalt  }
0x78: {  	_ =	shalt  }
0x79: {  	_ =	shalt  }
0x7a: {  	_ =	shalt  }
0x7b: {  	_ =	shalt  }
0x7c: {  	_ =	shalt  }
0x7d: {  	_ =	shalt  }
0x7e: {  	_ =	shalt  }
0x7f: {  	_ =	shalt  }
0x80: {  	_ =	shalt  }
0x81: {  	_ =	shalt  }
0x82: {  	_ =	shalt  }
0x83: {  	_ =	shalt  }
0x84: {  	_ =	shalt  }
0x85: {  	_ =	shalt  }
0x86: {  	_ =	shalt  }
0x87: {  	_ =	shalt  }
.Lfunc_end0:
.L_simem_size_0:
called_computation_lowered:
.L_overlay_start_0:
0x88: {  	s2 =	sld [smem:$0x3FD9]  }
0x89: {  	s3 =	sld [smem:$0x3FFE];
	_ =	sdelay $0x1  }
0x8a: {  	s1 =	srdreg.scid  }
0x8b: {  	s0 =	sand.u32 $0x1, s1  }
0x8c: {  	s17 =	sshll.u32 s0, $0xA;
	s2 =	sadd.s32 s3, s2  }
0x8d: {  	s2 =	sadd.s32 s2, s17  }
0x8e: {  	[smem:$0x3FC2] =	sst s2  }
0x8f: {  	_ = 	snop  }
0x90: {  	s2 =	sld [smem:$0x3FC9]  }
0x91: {  	s18 =	sld [smem:$0x3FD0];
	(tm) =	ssettm $0x1  }
0x92: {  	s4 =	sld [smem:$0x3FFB];
	_ =	sdelay $0x3  }
0x93: {  	_ =	strace s4  }
0x94: {  	s4 =	sld [smem:$0x3FFC];
	_ =	sdelay $0x3  }
0x95: {  	_ =	strace s4  }
0x96: {  	s4 =	sld [smem:$0x3FFD];
	_ =	sdelay $0x3  }
0x97: {  	_ =	strace s4  }
0x98: {  	_ =	strace $0x8FFFFFFF  }
0x99: {  	s19 =	sld [smem:$0x3FDB];
	_ =	sdelay $0x1  }
0x9a: {  	s5 =	simm.s32 $_scs_section_size  }
0x9b: {  	s6 =	simm.s32 $_size__tile_overlayer_lowered;
	s7 =	simm.s32 $_tile_overlayer_lowered  }
0x9c: {  	s22 =	simm.s32 $0x1BFF;
	s21 =	sshll.u32 s7, $0x1;
	s4 =	sadd.s32 s5, s19  }
0x9d: {  	s8 =	simm.s32 $0x0;
	s20 =	sshll.u32 s6, $0x1;
	s6 =	sadd.s32 s21, s4  }
0x9e: {  	[timem:s8], [sflag:s22] =	dma.local [hbm:s6], s20  }
0x9f: {  	_ =	swait.ge [sflag:s22], s20  }
0xa0: {  	s5 =	ssub.s32 $0x0, s20;
	[sflag:s22] =	ssyncset.done $0x0  }
0xa1: {  	[sflag:s22] =	ssyncadd.s32 s5;
	_ =	sdelay $0x1  }
0xa2: {  	s23 =	simm.s32 $0x1B8B  }
0xa3: {  	_ =	swait.ge [sflag:s23], $0x1  }
0xa4: {  	[sflag:s23] =	ssyncset.done $0x0  }
0xa5: {  	s25 =	simm.s32 $0x1B8E;
	s24 =	sld [smem:$0x3FFE];
	[sflag:s23] =	ssyncadd.s32 $0xFFFFFFFF  }
0xa6: {  	s26 =	simm.s32 $execute0_lowered;
	[smem:$0x3FD2] =	sst s25  }
0xa7: {  	s6 =	sshll.u32 s26, $0x1;
	_ =	strace $0x80000046;
	[dreg:$0x1] =	wrdreg $0xFFFFFFFF  }
0xa8: {  	s28 =	simm.s32 $_size_execute0_lowered;
	s4 =	sadd.s32 s4, s6;
	[dreg:$0x0] =	wrdreg $0x0  }
0xa9: {  	s6 =	sshll.u32 s28, $0x1;
	[dreg:$0x2] =	wrdreg s4  }
0xaa: {  	[dreg:$0x3] =	wrdreg s6  }
0xab: {  	[dreg:$0x4] =	wrdreg $0xC0  }
0xac: {  	_ =	task [dreg:s8], $0x5FFFF  }
0xad: {  	[dreg:$0x1] =	wrdreg $0xFFFFFFFF  }
0xae: {  	[dreg:$0x0] =	wrdreg $0x60  }
0xaf: {  	[dreg:$0x2] =	wrdreg s2  }
0xb0: {  	[dreg:$0x3] =	wrdreg s18  }
0xb1: {  	[dreg:$0x4] =	wrdreg s24  }
0xb2: {  	[dreg:$0x5] =	wrdreg $0x91000  }
0xb3: {  	[dreg:$0x6] =	wrdreg $0x1D1000  }
0xb4: {  	[dreg:$0x7] =	wrdreg $0x9  }
0xb5: {  	_ =	task.clear_ibuf [dreg:s8], $0x8FFFF;
	_ =	strace $0x90000046  }
0xb6: {  	s29 =	simm.s32 $0x9;
	_ =	strace $0x80000048  }
0xb7: {  	_ =	swait.ge [sflag:s29], $0x1  }
0xb8: {  	[sflag:s29] =	ssyncadd.s32 $0xFFFFFFFF  }
0xb9: {  	_ =	strace $0x90000048  }
0xba: {  	_ =	sfence  }
0xbb: {  	s30 =	sld [smem:$0x0];
	_ =	sdelay $0x2  }
0xbc: {  	s31 =	sshll.u32 s1, $0xD;
	s1 =	sshrl.u32 s1, $0x2  }
0xbd: {  	s3 =	sand.u32 $0x4000, s31;
	s1 =	sadd.s32 s1, s30  }
0xbe: {  	s0 =	sor.u32 s3, s0;
	s1 =	sshll.u32 s1, $0x11  }
0xbf: {  	s0 =	sor.u32 s1, s0  }
0xc0: {  	s0 =	sadd.s32 $0x8F2B, s0  }
0xc1: {  	[sflag:s0] =	ssyncadd.remote.s32 $0x1  }
0xc2: {  	_ =	sfence.sel $0xFFFF  }
0xc3: {  	[dreg:$0x0] =	wrdreg $0xFFFFFFFF;
	(pc) =	sbr.abs _section_cstart, $3  }
0xc4: {  	[dreg:$0x1] =	wrdreg $0xFFFFFFFF  }
0xc5: {  	_ =	task.clear_ibuf [dreg:s8], $0x2FFFF;
	_ =	strace $0x9FFFFFFF  }
0xc6: {  	(tm) =	ssettm $0x7FFFFFFF  }
0xc7: {  	_ =	shalt  }
tec
execute0_lowered:
.L_overlay_start_1:
0x0: {  	(tag) =	ssettag $0x1  }
0x1: {  	s1 =	rddreg [dreg:$0x0]  }
0x2: {  	s0 =	rddreg [dreg:$0x1]  }
0x3: {  	s5 =	rddreg [dreg:$0x2]  }
0x4: {  	s2 =	rddreg [dreg:$0x3]  }
0x5: {  	s3 =	rddreg [dreg:$0x4];
	s14 =	stileid.u32  }
0x6: {  	s6 =	srdreg.scid;
	s9 =	smul.u32 $0x280, s14  }
0x7: {  	s4 =	simm.s32 $0x0;
	s28 =	simm.s32 $0x1400;
	s11 =	smul.u32 $0x14000, s14  }
0x8: {  	s29 =	simm.s32 $0xA;
	s6 =	sand.u32 $0x1, s6;
	s13 =	smul.u32 $0x2800, s14  }
0x9: {  	s30 =	simm.s32 $0x8C00;
	s31 =	simm.s32 $0xA00;
	s7 =	smul.u32 $0x28000, s6  }
0xa: {  	[smem:$0x7FF] =	sst s4;
	s8 =	smul.u32 $0x5000, s6;
	s16 =	ssub.s32 $0x2, s6  }
0xb: {  	_ =	strace $0x80000047;
	s6 =	sshll.u32 s6, $0x4;
	s12 =	sshrl.u32 s16, $0x1  }
0xc: {  	s6 =	sor.u32 s14, s6;
	s21 =	sadd.s32 s11, s2;
	s23 =	sadd.s32 s13, s3  }
0xd: {  	s17 =	sor.u32 $0x50, s9;
	s15 =	sadd.s32 $0xA0, s9;
	s26 =	sadd.s32 $0xF0, s9  }
0xe: {  	s11 =	sshrl.u32 s11, $0x3;
	s10 =	sadd.s32 s7, s5;
	s5 =	sadd.s32 s8, s5  }
0xf: {  	s8 =	ssub.s32 s16, s12;
	s18 =	sshll.u32 s17, $0x7;
	s12 =	sshll.u32 s17, $0x4  }
0x10: {  	s22 =	sshll.u32 s15, $0x7;
	s25 =	sshll.u32 s15, $0x4;
	s16 =	sshll.u32 s26, $0x7  }
0x11: {  	s14 =	sshll.u32 s26, $0x4;
	s6 =	smul.u32 $0x4E2, s6;
	s19 =	sadd.s32 s18, s2  }
0x12: {  	s26 =	sadd.s32 $0x190, s9;
	s20 =	sadd.s32 s12, s3;
	[dreg:$0x6] =	wrdreg s19  }
0x13: {  	s24 =	sadd.s32 s22, s2;
	s15 =	sadd.s32 s25, s3;
	[dreg:$0x7] =	wrdreg s20  }
0x14: {  	s17 =	sadd.s32 s16, s2;
	s18 =	sadd.s32 s14, s3;
	[dreg:$0x8] =	wrdreg s24  }
0x15: {  	s25 =	sadd.s32 $0x9C40, s0;
	s7 =	sshll.u32 s26, $0x7;
	[dreg:$0x9] =	wrdreg s15  }
0x16: {  	s10 =	sadd.s32 $0xBA00, s10;
	s14 =	sadd.s32 $0x1E0, s9;
	[dreg:$0xa] =	wrdreg s17  }
0x17: {  	s5 =	sadd.s32 $0x1A00, s5;
	[dreg:$0xb] =	wrdreg s18;
	s19 =	sadd.s32 $0x140, s9  }
0x18: {  	s16 =	sadd.s32 s0, s6;
	s17 =	sadd.s32 s6, s25;
	s0 =	sadd.s32 s7, s2  }
0x19: {  	s6 =	sadd.s32 s11, s10;
	s15 =	sshrl.u32 s13, $0x3;
	s10 =	simm.s32 $0x1  }
0x1a: {  	s11 =	simm.s32 $0x4;
	s13 =	simm.s32 $0x2;
	[dreg:$0xe] =	wrdreg s0  }
0x1b: {  	s20 =	sshll.u32 s19, $0x7;
	s12 =	sshll.u32 s19, $0x4;
	[dreg:$0xf] =	wrdreg s6  }
0x1c: {  	s18 =	sadd.s32 s15, s5;
	s19 =	sshll.u32 s14, $0x7;
	s15 =	simm.s32 $0x8  }
0x1d: {  	s22 =	sadd.s32 s20, s2;
	s24 =	sadd.s32 s12, s3;
	s12 =	sshll.u32 s26, $0x4  }
0x1e: {  	[dreg:$0x11] =	wrdreg s18;
	s20 =	sshll.u32 s14, $0x4;
	s26 =	smax.u32 s8, $0x1  }
0x1f: {  	s14 =	simm.s32 $0x5;
	s18 =	simm.s32 $0x3;
	[dreg:$0xc] =	wrdreg s22  }
0x20: {  	[dreg:$0xd] =	wrdreg s24;
	s0 =	sadd.s32 s12, s3;
	s22 =	sadd.s32 $0x230, s9  }
0x21: {  	[dreg:$0x16] =	wrdreg s26;
	s9 =	simm.s32 $0x6400;
	s12 =	simm.s32 $0x7  }
0x22: {  	s26 =	simm.s32 $0x13B0;
	[dreg:$0x10] =	wrdreg s0;
	s0 =	sadd.s32 s19, s2  }
0x23: {  	s24 =	sshll.u32 s22, $0x7;
	s5 =	sshll.u32 s22, $0x4;
	s19 =	simm.s32 $0x6  }
0x24: {  	[dreg:$0x12] =	wrdreg s0;
	s0 =	sadd.s32 s20, s3;
	s25 =	sadd.s32 s5, s3  }
0x25: {  	s5 =	simm.s32 $0x3C00;
	s20 =	simm.s32 $0x9;
	[dreg:$0x13] =	wrdreg s0  }
0x26: {  	v0 =	vimm.f32 $0.0e+00;
	vm0 =	vcmask $0x300;
	s0 =	sadd.s32 s24, s2;
	[dreg:$0x15] =	wrdreg s25;
	s24 =	simm.s32 $0x1310  }
0x27: {  	v1 =	vsel vm0, $0x3F800000, v0;
	s25 =	simm.s32 $0x1360;
	[dreg:$0x14] =	wrdreg s0;
	s0 =	simm.s32 $0x50  }
.LBB2_1:
0x28: {  	s22 =	smov.u32 s17;
	s17 =	smov.u32 s16;
	s16 =	smov.u32 s23  }
0x29: {  	s23 =	smov.u32 s21;
	s6 =	simm.s32 $0x0;
	s8 =	simm.s32 $0x0  }
.LBB2_2:
0x2a: {  	p0 =	sne.s32 s8, $0x9FC0  }
.Ltmp0:
0x2b: {  	_ = 	snop;
	(pc) =	sbr.rel @p0 .LBB2_2-.Ltmp0, $4  }
0x2c: {  	s7 =	sand.u32 $0xFE00, s8  }
0x2d: {  	s21 =	sand.u32 $0x70, s6;
	s7 =	sshrl.u32 s7, $0x2  }
0x2e: {  	s7 =	sor.u32 s21, s7  }
0x2f: {  	s6 =	sadd.s32 $0x10, s6;
	s8 =	sadd.s32 $0x40, s8;
	[tilespmem:s7+$0x1400] =	vst v0  }
0x30: {  	s6 =	simm.s32 $0x40;
	s8 =	simm.s32 $0x0  }
.LBB2_4:
0x31: {  	p0 =	sne.s32 s6, $0x13C0;
	[tilespmem:s8+$0x8C00] =	vst v0;
	s7 =	smov.u32 s6;
	s6 =	sadd.s32 $0x40, s6  }
.Ltmp1:
0x32: {  	(pc) =	sbr.rel @p0 .LBB2_4-.Ltmp1, $2  }
0x33: {  	_ =	sdelay $0x2  }
0x34: {  	s8 =	sshra.s32 s7, $0x2  }
0x35: {  	[tilespmem:s8+$0x8C00] =	vst v0  }
0x36: {  	[spmem:s23] =	stream.linear.scatter [tilespmem:s28], [sflag:$0xA], $0x2800, $0x38;
	[tilespmem:$0x1F900] =	vst v63  }
0x37: {  	_ =	swait.ge [sflag:s29], $0x2800  }
0x38: {  	[sflag:s29] =	ssyncset.done $0x0  }
0x39: {  	[sflag:s29] =	ssyncadd.s32 $0xFFFFD800  }
0x3a: {  	[spmem:s16] =	stream.linear.scatter [tilespmem:s30], [sflag:$0xA], $0x500, $0x38;
	[tilespmem:$0x1F900] =	vst v63  }
0x3b: {  	_ =	swait.ge [sflag:s29], $0x500  }
0x3c: {  	[sflag:s29] =	ssyncset.done $0x0  }
0x3d: {  	s6 =	rddreg [dreg:$0x6];
	[sflag:s29] =	ssyncadd.s32 $0xFFFFFB00  }
0x3e: {  	[spmem:s6] =	stream.linear.scatter [tilespmem:s28], [sflag:$0xA], $0x2800, $0x38;
	[tilespmem:$0x1F900] =	vst v63  }
0x3f: {  	_ =	swait.ge [sflag:s29], $0x2800  }
0x40: {  	s21 =	smov.u32 s23;
	[sflag:s29] =	ssyncset.done $0x0  }
0x41: {  	s23 =	smov.u32 s16;
	s16 =	rddreg [dreg:$0x7];
	[sflag:s29] =	ssyncadd.s32 $0xFFFFD800  }
0x42: {  	[spmem:s16] =	stream.linear.scatter [tilespmem:s30], [sflag:$0xA], $0x500, $0x38;
	[tilespmem:$0x1F900] =	vst v63  }
0x43: {  	_ =	swait.ge [sflag:s29], $0x500  }
0x44: {  	[sflag:s29] =	ssyncset.done $0x0  }
0x45: {  	s7 =	rddreg [dreg:$0x8];
	[sflag:s29] =	ssyncadd.s32 $0xFFFFFB00  }
0x46: {  	[spmem:s7] =	stream.linear.scatter [tilespmem:s28], [sflag:$0xA], $0x2800, $0x38;
	[tilespmem:$0x1F900] =	vst v63  }
0x47: {  	_ =	swait.ge [sflag:s29], $0x2800  }
0x48: {  	[sflag:s29] =	ssyncset.done $0x0  }
0x49: {  	s8 =	rddreg [dreg:$0x9];
	[sflag:s29] =	ssyncadd.s32 $0xFFFFD800  }
0x4a: {  	[spmem:s8] =	stream.linear.scatter [tilespmem:s30], [sflag:$0xA], $0x500, $0x38;
	[tilespmem:$0x1F900] =	vst v63  }
0x4b: {  	_ =	swait.ge [sflag:s29], $0x500  }
0x4c: {  	[sflag:s29] =	ssyncset.done $0x0  }
0x4d: {  	s16 =	rddreg [dreg:$0xa];
	[sflag:s29] =	ssyncadd.s32 $0xFFFFFB00  }
0x4e: {  	[spmem:s16] =	stream.linear.scatter [tilespmem:s28], [sflag:$0xA], $0x2800, $0x38;
	[tilespmem:$0x1F900] =	vst v63  }
0x4f: {  	_ =	swait.ge [sflag:s29], $0x2800  }
0x50: {  	[sflag:s29] =	ssyncset.done $0x0  }
0x51: {  	s7 =	rddreg [dreg:$0xb];
	[sflag:s29] =	ssyncadd.s32 $0xFFFFD800  }
0x52: {  	[spmem:s7] =	stream.linear.scatter [tilespmem:s30], [sflag:$0xA], $0x500, $0x38;
	[tilespmem:$0x1F900] =	vst v63  }
0x53: {  	_ =	swait.ge [sflag:s29], $0x500  }
0x54: {  	[sflag:s29] =	ssyncset.done $0x0  }
0x55: {  	s8 =	rddreg [dreg:$0xc];
	[sflag:s29] =	ssyncadd.s32 $0xFFFFFB00  }
0x56: {  	[spmem:s8] =	stream.linear.scatter [tilespmem:s28], [sflag:$0xA], $0x2800, $0x38;
	[tilespmem:$0x1F900] =	vst v63  }
0x57: {  	_ =	swait.ge [sflag:s29], $0x2800  }
0x58: {  	[sflag:s29] =	ssyncset.done $0x0  }
0x59: {  	s16 =	rddreg [dreg:$0xd];
	[sflag:s29] =	ssyncadd.s32 $0xFFFFD800  }
0x5a: {  	[spmem:s16] =	stream.linear.scatter [tilespmem:s30], [sflag:$0xA], $0x500, $0x38;
	[tilespmem:$0x1F900] =	vst v63  }
0x5b: {  	_ =	swait.ge [sflag:s29], $0x500  }
0x5c: {  	[sflag:s29] =	ssyncset.done $0x0  }
0x5d: {  	s7 =	rddreg [dreg:$0xe];
	[sflag:s29] =	ssyncadd.s32 $0xFFFFFB00  }
0x5e: {  	[spmem:s7] =	stream.linear.scatter [tilespmem:s28], [sflag:$0xA], $0x2800, $0x38;
	[tilespmem:$0x1F900] =	vst v63  }
0x5f: {  	_ =	swait.ge [sflag:s29], $0x2800  }
0x60: {  	[sflag:s29] =	ssyncset.done $0x0  }
0x61: {  	s8 =	rddreg [dreg:$0x10];
	[sflag:s29] =	ssyncadd.s32 $0xFFFFD800  }
0x62: {  	[spmem:s8] =	stream.linear.scatter [tilespmem:s30], [sflag:$0xA], $0x500, $0x38;
	[tilespmem:$0x1F900] =	vst v63  }
0x63: {  	_ =	swait.ge [sflag:s29], $0x500  }
0x64: {  	[sflag:s29] =	ssyncset.done $0x0  }
0x65: {  	s16 =	rddreg [dreg:$0x12];
	[sflag:s29] =	ssyncadd.s32 $0xFFFFFB00  }
0x66: {  	[spmem:s16] =	stream.linear.scatter [tilespmem:s28], [sflag:$0xA], $0x2800, $0x38;
	[tilespmem:$0x1F900] =	vst v63  }
0x67: {  	_ =	swait.ge [sflag:s29], $0x2800  }
0x68: {  	[sflag:s29] =	ssyncset.done $0x0  }
0x69: {  	s7 =	rddreg [dreg:$0x13];
	[sflag:s29] =	ssyncadd.s32 $0xFFFFD800  }
0x6a: {  	[spmem:s7] =	stream.linear.scatter [tilespmem:s30], [sflag:$0xA], $0x500, $0x38;
	[tilespmem:$0x1F900] =	vst v63  }
0x6b: {  	_ =	swait.ge [sflag:s29], $0x500  }
0x6c: {  	[sflag:s29] =	ssyncset.done $0x0  }
0x6d: {  	s8 =	rddreg [dreg:$0x14];
	[sflag:s29] =	ssyncadd.s32 $0xFFFFFB00  }
0x6e: {  	[spmem:s8] =	stream.linear.scatter [tilespmem:s28], [sflag:$0xA], $0x2800, $0x38;
	[tilespmem:$0x1F900] =	vst v63  }
0x6f: {  	_ =	swait.ge [sflag:s29], $0x2800  }
0x70: {  	[sflag:s29] =	ssyncset.done $0x0  }
0x71: {  	s16 =	rddreg [dreg:$0x15];
	[sflag:s29] =	ssyncadd.s32 $0xFFFFD800  }
0x72: {  	[spmem:s16] =	stream.linear.scatter [tilespmem:s30], [sflag:$0xA], $0x500, $0x38;
	[tilespmem:$0x1F900] =	vst v63  }
0x73: {  	_ =	swait.ge [sflag:s29], $0x500  }
0x74: {  	[sflag:s29] =	ssyncset.done $0x0  }
0x75: {  	s6 =	simm.s32 $0x40;
	s8 =	simm.s32 $0x0;
	[sflag:s29] =	ssyncadd.s32 $0xFFFFFB00  }
.LBB2_6:
0x76: {  	p0 =	sne.s32 s6, $0x13C0;
	[tilespmem:s8+$0x8C00] =	vst v1;
	s7 =	smov.u32 s6;
	s6 =	sadd.s32 $0x40, s6  }
.Ltmp2:
0x77: {  	(pc) =	sbr.rel @p0 .LBB2_6-.Ltmp2, $2  }
0x78: {  	_ =	sdelay $0x2  }
0x79: {  	s8 =	sshra.s32 s7, $0x2  }
0x7a: {  	[tilespmem:s8+$0x8C00] =	vst v1;
	s6 =	simm.s32 $0x0  }
0x7b: {  	[tilespmem:s6], [sflag:$0xA] =	stream.linear.gather [hbm4b:s17+s6], $0xA00, $0x38;
	[tilespmem:$0x1F900] =	vst v63  }
0x7c: {  	_ =	swait.ge [sflag:s29], $0xA00  }
0x7d: {  	[sflag:s29] =	ssyncset.done $0x0  }
0x7e: {  	[sflag:s29] =	ssyncadd.s32 $0xFFFFF600  }
0x7f: {  	[tilespmem:s31], [sflag:$0xA] =	stream.linear.gather [hbm4b:s22+s6], $0xA00, $0x38;
	[tilespmem:$0x1F900] =	vst v63  }
0x80: {  	_ =	swait.ge [sflag:s29], $0xA00  }
0x81: {  	[sflag:s29] =	ssyncset.done $0x0  }
0x82: {  	[sflag:s29] =	ssyncadd.s32 $0xFFFFF600  }
0x83: {  	[tilespmem:s28], [sflag:$0x1] =	stream.indirect.gather [hbm4b:s1+s0], $0x80, s6, s0, $0xb8;
	[tilespmem:$0x1F900] =	vst v63  }
0x84: {  	_ = 	snop  }
0x85: {  	[tilespmem:s5], [sflag:$0x2] =	stream.indirect.gather [hbm4b:s1+s0], $0x80, s0, s0, $0xb8;
	[tilespmem:$0x1F900] =	vst v63  }
0x86: {  	s16 =	smov.u32 s17;
	s17 =	smov.u32 s22;
	s22 =	simm.s32 $0xA0  }
0x87: {  	[tilespmem:s9], [sflag:$0x3] =	stream.indirect.gather [hbm4b:s1+s0], $0x80, s22, s0, $0xb8;
	[tilespmem:$0x1F900] =	vst v63  }
0x88: {  	[bflag:$0x0] =	sbarrier.arrive $0xFFFF  }
0x89: {  	_ =	swait.ge [sflag:s10], $0x2800  }
0x8a: {  	[sflag:s10] =	ssyncset.done $0x0  }
0x8b: {  	[sflag:s10] =	ssyncadd.s32 $0xFFFFD800  }
0x8c: {  	[spmem:s2] =	stream.indirect.scatter.add.f32 [tilespmem:s28], [sflag:$0x4], $0x80, s31, s0, $0xb8;
	[tilespmem:$0x1F900] =	vst v63  }
0x8d: {  	_ = 	snop  }
0x8e: {  	[spmem:s3] =	stream.indirect.scatter.add.f32 [tilespmem:s30], [sflag:$0x7], $0x10, s31, s0, $0xb8;
	[tilespmem:$0x1F900] =	vst v63  }
0x8f: {  	_ =	swait.ge [sflag:s11], $0x2800  }
0x90: {  	[sflag:s11] =	ssyncset.done $0x0  }
0x91: {  	[sflag:s11] =	ssyncadd.s32 $0xFFFFD800  }
0x92: {  	_ =	swait.ge [sflag:s12], $0x500  }
0x93: {  	[sflag:s12] =	ssyncset.done $0x0  }
0x94: {  	s8 =	simm.s32 $0xF0;
	[sflag:s12] =	ssyncadd.s32 $0xFFFFFB00  }
0x95: {  	[tilespmem:s28], [sflag:$0x1] =	stream.indirect.gather [hbm4b:s1+s0], $0x80, s8, s0, $0xb8;
	[tilespmem:$0x1F900] =	vst v63  }
0x96: {  	_ =	swait.ge [sflag:s13], $0x2800  }
0x97: {  	[sflag:s13] =	ssyncset.done $0x0  }
0x98: {  	s7 =	simm.s32 $0xA50;
	[sflag:s13] =	ssyncadd.s32 $0xFFFFD800  }
0x99: {  	[spmem:s2] =	stream.indirect.scatter.add.f32 [tilespmem:s5], [sflag:$0x5], $0x80, s7, s0, $0xb8;
	[tilespmem:$0x1F900] =	vst v63  }
0x9a: {  	_ = 	snop  }
0x9b: {  	[spmem:s3] =	stream.indirect.scatter.add.f32 [tilespmem:s30], [sflag:$0x8], $0x10, s7, s0, $0xb8;
	[tilespmem:$0x1F900] =	vst v63  }
0x9c: {  	_ =	swait.ge [sflag:s14], $0x2800  }
0x9d: {  	[sflag:s14] =	ssyncset.done $0x0  }
0x9e: {  	[sflag:s14] =	ssyncadd.s32 $0xFFFFD800  }
0x9f: {  	_ =	swait.ge [sflag:s15], $0x500  }
0xa0: {  	[sflag:s15] =	ssyncset.done $0x0  }
0xa1: {  	s8 =	simm.s32 $0x140;
	[sflag:s15] =	ssyncadd.s32 $0xFFFFFB00  }
0xa2: {  	[tilespmem:s5], [sflag:$0x2] =	stream.indirect.gather [hbm4b:s1+s0], $0x80, s8, s0, $0xb8;
	[tilespmem:$0x1F900] =	vst v63  }
0xa3: {  	_ =	swait.ge [sflag:s18], $0x2800  }
0xa4: {  	[sflag:s18] =	ssyncset.done $0x0  }
0xa5: {  	s7 =	simm.s32 $0xAA0;
	[sflag:s18] =	ssyncadd.s32 $0xFFFFD800  }
0xa6: {  	[spmem:s2] =	stream.indirect.scatter.add.f32 [tilespmem:s9], [sflag:$0x6], $0x80, s7, s0, $0xb8;
	[tilespmem:$0x1F900] =	vst v63  }
0xa7: {  	_ = 	snop  }
0xa8: {  	[spmem:s3] =	stream.indirect.scatter.add.f32 [tilespmem:s30], [sflag:$0x9], $0x10, s7, s0, $0xb8;
	[tilespmem:$0x1F900] =	vst v63  }
0xa9: {  	_ =	swait.ge [sflag:s19], $0x2800  }
0xaa: {  	[sflag:s19] =	ssyncset.done $0x0  }
0xab: {  	[sflag:s19] =	ssyncadd.s32 $0xFFFFD800  }
0xac: {  	_ =	swait.ge [sflag:s20], $0x500  }
0xad: {  	[sflag:s20] =	ssyncset.done $0x0  }
0xae: {  	s8 =	simm.s32 $0x190;
	[sflag:s20] =	ssyncadd.s32 $0xFFFFFB00  }
0xaf: {  	[tilespmem:s9], [sflag:$0x3] =	stream.indirect.gather [hbm4b:s1+s0], $0x80, s8, s0, $0xb8;
	[tilespmem:$0x1F900] =	vst v63  }
0xb0: {  	_ =	swait.ge [sflag:s10], $0x2800  }
0xb1: {  	[sflag:s10] =	ssyncset.done $0x0  }
0xb2: {  	s6 =	simm.s32 $0xAF0;
	s8 =	simm.s32 $0x3C0;
	[sflag:s10] =	ssyncadd.s32 $0xFFFFD800  }
0xb3: {  	[spmem:s2] =	stream.indirect.scatter.add.f32 [tilespmem:s28], [sflag:$0x4], $0x80, s6, s0, $0xb8;
	[tilespmem:$0x1F900] =	vst v63  }
.LBB2_8:
0xb4: {  	[spmem:s3] =	stream.indirect.scatter.add.f32 [tilespmem:s30], [sflag:$0x7], $0x10, s6, s0, $0xb8;
	[tilespmem:$0x1F900] =	vst v63  }
0xb5: {  	s6 =	smov.u32 s8  }
0xb6: {  	p0 =	sne.s32 s8, $0x1E00;
	s8 =	sadd.s32 $0x3C0, s8;
	_ =	swait.ge [sflag:s11], $0x2800  }
0xb7: {  	[sflag:s11] =	ssyncset.done $0x0  }
0xb8: {  	[sflag:s11] =	ssyncadd.s32 $0xFFFFD800  }
0xb9: {  	_ =	swait.ge [sflag:s12], $0x500  }
0xba: {  	s6 =	sshra.s32 s6, $0x2;
	[sflag:s12] =	ssyncset.done $0x0  }
0xbb: {  	s7 =	sadd.s32 $0xF0, s6;
	[sflag:s12] =	ssyncadd.s32 $0xFFFFFB00  }
0xbc: {  	[tilespmem:s28], [sflag:$0x1] =	stream.indirect.gather [hbm4b:s1+s0], $0x80, s7, s0, $0xb8;
	[tilespmem:$0x1F900] =	vst v63  }
0xbd: {  	_ =	swait.ge [sflag:s13], $0x2800  }
0xbe: {  	[sflag:s13] =	ssyncset.done $0x0  }
0xbf: {  	s7 =	sadd.s32 $0xA50, s6;
	[sflag:s13] =	ssyncadd.s32 $0xFFFFD800  }
0xc0: {  	[spmem:s2] =	stream.indirect.scatter.add.f32 [tilespmem:s5], [sflag:$0x5], $0x80, s7, s0, $0xb8;
	[tilespmem:$0x1F900] =	vst v63  }
0xc1: {  	_ = 	snop  }
0xc2: {  	[spmem:s3] =	stream.indirect.scatter.add.f32 [tilespmem:s30], [sflag:$0x8], $0x10, s7, s0, $0xb8;
	[tilespmem:$0x1F900] =	vst v63  }
0xc3: {  	_ =	swait.ge [sflag:s14], $0x2800  }
0xc4: {  	[sflag:s14] =	ssyncset.done $0x0  }
0xc5: {  	[sflag:s14] =	ssyncadd.s32 $0xFFFFD800  }
0xc6: {  	_ =	swait.ge [sflag:s15], $0x500  }
0xc7: {  	[sflag:s15] =	ssyncset.done $0x0  }
0xc8: {  	s7 =	sadd.s32 $0x140, s6;
	[sflag:s15] =	ssyncadd.s32 $0xFFFFFB00  }
0xc9: {  	[tilespmem:s5], [sflag:$0x2] =	stream.indirect.gather [hbm4b:s1+s0], $0x80, s7, s0, $0xb8;
	[tilespmem:$0x1F900] =	vst v63  }
0xca: {  	_ =	swait.ge [sflag:s18], $0x2800  }
0xcb: {  	[sflag:s18] =	ssyncset.done $0x0  }
0xcc: {  	s7 =	sadd.s32 $0xAA0, s6;
	[sflag:s18] =	ssyncadd.s32 $0xFFFFD800  }
0xcd: {  	[spmem:s2] =	stream.indirect.scatter.add.f32 [tilespmem:s9], [sflag:$0x6], $0x80, s7, s0, $0xb8;
	[tilespmem:$0x1F900] =	vst v63  }
0xce: {  	_ = 	snop  }
0xcf: {  	[spmem:s3] =	stream.indirect.scatter.add.f32 [tilespmem:s30], [sflag:$0x9], $0x10, s7, s0, $0xb8;
	[tilespmem:$0x1F900] =	vst v63  }
0xd0: {  	_ =	swait.ge [sflag:s19], $0x2800  }
0xd1: {  	[sflag:s19] =	ssyncset.done $0x0  }
0xd2: {  	[sflag:s19] =	ssyncadd.s32 $0xFFFFD800  }
0xd3: {  	_ =	swait.ge [sflag:s20], $0x500  }
0xd4: {  	[sflag:s20] =	ssyncset.done $0x0  }
0xd5: {  	s7 =	sadd.s32 $0x190, s6;
	[sflag:s20] =	ssyncadd.s32 $0xFFFFFB00  }
0xd6: {  	[tilespmem:s9], [sflag:$0x3] =	stream.indirect.gather [hbm4b:s1+s0], $0x80, s7, s0, $0xb8;
	[tilespmem:$0x1F900] =	vst v63  }
.Ltmp3:
0xd7: {  	_ = 	snop;
	(pc) =	sbr.rel @p0 .LBB2_8-.Ltmp3, $4  }
0xd8: {  	_ =	swait.ge [sflag:s10], $0x2800  }
0xd9: {  	[sflag:s10] =	ssyncset.done $0x0  }
0xda: {  	s6 =	sadd.s32 $0xAF0, s6;
	[sflag:s10] =	ssyncadd.s32 $0xFFFFD800  }
0xdb: {  	[spmem:s2] =	stream.indirect.scatter.add.f32 [tilespmem:s28], [sflag:$0x4], $0x80, s6, s0, $0xb8;
	[tilespmem:$0x1F900] =	vst v63  }
0xdc: {  	[spmem:s3] =	stream.indirect.scatter.add.f32 [tilespmem:s30], [sflag:$0x7], $0x10, s6, s0, $0xb8;
	[tilespmem:$0x1F900] =	vst v63  }
0xdd: {  	_ =	swait.ge [sflag:s11], $0x2800  }
0xde: {  	[sflag:s11] =	ssyncset.done $0x0  }
0xdf: {  	[sflag:s11] =	ssyncadd.s32 $0xFFFFD800  }
0xe0: {  	_ =	swait.ge [sflag:s12], $0x500  }
0xe1: {  	[sflag:s12] =	ssyncset.done $0x0  }
0xe2: {  	s7 =	simm.s32 $0x960;
	[sflag:s12] =	ssyncadd.s32 $0xFFFFFB00  }
0xe3: {  	[tilespmem:s28], [sflag:$0x1] =	stream.indirect.gather [hbm4b:s1+s0], $0x80, s7, s0, $0xb8;
	[tilespmem:$0x1F900] =	vst v63  }
0xe4: {  	_ =	swait.ge [sflag:s13], $0x2800  }
0xe5: {  	[sflag:s13] =	ssyncset.done $0x0  }
0xe6: {  	s8 =	simm.s32 $0x12C0;
	[sflag:s13] =	ssyncadd.s32 $0xFFFFD800  }
0xe7: {  	[spmem:s2] =	stream.indirect.scatter.add.f32 [tilespmem:s5], [sflag:$0x5], $0x80, s8, s0, $0xb8;
	[tilespmem:$0x1F900] =	vst v63  }
0xe8: {  	_ = 	snop  }
0xe9: {  	[spmem:s3] =	stream.indirect.scatter.add.f32 [tilespmem:s30], [sflag:$0x8], $0x10, s8, s0, $0xb8;
	[tilespmem:$0x1F900] =	vst v63  }
0xea: {  	_ =	swait.ge [sflag:s14], $0x2800  }
0xeb: {  	[sflag:s14] =	ssyncset.done $0x0  }
0xec: {  	[sflag:s14] =	ssyncadd.s32 $0xFFFFD800  }
0xed: {  	_ =	swait.ge [sflag:s15], $0x500  }
0xee: {  	[sflag:s15] =	ssyncset.done $0x0  }
0xef: {  	s7 =	simm.s32 $0x9B0;
	[sflag:s15] =	ssyncadd.s32 $0xFFFFFB00  }
0xf0: {  	[tilespmem:s5], [sflag:$0x2] =	stream.indirect.gather [hbm4b:s1+s0], $0x80, s7, s0, $0xb8;
	[tilespmem:$0x1F900] =	vst v63  }
0xf1: {  	_ =	swait.ge [sflag:s18], $0x2800  }
0xf2: {  	[sflag:s18] =	ssyncset.done $0x0  }
0xf3: {  	[sflag:s18] =	ssyncadd.s32 $0xFFFFD800  }
0xf4: {  	[spmem:s2] =	stream.indirect.scatter.add.f32 [tilespmem:s9], [sflag:$0x6], $0x80, s24, s0, $0xb8;
	[tilespmem:$0x1F900] =	vst v63  }
0xf5: {  	_ = 	snop  }
0xf6: {  	[spmem:s3] =	stream.indirect.scatter.add.f32 [tilespmem:s30], [sflag:$0x9], $0x10, s24, s0, $0xb8;
	[tilespmem:$0x1F900] =	vst v63  }
0xf7: {  	_ =	swait.ge [sflag:s19], $0x2800  }
0xf8: {  	[sflag:s19] =	ssyncset.done $0x0  }
0xf9: {  	[sflag:s19] =	ssyncadd.s32 $0xFFFFD800  }
0xfa: {  	_ =	swait.ge [sflag:s20], $0x500  }
0xfb: {  	[sflag:s20] =	ssyncset.done $0x0  }
0xfc: {  	[sflag:s20] =	ssyncadd.s32 $0xFFFFFB00  }
0xfd: {  	_ =	swait.ge [sflag:s10], $0x2800  }
0xfe: {  	[sflag:s10] =	ssyncset.done $0x0  }
0xff: {  	[sflag:s10] =	ssyncadd.s32 $0xFFFFD800  }
0x100: {  	[spmem:s2] =	stream.indirect.scatter.add.f32 [tilespmem:s28], [sflag:$0x4], $0x80, s25, s0, $0xb8;
	[tilespmem:$0x1F900] =	vst v63  }
0x101: {  	_ = 	snop  }
0x102: {  	[spmem:s3] =	stream.indirect.scatter.add.f32 [tilespmem:s30], [sflag:$0x7], $0x10, s25, s0, $0xb8;
	[tilespmem:$0x1F900] =	vst v63  }
0x103: {  	_ =	swait.ge [sflag:s11], $0x2800  }
0x104: {  	[sflag:s11] =	ssyncset.done $0x0  }
0x105: {  	[sflag:s11] =	ssyncadd.s32 $0xFFFFD800  }
0x106: {  	_ =	swait.ge [sflag:s12], $0x500  }
0x107: {  	[sflag:s12] =	ssyncset.done $0x0  }
0x108: {  	[sflag:s12] =	ssyncadd.s32 $0xFFFFFB00  }
0x109: {  	_ =	swait.ge [sflag:s13], $0x2800  }
0x10a: {  	[sflag:s13] =	ssyncset.done $0x0  }
0x10b: {  	[sflag:s13] =	ssyncadd.s32 $0xFFFFD800  }
0x10c: {  	[spmem:s2] =	stream.indirect.scatter.add.f32 [tilespmem:s5], [sflag:$0x5], $0x80, s26, s0, $0xb8;
	[tilespmem:$0x1F900] =	vst v63  }
0x10d: {  	_ = 	snop  }
0x10e: {  	[spmem:s3] =	stream.indirect.scatter.add.f32 [tilespmem:s30], [sflag:$0x8], $0x10, s26, s0, $0xb8;
	[tilespmem:$0x1F900] =	vst v63  }
0x10f: {  	_ =	swait.ge [sflag:s14], $0x2800  }
0x110: {  	[sflag:s14] =	ssyncset.done $0x0  }
0x111: {  	[sflag:s14] =	ssyncadd.s32 $0xFFFFD800  }
0x112: {  	_ =	swait.ge [sflag:s15], $0x500  }
0x113: {  	[sflag:s15] =	ssyncset.done $0x0  }
0x114: {  	s8 =	sadd.s32 $0x140, s16;
	s7 =	simm.s32 $0x0;
	[sflag:s15] =	ssyncadd.s32 $0xFFFFFB00  }
0x115: {  	[tilespmem:s7], [sflag:$0xA] =	stream.linear.gather [hbm4b:s8+s7], $0xA00, $0x38;
	[tilespmem:$0x1F900] =	vst v63  }
0x116: {  	_ =	swait.ge [sflag:s29], $0xA00  }
0x117: {  	[sflag:s29] =	ssyncset.done $0x0  }
0x118: {  	s8 =	sadd.s32 $0x140, s17;
	[sflag:s29] =	ssyncadd.s32 $0xFFFFF600  }
0x119: {  	[tilespmem:s31], [sflag:$0xA] =	stream.linear.gather [hbm4b:s8+s7], $0xA00, $0x38;
	[tilespmem:$0x1F900] =	vst v63  }
0x11a: {  	_ =	swait.ge [sflag:s29], $0xA00  }
0x11b: {  	[sflag:s29] =	ssyncset.done $0x0  }
0x11c: {  	[sflag:s29] =	ssyncadd.s32 $0xFFFFF600  }
0x11d: {  	[tilespmem:s9], [sflag:$0x3] =	stream.indirect.gather [hbm4b:s1+s0], $0x80, s7, s0, $0xb8;
	[tilespmem:$0x1F900] =	vst v63  }
0x11e: {  	_ = 	snop  }
0x11f: {  	[tilespmem:s28], [sflag:$0x1] =	stream.indirect.gather [hbm4b:s1+s0], $0x80, s0, s0, $0xb8;
	[tilespmem:$0x1F900] =	vst v63  }
0x120: {  	_ = 	snop  }
0x121: {  	[tilespmem:s5], [sflag:$0x2] =	stream.indirect.gather [hbm4b:s1+s0], $0x80, s22, s0, $0xb8;
	[tilespmem:$0x1F900] =	vst v63  }
0x122: {  	_ =	swait.ge [sflag:s18], $0x2800  }
0x123: {  	[sflag:s18] =	ssyncset.done $0x0  }
0x124: {  	[sflag:s18] =	ssyncadd.s32 $0xFFFFD800  }
0x125: {  	[spmem:s2] =	stream.indirect.scatter.add.f32 [tilespmem:s9], [sflag:$0x6], $0x80, s31, s0, $0xb8;
	[tilespmem:$0x1F900] =	vst v63  }
0x126: {  	_ = 	snop  }
0x127: {  	[spmem:s3] =	stream.indirect.scatter.add.f32 [tilespmem:s30], [sflag:$0x9], $0x10, s31, s0, $0xb8;
	[tilespmem:$0x1F900] =	vst v63  }
0x128: {  	_ =	swait.ge [sflag:s19], $0x2800  }
0x129: {  	[sflag:s19] =	ssyncset.done $0x0  }
0x12a: {  	[sflag:s19] =	ssyncadd.s32 $0xFFFFD800  }
0x12b: {  	_ =	swait.ge [sflag:s20], $0x500  }
0x12c: {  	[sflag:s20] =	ssyncset.done $0x0  }
0x12d: {  	s8 =	simm.s32 $0xF0;
	[sflag:s20] =	ssyncadd.s32 $0xFFFFFB00  }
0x12e: {  	[tilespmem:s9], [sflag:$0x3] =	stream.indirect.gather [hbm4b:s1+s0], $0x80, s8, s0, $0xb8;
	[tilespmem:$0x1F900] =	vst v63  }
0x12f: {  	_ =	swait.ge [sflag:s10], $0x2800  }
0x130: {  	[sflag:s10] =	ssyncset.done $0x0  }
0x131: {  	s7 =	simm.s32 $0xA50;
	[sflag:s10] =	ssyncadd.s32 $0xFFFFD800  }
0x132: {  	[spmem:s2] =	stream.indirect.scatter.add.f32 [tilespmem:s28], [sflag:$0x4], $0x80, s7, s0, $0xb8;
	[tilespmem:$0x1F900] =	vst v63  }
0x133: {  	_ = 	snop  }
0x134: {  	[spmem:s3] =	stream.indirect.scatter.add.f32 [tilespmem:s30], [sflag:$0x7], $0x10, s7, s0, $0xb8;
	[tilespmem:$0x1F900] =	vst v63  }
0x135: {  	_ =	swait.ge [sflag:s11], $0x2800  }
0x136: {  	[sflag:s11] =	ssyncset.done $0x0  }
0x137: {  	[sflag:s11] =	ssyncadd.s32 $0xFFFFD800  }
0x138: {  	_ =	swait.ge [sflag:s12], $0x500  }
0x139: {  	[sflag:s12] =	ssyncset.done $0x0  }
0x13a: {  	s8 =	simm.s32 $0x140;
	[sflag:s12] =	ssyncadd.s32 $0xFFFFFB00  }
0x13b: {  	[tilespmem:s28], [sflag:$0x1] =	stream.indirect.gather [hbm4b:s1+s0], $0x80, s8, s0, $0xb8;
	[tilespmem:$0x1F900] =	vst v63  }
0x13c: {  	_ =	swait.ge [sflag:s13], $0x2800  }
0x13d: {  	[sflag:s13] =	ssyncset.done $0x0  }
0x13e: {  	s7 =	simm.s32 $0xAA0;
	[sflag:s13] =	ssyncadd.s32 $0xFFFFD800  }
0x13f: {  	[spmem:s2] =	stream.indirect.scatter.add.f32 [tilespmem:s5], [sflag:$0x5], $0x80, s7, s0, $0xb8;
	[tilespmem:$0x1F900] =	vst v63  }
0x140: {  	_ = 	snop  }
0x141: {  	[spmem:s3] =	stream.indirect.scatter.add.f32 [tilespmem:s30], [sflag:$0x8], $0x10, s7, s0, $0xb8;
	[tilespmem:$0x1F900] =	vst v63  }
0x142: {  	_ =	swait.ge [sflag:s14], $0x2800  }
0x143: {  	[sflag:s14] =	ssyncset.done $0x0  }
0x144: {  	[sflag:s14] =	ssyncadd.s32 $0xFFFFD800  }
0x145: {  	_ =	swait.ge [sflag:s15], $0x500  }
0x146: {  	[sflag:s15] =	ssyncset.done $0x0  }
0x147: {  	s8 =	simm.s32 $0x190;
	[sflag:s15] =	ssyncadd.s32 $0xFFFFFB00  }
0x148: {  	[tilespmem:s5], [sflag:$0x2] =	stream.indirect.gather [hbm4b:s1+s0], $0x80, s8, s0, $0xb8;
	[tilespmem:$0x1F900] =	vst v63  }
0x149: {  	_ =	swait.ge [sflag:s18], $0x2800  }
0x14a: {  	[sflag:s18] =	ssyncset.done $0x0  }
0x14b: {  	s6 =	simm.s32 $0xAF0;
	s8 =	simm.s32 $0x3C0;
	[sflag:s18] =	ssyncadd.s32 $0xFFFFD800  }
0x14c: {  	[spmem:s2] =	stream.indirect.scatter.add.f32 [tilespmem:s9], [sflag:$0x6], $0x80, s6, s0, $0xb8;
	[tilespmem:$0x1F900] =	vst v63  }
.LBB2_10:
0x14d: {  	[spmem:s3] =	stream.indirect.scatter.add.f32 [tilespmem:s30], [sflag:$0x9], $0x10, s6, s0, $0xb8;
	[tilespmem:$0x1F900] =	vst v63  }
0x14e: {  	s6 =	smov.u32 s8  }
0x14f: {  	p0 =	sne.s32 s8, $0x1E00;
	s8 =	sadd.s32 $0x3C0, s8;
	_ =	swait.ge [sflag:s19], $0x2800  }
0x150: {  	[sflag:s19] =	ssyncset.done $0x0  }
0x151: {  	[sflag:s19] =	ssyncadd.s32 $0xFFFFD800  }
0x152: {  	_ =	swait.ge [sflag:s20], $0x500  }
0x153: {  	s6 =	sshra.s32 s6, $0x2;
	[sflag:s20] =	ssyncset.done $0x0  }
0x154: {  	s7 =	sadd.s32 $0xF0, s6;
	[sflag:s20] =	ssyncadd.s32 $0xFFFFFB00  }
0x155: {  	[tilespmem:s9], [sflag:$0x3] =	stream.indirect.gather [hbm4b:s1+s0], $0x80, s7, s0, $0xb8;
	[tilespmem:$0x1F900] =	vst v63  }
0x156: {  	_ =	swait.ge [sflag:s10], $0x2800  }
0x157: {  	[sflag:s10] =	ssyncset.done $0x0  }
0x158: {  	s7 =	sadd.s32 $0xA50, s6;
	[sflag:s10] =	ssyncadd.s32 $0xFFFFD800  }
0x159: {  	[spmem:s2] =	stream.indirect.scatter.add.f32 [tilespmem:s28], [sflag:$0x4], $0x80, s7, s0, $0xb8;
	[tilespmem:$0x1F900] =	vst v63  }
0x15a: {  	_ = 	snop  }
0x15b: {  	[spmem:s3] =	stream.indirect.scatter.add.f32 [tilespmem:s30], [sflag:$0x7], $0x10, s7, s0, $0xb8;
	[tilespmem:$0x1F900] =	vst v63  }
0x15c: {  	_ =	swait.ge [sflag:s11], $0x2800  }
0x15d: {  	[sflag:s11] =	ssyncset.done $0x0  }
0x15e: {  	[sflag:s11] =	ssyncadd.s32 $0xFFFFD800  }
0x15f: {  	_ =	swait.ge [sflag:s12], $0x500  }
0x160: {  	[sflag:s12] =	ssyncset.done $0x0  }
0x161: {  	s7 =	sadd.s32 $0x140, s6;
	[sflag:s12] =	ssyncadd.s32 $0xFFFFFB00  }
0x162: {  	[tilespmem:s28], [sflag:$0x1] =	stream.indirect.gather [hbm4b:s1+s0], $0x80, s7, s0, $0xb8;
	[tilespmem:$0x1F900] =	vst v63  }
0x163: {  	_ =	swait.ge [sflag:s13], $0x2800  }
0x164: {  	[sflag:s13] =	ssyncset.done $0x0  }
0x165: {  	s7 =	sadd.s32 $0xAA0, s6;
	[sflag:s13] =	ssyncadd.s32 $0xFFFFD800  }
0x166: {  	[spmem:s2] =	stream.indirect.scatter.add.f32 [tilespmem:s5], [sflag:$0x5], $0x80, s7, s0, $0xb8;
	[tilespmem:$0x1F900] =	vst v63  }
0x167: {  	_ = 	snop  }
0x168: {  	[spmem:s3] =	stream.indirect.scatter.add.f32 [tilespmem:s30], [sflag:$0x8], $0x10, s7, s0, $0xb8;
	[tilespmem:$0x1F900] =	vst v63  }
0x169: {  	_ =	swait.ge [sflag:s14], $0x2800  }
0x16a: {  	[sflag:s14] =	ssyncset.done $0x0  }
0x16b: {  	[sflag:s14] =	ssyncadd.s32 $0xFFFFD800  }
0x16c: {  	_ =	swait.ge [sflag:s15], $0x500  }
0x16d: {  	[sflag:s15] =	ssyncset.done $0x0  }
0x16e: {  	s7 =	sadd.s32 $0x190, s6;
	[sflag:s15] =	ssyncadd.s32 $0xFFFFFB00  }
0x16f: {  	[tilespmem:s5], [sflag:$0x2] =	stream.indirect.gather [hbm4b:s1+s0], $0x80, s7, s0, $0xb8;
	[tilespmem:$0x1F900] =	vst v63  }
.Ltmp4:
0x170: {  	_ = 	snop;
	(pc) =	sbr.rel @p0 .LBB2_10-.Ltmp4, $4  }
0x171: {  	_ =	swait.ge [sflag:s18], $0x2800  }
0x172: {  	[sflag:s18] =	ssyncset.done $0x0  }
0x173: {  	s6 =	sadd.s32 $0xAF0, s6;
	[sflag:s18] =	ssyncadd.s32 $0xFFFFD800  }
0x174: {  	[spmem:s2] =	stream.indirect.scatter.add.f32 [tilespmem:s9], [sflag:$0x6], $0x80, s6, s0, $0xb8;
	[tilespmem:$0x1F900] =	vst v63  }
0x175: {  	[spmem:s3] =	stream.indirect.scatter.add.f32 [tilespmem:s30], [sflag:$0x9], $0x10, s6, s0, $0xb8;
	[tilespmem:$0x1F900] =	vst v63  }
0x176: {  	_ =	swait.ge [sflag:s19], $0x2800  }
0x177: {  	[sflag:s19] =	ssyncset.done $0x0  }
0x178: {  	[sflag:s19] =	ssyncadd.s32 $0xFFFFD800  }
0x179: {  	_ =	swait.ge [sflag:s20], $0x500  }
0x17a: {  	[sflag:s20] =	ssyncset.done $0x0  }
0x17b: {  	s7 =	simm.s32 $0x960;
	[sflag:s20] =	ssyncadd.s32 $0xFFFFFB00  }
0x17c: {  	[tilespmem:s9], [sflag:$0x3] =	stream.indirect.gather [hbm4b:s1+s0], $0x80, s7, s0, $0xb8;
	[tilespmem:$0x1F900] =	vst v63  }
0x17d: {  	_ =	swait.ge [sflag:s10], $0x2800  }
0x17e: {  	[sflag:s10] =	ssyncset.done $0x0  }
0x17f: {  	s8 =	simm.s32 $0x12C0;
	[sflag:s10] =	ssyncadd.s32 $0xFFFFD800  }
0x180: {  	[spmem:s2] =	stream.indirect.scatter.add.f32 [tilespmem:s28], [sflag:$0x4], $0x80, s8, s0, $0xb8;
	[tilespmem:$0x1F900] =	vst v63  }
0x181: {  	_ = 	snop  }
0x182: {  	[spmem:s3] =	stream.indirect.scatter.add.f32 [tilespmem:s30], [sflag:$0x7], $0x10, s8, s0, $0xb8;
	[tilespmem:$0x1F900] =	vst v63  }
0x183: {  	_ =	swait.ge [sflag:s11], $0x2800  }
0x184: {  	[sflag:s11] =	ssyncset.done $0x0  }
0x185: {  	[sflag:s11] =	ssyncadd.s32 $0xFFFFD800  }
0x186: {  	_ =	swait.ge [sflag:s12], $0x500  }
0x187: {  	[sflag:s12] =	ssyncset.done $0x0  }
0x188: {  	s7 =	simm.s32 $0x9B0;
	[sflag:s12] =	ssyncadd.s32 $0xFFFFFB00  }
0x189: {  	[tilespmem:s28], [sflag:$0x1] =	stream.indirect.gather [hbm4b:s1+s0], $0x80, s7, s0, $0xb8;
	[tilespmem:$0x1F900] =	vst v63  }
0x18a: {  	_ =	swait.ge [sflag:s13], $0x2800  }
0x18b: {  	[sflag:s13] =	ssyncset.done $0x0  }
0x18c: {  	[sflag:s13] =	ssyncadd.s32 $0xFFFFD800  }
0x18d: {  	[spmem:s2] =	stream.indirect.scatter.add.f32 [tilespmem:s5], [sflag:$0x5], $0x80, s24, s0, $0xb8;
	[tilespmem:$0x1F900] =	vst v63  }
0x18e: {  	_ = 	snop  }
0x18f: {  	[spmem:s3] =	stream.indirect.scatter.add.f32 [tilespmem:s30], [sflag:$0x8], $0x10, s24, s0, $0xb8;
	[tilespmem:$0x1F900] =	vst v63  }
0x190: {  	_ =	swait.ge [sflag:s14], $0x2800  }
0x191: {  	[sflag:s14] =	ssyncset.done $0x0  }
0x192: {  	[sflag:s14] =	ssyncadd.s32 $0xFFFFD800  }
0x193: {  	_ =	swait.ge [sflag:s15], $0x500  }
0x194: {  	[sflag:s15] =	ssyncset.done $0x0  }
0x195: {  	[sflag:s15] =	ssyncadd.s32 $0xFFFFFB00  }
0x196: {  	_ =	swait.ge [sflag:s18], $0x2800  }
0x197: {  	[sflag:s18] =	ssyncset.done $0x0  }
0x198: {  	[sflag:s18] =	ssyncadd.s32 $0xFFFFD800  }
0x199: {  	[spmem:s2] =	stream.indirect.scatter.add.f32 [tilespmem:s9], [sflag:$0x6], $0x80, s25, s0, $0xb8;
	[tilespmem:$0x1F900] =	vst v63  }
0x19a: {  	_ = 	snop  }
0x19b: {  	[spmem:s3] =	stream.indirect.scatter.add.f32 [tilespmem:s30], [sflag:$0x9], $0x10, s25, s0, $0xb8;
	[tilespmem:$0x1F900] =	vst v63  }
0x19c: {  	_ =	swait.ge [sflag:s19], $0x2800  }
0x19d: {  	[sflag:s19] =	ssyncset.done $0x0  }
0x19e: {  	[sflag:s19] =	ssyncadd.s32 $0xFFFFD800  }
0x19f: {  	_ =	swait.ge [sflag:s20], $0x500  }
0x1a0: {  	[sflag:s20] =	ssyncset.done $0x0  }
0x1a1: {  	[sflag:s20] =	ssyncadd.s32 $0xFFFFFB00  }
0x1a2: {  	_ =	swait.ge [sflag:s10], $0x2800  }
0x1a3: {  	[sflag:s10] =	ssyncset.done $0x0  }
0x1a4: {  	[sflag:s10] =	ssyncadd.s32 $0xFFFFD800  }
0x1a5: {  	[spmem:s2] =	stream.indirect.scatter.add.f32 [tilespmem:s28], [sflag:$0x4], $0x80, s26, s0, $0xb8;
	[tilespmem:$0x1F900] =	vst v63  }
0x1a6: {  	_ = 	snop  }
0x1a7: {  	[spmem:s3] =	stream.indirect.scatter.add.f32 [tilespmem:s30], [sflag:$0x7], $0x10, s26, s0, $0xb8;
	[tilespmem:$0x1F900] =	vst v63  }
0x1a8: {  	_ =	swait.ge [sflag:s11], $0x2800  }
0x1a9: {  	[sflag:s11] =	ssyncset.done $0x0  }
0x1aa: {  	[sflag:s11] =	ssyncadd.s32 $0xFFFFD800  }
0x1ab: {  	_ =	swait.ge [sflag:s12], $0x500  }
0x1ac: {  	[sflag:s12] =	ssyncset.done $0x0  }
0x1ad: {  	s8 =	sadd.s32 $0x280, s16;
	s7 =	simm.s32 $0x0;
	[sflag:s12] =	ssyncadd.s32 $0xFFFFFB00  }
0x1ae: {  	[tilespmem:s7], [sflag:$0xA] =	stream.linear.gather [hbm4b:s8+s7], $0xA00, $0x38;
	[tilespmem:$0x1F900] =	vst v63  }
0x1af: {  	_ =	swait.ge [sflag:s29], $0xA00  }
0x1b0: {  	[sflag:s29] =	ssyncset.done $0x0  }
0x1b1: {  	s8 =	sadd.s32 $0x280, s17;
	[sflag:s29] =	ssyncadd.s32 $0xFFFFF600  }
0x1b2: {  	[tilespmem:s31], [sflag:$0xA] =	stream.linear.gather [hbm4b:s8+s7], $0xA00, $0x38;
	[tilespmem:$0x1F900] =	vst v63  }
0x1b3: {  	_ =	swait.ge [sflag:s29], $0xA00  }
0x1b4: {  	[sflag:s29] =	ssyncset.done $0x0  }
0x1b5: {  	[sflag:s29] =	ssyncadd.s32 $0xFFFFF600  }
0x1b6: {  	[tilespmem:s5], [sflag:$0x2] =	stream.indirect.gather [hbm4b:s1+s0], $0x80, s7, s0, $0xb8;
	[tilespmem:$0x1F900] =	vst v63  }
0x1b7: {  	_ = 	snop  }
0x1b8: {  	[tilespmem:s9], [sflag:$0x3] =	stream.indirect.gather [hbm4b:s1+s0], $0x80, s0, s0, $0xb8;
	[tilespmem:$0x1F900] =	vst v63  }
0x1b9: {  	_ = 	snop  }
0x1ba: {  	[tilespmem:s28], [sflag:$0x1] =	stream.indirect.gather [hbm4b:s1+s0], $0x80, s22, s0, $0xb8;
	[tilespmem:$0x1F900] =	vst v63  }
0x1bb: {  	_ =	swait.ge [sflag:s13], $0x2800  }
0x1bc: {  	[sflag:s13] =	ssyncset.done $0x0  }
0x1bd: {  	[sflag:s13] =	ssyncadd.s32 $0xFFFFD800  }
0x1be: {  	[spmem:s2] =	stream.indirect.scatter.add.f32 [tilespmem:s5], [sflag:$0x5], $0x80, s31, s0, $0xb8;
	[tilespmem:$0x1F900] =	vst v63  }
0x1bf: {  	_ = 	snop  }
0x1c0: {  	[spmem:s3] =	stream.indirect.scatter.add.f32 [tilespmem:s30], [sflag:$0x8], $0x10, s31, s0, $0xb8;
	[tilespmem:$0x1F900] =	vst v63  }
0x1c1: {  	_ =	swait.ge [sflag:s14], $0x2800  }
0x1c2: {  	[sflag:s14] =	ssyncset.done $0x0  }
0x1c3: {  	[sflag:s14] =	ssyncadd.s32 $0xFFFFD800  }
0x1c4: {  	_ =	swait.ge [sflag:s15], $0x500  }
0x1c5: {  	[sflag:s15] =	ssyncset.done $0x0  }
0x1c6: {  	s8 =	simm.s32 $0xF0;
	[sflag:s15] =	ssyncadd.s32 $0xFFFFFB00  }
0x1c7: {  	[tilespmem:s5], [sflag:$0x2] =	stream.indirect.gather [hbm4b:s1+s0], $0x80, s8, s0, $0xb8;
	[tilespmem:$0x1F900] =	vst v63  }
0x1c8: {  	_ =	swait.ge [sflag:s18], $0x2800  }
0x1c9: {  	[sflag:s18] =	ssyncset.done $0x0  }
0x1ca: {  	s22 =	simm.s32 $0xA50;
	[sflag:s18] =	ssyncadd.s32 $0xFFFFD800  }
0x1cb: {  	[spmem:s2] =	stream.indirect.scatter.add.f32 [tilespmem:s9], [sflag:$0x6], $0x80, s22, s0, $0xb8;
	[tilespmem:$0x1F900] =	vst v63  }
0x1cc: {  	_ = 	snop  }
0x1cd: {  	[spmem:s3] =	stream.indirect.scatter.add.f32 [tilespmem:s30], [sflag:$0x9], $0x10, s22, s0, $0xb8;
	[tilespmem:$0x1F900] =	vst v63  }
0x1ce: {  	_ =	swait.ge [sflag:s19], $0x2800  }
0x1cf: {  	[sflag:s19] =	ssyncset.done $0x0  }
0x1d0: {  	[sflag:s19] =	ssyncadd.s32 $0xFFFFD800  }
0x1d1: {  	_ =	swait.ge [sflag:s20], $0x500  }
0x1d2: {  	[sflag:s20] =	ssyncset.done $0x0  }
0x1d3: {  	s7 =	simm.s32 $0x140;
	[sflag:s20] =	ssyncadd.s32 $0xFFFFFB00  }
0x1d4: {  	[tilespmem:s9], [sflag:$0x3] =	stream.indirect.gather [hbm4b:s1+s0], $0x80, s7, s0, $0xb8;
	[tilespmem:$0x1F900] =	vst v63  }
0x1d5: {  	_ =	swait.ge [sflag:s10], $0x2800  }
0x1d6: {  	[sflag:s10] =	ssyncset.done $0x0  }
0x1d7: {  	s8 =	simm.s32 $0xAA0;
	[sflag:s10] =	ssyncadd.s32 $0xFFFFD800  }
0x1d8: {  	[spmem:s2] =	stream.indirect.scatter.add.f32 [tilespmem:s28], [sflag:$0x4], $0x80, s8, s0, $0xb8;
	[tilespmem:$0x1F900] =	vst v63  }
0x1d9: {  	_ = 	snop  }
0x1da: {  	[spmem:s3] =	stream.indirect.scatter.add.f32 [tilespmem:s30], [sflag:$0x7], $0x10, s8, s0, $0xb8;
	[tilespmem:$0x1F900] =	vst v63  }
0x1db: {  	_ =	swait.ge [sflag:s11], $0x2800  }
0x1dc: {  	[sflag:s11] =	ssyncset.done $0x0  }
0x1dd: {  	[sflag:s11] =	ssyncadd.s32 $0xFFFFD800  }
0x1de: {  	_ =	swait.ge [sflag:s12], $0x500  }
0x1df: {  	[sflag:s12] =	ssyncset.done $0x0  }
0x1e0: {  	s22 =	simm.s32 $0x190;
	[sflag:s12] =	ssyncadd.s32 $0xFFFFFB00  }
0x1e1: {  	[tilespmem:s28], [sflag:$0x1] =	stream.indirect.gather [hbm4b:s1+s0], $0x80, s22, s0, $0xb8;
	[tilespmem:$0x1F900] =	vst v63  }
0x1e2: {  	_ =	swait.ge [sflag:s13], $0x2800  }
0x1e3: {  	[sflag:s13] =	ssyncset.done $0x0  }
0x1e4: {  	s6 =	simm.s32 $0xAF0;
	s8 =	simm.s32 $0x3C0;
	[sflag:s13] =	ssyncadd.s32 $0xFFFFD800  }
0x1e5: {  	[spmem:s2] =	stream.indirect.scatter.add.f32 [tilespmem:s5], [sflag:$0x5], $0x80, s6, s0, $0xb8;
	[tilespmem:$0x1F900] =	vst v63  }
.LBB2_12:
0x1e6: {  	[spmem:s3] =	stream.indirect.scatter.add.f32 [tilespmem:s30], [sflag:$0x8], $0x10, s6, s0, $0xb8;
	[tilespmem:$0x1F900] =	vst v63  }
0x1e7: {  	s6 =	smov.u32 s8  }
0x1e8: {  	p0 =	sne.s32 s8, $0x1E00;
	s8 =	sadd.s32 $0x3C0, s8;
	_ =	swait.ge [sflag:s14], $0x2800  }
0x1e9: {  	[sflag:s14] =	ssyncset.done $0x0  }
0x1ea: {  	[sflag:s14] =	ssyncadd.s32 $0xFFFFD800  }
0x1eb: {  	_ =	swait.ge [sflag:s15], $0x500  }
0x1ec: {  	s6 =	sshra.s32 s6, $0x2;
	[sflag:s15] =	ssyncset.done $0x0  }
0x1ed: {  	s7 =	sadd.s32 $0xF0, s6;
	[sflag:s15] =	ssyncadd.s32 $0xFFFFFB00  }
0x1ee: {  	[tilespmem:s5], [sflag:$0x2] =	stream.indirect.gather [hbm4b:s1+s0], $0x80, s7, s0, $0xb8;
	[tilespmem:$0x1F900] =	vst v63  }
0x1ef: {  	_ =	swait.ge [sflag:s18], $0x2800  }
0x1f0: {  	[sflag:s18] =	ssyncset.done $0x0  }
0x1f1: {  	s7 =	sadd.s32 $0xA50, s6;
	[sflag:s18] =	ssyncadd.s32 $0xFFFFD800  }
0x1f2: {  	[spmem:s2] =	stream.indirect.scatter.add.f32 [tilespmem:s9], [sflag:$0x6], $0x80, s7, s0, $0xb8;
	[tilespmem:$0x1F900] =	vst v63  }
0x1f3: {  	_ = 	snop  }
0x1f4: {  	[spmem:s3] =	stream.indirect.scatter.add.f32 [tilespmem:s30], [sflag:$0x9], $0x10, s7, s0, $0xb8;
	[tilespmem:$0x1F900] =	vst v63  }
0x1f5: {  	_ =	swait.ge [sflag:s19], $0x2800  }
0x1f6: {  	[sflag:s19] =	ssyncset.done $0x0  }
0x1f7: {  	[sflag:s19] =	ssyncadd.s32 $0xFFFFD800  }
0x1f8: {  	_ =	swait.ge [sflag:s20], $0x500  }
0x1f9: {  	[sflag:s20] =	ssyncset.done $0x0  }
0x1fa: {  	s7 =	sadd.s32 $0x140, s6;
	[sflag:s20] =	ssyncadd.s32 $0xFFFFFB00  }
0x1fb: {  	[tilespmem:s9], [sflag:$0x3] =	stream.indirect.gather [hbm4b:s1+s0], $0x80, s7, s0, $0xb8;
	[tilespmem:$0x1F900] =	vst v63  }
0x1fc: {  	_ =	swait.ge [sflag:s10], $0x2800  }
0x1fd: {  	[sflag:s10] =	ssyncset.done $0x0  }
0x1fe: {  	s7 =	sadd.s32 $0xAA0, s6;
	[sflag:s10] =	ssyncadd.s32 $0xFFFFD800  }
0x1ff: {  	[spmem:s2] =	stream.indirect.scatter.add.f32 [tilespmem:s28], [sflag:$0x4], $0x80, s7, s0, $0xb8;
	[tilespmem:$0x1F900] =	vst v63  }
0x200: {  	_ = 	snop  }
0x201: {  	[spmem:s3] =	stream.indirect.scatter.add.f32 [tilespmem:s30], [sflag:$0x7], $0x10, s7, s0, $0xb8;
	[tilespmem:$0x1F900] =	vst v63  }
0x202: {  	_ =	swait.ge [sflag:s11], $0x2800  }
0x203: {  	[sflag:s11] =	ssyncset.done $0x0  }
0x204: {  	[sflag:s11] =	ssyncadd.s32 $0xFFFFD800  }
0x205: {  	_ =	swait.ge [sflag:s12], $0x500  }
0x206: {  	[sflag:s12] =	ssyncset.done $0x0  }
0x207: {  	s7 =	sadd.s32 $0x190, s6;
	[sflag:s12] =	ssyncadd.s32 $0xFFFFFB00  }
0x208: {  	[tilespmem:s28], [sflag:$0x1] =	stream.indirect.gather [hbm4b:s1+s0], $0x80, s7, s0, $0xb8;
	[tilespmem:$0x1F900] =	vst v63  }
.Ltmp5:
0x209: {  	_ = 	snop;
	(pc) =	sbr.rel @p0 .LBB2_12-.Ltmp5, $4  }
0x20a: {  	_ =	swait.ge [sflag:s13], $0x2800  }
0x20b: {  	[sflag:s13] =	ssyncset.done $0x0  }
0x20c: {  	s6 =	sadd.s32 $0xAF0, s6;
	[sflag:s13] =	ssyncadd.s32 $0xFFFFD800  }
0x20d: {  	[spmem:s2] =	stream.indirect.scatter.add.f32 [tilespmem:s5], [sflag:$0x5], $0x80, s6, s0, $0xb8;
	[tilespmem:$0x1F900] =	vst v63  }
0x20e: {  	[spmem:s3] =	stream.indirect.scatter.add.f32 [tilespmem:s30], [sflag:$0x8], $0x10, s6, s0, $0xb8;
	[tilespmem:$0x1F900] =	vst v63  }
0x20f: {  	_ =	swait.ge [sflag:s14], $0x2800  }
0x210: {  	[sflag:s14] =	ssyncset.done $0x0  }
0x211: {  	[sflag:s14] =	ssyncadd.s32 $0xFFFFD800  }
0x212: {  	_ =	swait.ge [sflag:s15], $0x500  }
0x213: {  	[sflag:s15] =	ssyncset.done $0x0  }
0x214: {  	s8 =	simm.s32 $0x960;
	[sflag:s15] =	ssyncadd.s32 $0xFFFFFB00  }
0x215: {  	[tilespmem:s5], [sflag:$0x2] =	stream.indirect.gather [hbm4b:s1+s0], $0x80, s8, s0, $0xb8;
	[tilespmem:$0x1F900] =	vst v63  }
0x216: {  	_ =	swait.ge [sflag:s18], $0x2800  }
0x217: {  	[sflag:s18] =	ssyncset.done $0x0  }
0x218: {  	s22 =	simm.s32 $0x12C0;
	[sflag:s18] =	ssyncadd.s32 $0xFFFFD800  }
0x219: {  	[spmem:s2] =	stream.indirect.scatter.add.f32 [tilespmem:s9], [sflag:$0x6], $0x80, s22, s0, $0xb8;
	[tilespmem:$0x1F900] =	vst v63  }
0x21a: {  	_ = 	snop  }
0x21b: {  	[spmem:s3] =	stream.indirect.scatter.add.f32 [tilespmem:s30], [sflag:$0x9], $0x10, s22, s0, $0xb8;
	[tilespmem:$0x1F900] =	vst v63  }
0x21c: {  	_ =	swait.ge [sflag:s19], $0x2800  }
0x21d: {  	[sflag:s19] =	ssyncset.done $0x0  }
0x21e: {  	[sflag:s19] =	ssyncadd.s32 $0xFFFFD800  }
0x21f: {  	_ =	swait.ge [sflag:s20], $0x500  }
0x220: {  	[sflag:s20] =	ssyncset.done $0x0  }
0x221: {  	s7 =	simm.s32 $0x9B0;
	[sflag:s20] =	ssyncadd.s32 $0xFFFFFB00  }
0x222: {  	[tilespmem:s9], [sflag:$0x3] =	stream.indirect.gather [hbm4b:s1+s0], $0x80, s7, s0, $0xb8;
	[tilespmem:$0x1F900] =	vst v63  }
0x223: {  	_ =	swait.ge [sflag:s10], $0x2800  }
0x224: {  	[sflag:s10] =	ssyncset.done $0x0  }
0x225: {  	[sflag:s10] =	ssyncadd.s32 $0xFFFFD800  }
0x226: {  	[spmem:s2] =	stream.indirect.scatter.add.f32 [tilespmem:s28], [sflag:$0x4], $0x80, s24, s0, $0xb8;
	[tilespmem:$0x1F900] =	vst v63  }
0x227: {  	_ = 	snop  }
0x228: {  	[spmem:s3] =	stream.indirect.scatter.add.f32 [tilespmem:s30], [sflag:$0x7], $0x10, s24, s0, $0xb8;
	[tilespmem:$0x1F900] =	vst v63  }
0x229: {  	_ =	swait.ge [sflag:s11], $0x2800  }
0x22a: {  	[sflag:s11] =	ssyncset.done $0x0  }
0x22b: {  	[sflag:s11] =	ssyncadd.s32 $0xFFFFD800  }
0x22c: {  	_ =	swait.ge [sflag:s12], $0x500  }
0x22d: {  	[sflag:s12] =	ssyncset.done $0x0  }
0x22e: {  	[sflag:s12] =	ssyncadd.s32 $0xFFFFFB00  }
0x22f: {  	_ =	swait.ge [sflag:s13], $0x2800  }
0x230: {  	[sflag:s13] =	ssyncset.done $0x0  }
0x231: {  	[sflag:s13] =	ssyncadd.s32 $0xFFFFD800  }
0x232: {  	[spmem:s2] =	stream.indirect.scatter.add.f32 [tilespmem:s5], [sflag:$0x5], $0x80, s25, s0, $0xb8;
	[tilespmem:$0x1F900] =	vst v63  }
0x233: {  	_ = 	snop  }
0x234: {  	[spmem:s3] =	stream.indirect.scatter.add.f32 [tilespmem:s30], [sflag:$0x8], $0x10, s25, s0, $0xb8;
	[tilespmem:$0x1F900] =	vst v63  }
0x235: {  	_ =	swait.ge [sflag:s14], $0x2800  }
0x236: {  	[sflag:s14] =	ssyncset.done $0x0  }
0x237: {  	[sflag:s14] =	ssyncadd.s32 $0xFFFFD800  }
0x238: {  	_ =	swait.ge [sflag:s15], $0x500  }
0x239: {  	[sflag:s15] =	ssyncset.done $0x0  }
0x23a: {  	[sflag:s15] =	ssyncadd.s32 $0xFFFFFB00  }
0x23b: {  	_ =	swait.ge [sflag:s18], $0x2800  }
0x23c: {  	[sflag:s18] =	ssyncset.done $0x0  }
0x23d: {  	[sflag:s18] =	ssyncadd.s32 $0xFFFFD800  }
0x23e: {  	[spmem:s2] =	stream.indirect.scatter.add.f32 [tilespmem:s9], [sflag:$0x6], $0x80, s26, s0, $0xb8;
	[tilespmem:$0x1F900] =	vst v63  }
0x23f: {  	_ = 	snop  }
0x240: {  	[spmem:s3] =	stream.indirect.scatter.add.f32 [tilespmem:s30], [sflag:$0x9], $0x10, s26, s0, $0xb8;
	[tilespmem:$0x1F900] =	vst v63  }
0x241: {  	_ =	swait.ge [sflag:s19], $0x2800  }
0x242: {  	[sflag:s19] =	ssyncset.done $0x0  }
0x243: {  	[sflag:s19] =	ssyncadd.s32 $0xFFFFD800  }
0x244: {  	_ =	swait.ge [sflag:s20], $0x500  }
0x245: {  	[sflag:s20] =	ssyncset.done $0x0  }
0x246: {  	s8 =	sadd.s32 $0x3A2, s16;
	s7 =	simm.s32 $0x0;
	[sflag:s20] =	ssyncadd.s32 $0xFFFFFB00  }
0x247: {  	[tilespmem:s7], [sflag:$0xA] =	stream.linear.gather [hbm4b:s8+s7], $0xA00, $0x38;
	[tilespmem:$0x1F900] =	vst v63  }
0x248: {  	_ =	swait.ge [sflag:s29], $0xA00  }
0x249: {  	[sflag:s29] =	ssyncset.done $0x0  }
0x24a: {  	s22 =	sadd.s32 $0x3A2, s17;
	[sflag:s29] =	ssyncadd.s32 $0xFFFFF600  }
0x24b: {  	[tilespmem:s31], [sflag:$0xA] =	stream.linear.gather [hbm4b:s22+s7], $0xA00, $0x38;
	[tilespmem:$0x1F900] =	vst v63  }
0x24c: {  	_ =	swait.ge [sflag:s29], $0xA00  }
0x24d: {  	[sflag:s29] =	ssyncset.done $0x0  }
0x24e: {  	s7 =	simm.s32 $0xF0;
	[sflag:s29] =	ssyncadd.s32 $0xFFFFF600  }
0x24f: {  	[tilespmem:s28], [sflag:$0x1] =	stream.indirect.gather [hbm4b:s1+s0], $0x80, s7, s0, $0xb8;
	[tilespmem:$0x1F900] =	vst v63  }
0x250: {  	s8 =	simm.s32 $0x140  }
0x251: {  	[tilespmem:s5], [sflag:$0x2] =	stream.indirect.gather [hbm4b:s1+s0], $0x80, s8, s0, $0xb8;
	[tilespmem:$0x1F900] =	vst v63  }
0x252: {  	s22 =	simm.s32 $0x190  }
0x253: {  	[tilespmem:s9], [sflag:$0x3] =	stream.indirect.gather [hbm4b:s1+s0], $0x80, s22, s0, $0xb8;
	[tilespmem:$0x1F900] =	vst v63  }
0x254: {  	_ =	swait.ge [sflag:s10], $0x2800  }
0x255: {  	[sflag:s10] =	ssyncset.done $0x0  }
0x256: {  	s7 =	simm.s32 $0xAF0;
	[sflag:s10] =	ssyncadd.s32 $0xFFFFD800  }
0x257: {  	[spmem:s2] =	stream.indirect.scatter.add.f32 [tilespmem:s28], [sflag:$0x4], $0x80, s7, s0, $0xb8;
	[tilespmem:$0x1F900] =	vst v63  }
0x258: {  	_ = 	snop  }
0x259: {  	[spmem:s3] =	stream.indirect.scatter.add.f32 [tilespmem:s30], [sflag:$0x7], $0x10, s7, s0, $0xb8;
	[tilespmem:$0x1F900] =	vst v63  }
0x25a: {  	_ =	swait.ge [sflag:s11], $0x2800  }
0x25b: {  	[sflag:s11] =	ssyncset.done $0x0  }
0x25c: {  	[sflag:s11] =	ssyncadd.s32 $0xFFFFD800  }
0x25d: {  	_ =	swait.ge [sflag:s12], $0x500  }
0x25e: {  	[sflag:s12] =	ssyncset.done $0x0  }
0x25f: {  	s8 =	simm.s32 $0x1E0;
	[sflag:s12] =	ssyncadd.s32 $0xFFFFFB00  }
0x260: {  	[tilespmem:s28], [sflag:$0x1] =	stream.indirect.gather [hbm4b:s1+s0], $0x80, s8, s0, $0xb8;
	[tilespmem:$0x1F900] =	vst v63  }
0x261: {  	_ =	swait.ge [sflag:s13], $0x2800  }
0x262: {  	[sflag:s13] =	ssyncset.done $0x0  }
0x263: {  	s22 =	simm.s32 $0xB40;
	[sflag:s13] =	ssyncadd.s32 $0xFFFFD800  }
0x264: {  	[spmem:s2] =	stream.indirect.scatter.add.f32 [tilespmem:s5], [sflag:$0x5], $0x80, s22, s0, $0xb8;
	[tilespmem:$0x1F900] =	vst v63  }
0x265: {  	_ = 	snop  }
0x266: {  	[spmem:s3] =	stream.indirect.scatter.add.f32 [tilespmem:s30], [sflag:$0x8], $0x10, s22, s0, $0xb8;
	[tilespmem:$0x1F900] =	vst v63  }
0x267: {  	_ =	swait.ge [sflag:s14], $0x2800  }
0x268: {  	[sflag:s14] =	ssyncset.done $0x0  }
0x269: {  	[sflag:s14] =	ssyncadd.s32 $0xFFFFD800  }
0x26a: {  	_ =	swait.ge [sflag:s15], $0x500  }
0x26b: {  	[sflag:s15] =	ssyncset.done $0x0  }
0x26c: {  	s7 =	simm.s32 $0x230;
	[sflag:s15] =	ssyncadd.s32 $0xFFFFFB00  }
0x26d: {  	[tilespmem:s5], [sflag:$0x2] =	stream.indirect.gather [hbm4b:s1+s0], $0x80, s7, s0, $0xb8;
	[tilespmem:$0x1F900] =	vst v63  }
0x26e: {  	_ =	swait.ge [sflag:s18], $0x2800  }
0x26f: {  	[sflag:s18] =	ssyncset.done $0x0  }
0x270: {  	s8 =	simm.s32 $0xB90;
	[sflag:s18] =	ssyncadd.s32 $0xFFFFD800  }
0x271: {  	[spmem:s2] =	stream.indirect.scatter.add.f32 [tilespmem:s9], [sflag:$0x6], $0x80, s8, s0, $0xb8;
	[tilespmem:$0x1F900] =	vst v63  }
0x272: {  	_ = 	snop  }
0x273: {  	[spmem:s3] =	stream.indirect.scatter.add.f32 [tilespmem:s30], [sflag:$0x9], $0x10, s8, s0, $0xb8;
	[tilespmem:$0x1F900] =	vst v63  }
0x274: {  	_ =	swait.ge [sflag:s19], $0x2800  }
0x275: {  	[sflag:s19] =	ssyncset.done $0x0  }
0x276: {  	[sflag:s19] =	ssyncadd.s32 $0xFFFFD800  }
0x277: {  	_ =	swait.ge [sflag:s20], $0x500  }
0x278: {  	[sflag:s20] =	ssyncset.done $0x0  }
0x279: {  	s22 =	simm.s32 $0x280;
	[sflag:s20] =	ssyncadd.s32 $0xFFFFFB00  }
0x27a: {  	[tilespmem:s9], [sflag:$0x3] =	stream.indirect.gather [hbm4b:s1+s0], $0x80, s22, s0, $0xb8;
	[tilespmem:$0x1F900] =	vst v63  }
0x27b: {  	_ =	swait.ge [sflag:s10], $0x2800  }
0x27c: {  	[sflag:s10] =	ssyncset.done $0x0  }
0x27d: {  	s6 =	simm.s32 $0xBE0;
	s8 =	simm.s32 $0x3C0;
	[sflag:s10] =	ssyncadd.s32 $0xFFFFD800  }
0x27e: {  	[spmem:s2] =	stream.indirect.scatter.add.f32 [tilespmem:s28], [sflag:$0x4], $0x80, s6, s0, $0xb8;
	[tilespmem:$0x1F900] =	vst v63  }
.LBB2_14:
0x27f: {  	[spmem:s3] =	stream.indirect.scatter.add.f32 [tilespmem:s30], [sflag:$0x7], $0x10, s6, s0, $0xb8;
	[tilespmem:$0x1F900] =	vst v63  }
0x280: {  	s6 =	smov.u32 s8  }
0x281: {  	p0 =	sne.s32 s8, $0x1A40;
	s8 =	sadd.s32 $0x3C0, s8;
	_ =	swait.ge [sflag:s11], $0x2800  }
0x282: {  	[sflag:s11] =	ssyncset.done $0x0  }
0x283: {  	[sflag:s11] =	ssyncadd.s32 $0xFFFFD800  }
0x284: {  	_ =	swait.ge [sflag:s12], $0x500  }
0x285: {  	s6 =	sshra.s32 s6, $0x2;
	[sflag:s12] =	ssyncset.done $0x0  }
0x286: {  	s7 =	sadd.s32 $0x1E0, s6;
	[sflag:s12] =	ssyncadd.s32 $0xFFFFFB00  }
0x287: {  	[tilespmem:s28], [sflag:$0x1] =	stream.indirect.gather [hbm4b:s1+s0], $0x80, s7, s0, $0xb8;
	[tilespmem:$0x1F900] =	vst v63  }
0x288: {  	_ =	swait.ge [sflag:s13], $0x2800  }
0x289: {  	[sflag:s13] =	ssyncset.done $0x0  }
0x28a: {  	s7 =	sadd.s32 $0xB40, s6;
	[sflag:s13] =	ssyncadd.s32 $0xFFFFD800  }
0x28b: {  	[spmem:s2] =	stream.indirect.scatter.add.f32 [tilespmem:s5], [sflag:$0x5], $0x80, s7, s0, $0xb8;
	[tilespmem:$0x1F900] =	vst v63  }
0x28c: {  	_ = 	snop  }
0x28d: {  	[spmem:s3] =	stream.indirect.scatter.add.f32 [tilespmem:s30], [sflag:$0x8], $0x10, s7, s0, $0xb8;
	[tilespmem:$0x1F900] =	vst v63  }
0x28e: {  	_ =	swait.ge [sflag:s14], $0x2800  }
0x28f: {  	[sflag:s14] =	ssyncset.done $0x0  }
0x290: {  	[sflag:s14] =	ssyncadd.s32 $0xFFFFD800  }
0x291: {  	_ =	swait.ge [sflag:s15], $0x500  }
0x292: {  	[sflag:s15] =	ssyncset.done $0x0  }
0x293: {  	s7 =	sadd.s32 $0x230, s6;
	[sflag:s15] =	ssyncadd.s32 $0xFFFFFB00  }
0x294: {  	[tilespmem:s5], [sflag:$0x2] =	stream.indirect.gather [hbm4b:s1+s0], $0x80, s7, s0, $0xb8;
	[tilespmem:$0x1F900] =	vst v63  }
0x295: {  	_ =	swait.ge [sflag:s18], $0x2800  }
0x296: {  	[sflag:s18] =	ssyncset.done $0x0  }
0x297: {  	s7 =	sadd.s32 $0xB90, s6;
	[sflag:s18] =	ssyncadd.s32 $0xFFFFD800  }
0x298: {  	[spmem:s2] =	stream.indirect.scatter.add.f32 [tilespmem:s9], [sflag:$0x6], $0x80, s7, s0, $0xb8;
	[tilespmem:$0x1F900] =	vst v63  }
0x299: {  	_ = 	snop  }
0x29a: {  	[spmem:s3] =	stream.indirect.scatter.add.f32 [tilespmem:s30], [sflag:$0x9], $0x10, s7, s0, $0xb8;
	[tilespmem:$0x1F900] =	vst v63  }
0x29b: {  	_ =	swait.ge [sflag:s19], $0x2800  }
0x29c: {  	[sflag:s19] =	ssyncset.done $0x0  }
0x29d: {  	[sflag:s19] =	ssyncadd.s32 $0xFFFFD800  }
0x29e: {  	_ =	swait.ge [sflag:s20], $0x500  }
0x29f: {  	[sflag:s20] =	ssyncset.done $0x0  }
0x2a0: {  	s7 =	sadd.s32 $0x280, s6;
	[sflag:s20] =	ssyncadd.s32 $0xFFFFFB00  }
0x2a1: {  	[tilespmem:s9], [sflag:$0x3] =	stream.indirect.gather [hbm4b:s1+s0], $0x80, s7, s0, $0xb8;
	[tilespmem:$0x1F900] =	vst v63  }
.Ltmp6:
0x2a2: {  	_ = 	snop;
	(pc) =	sbr.rel @p0 .LBB2_14-.Ltmp6, $4  }
0x2a3: {  	_ =	swait.ge [sflag:s10], $0x2800  }
0x2a4: {  	[sflag:s10] =	ssyncset.done $0x0  }
0x2a5: {  	s6 =	sadd.s32 $0xBE0, s6;
	[sflag:s10] =	ssyncadd.s32 $0xFFFFD800  }
0x2a6: {  	[spmem:s2] =	stream.indirect.scatter.add.f32 [tilespmem:s28], [sflag:$0x4], $0x80, s6, s0, $0xb8;
	[tilespmem:$0x1F900] =	vst v63  }
0x2a7: {  	[spmem:s3] =	stream.indirect.scatter.add.f32 [tilespmem:s30], [sflag:$0x7], $0x10, s6, s0, $0xb8;
	[tilespmem:$0x1F900] =	vst v63  }
0x2a8: {  	_ =	swait.ge [sflag:s11], $0x2800  }
0x2a9: {  	[sflag:s11] =	ssyncset.done $0x0  }
0x2aa: {  	[sflag:s11] =	ssyncadd.s32 $0xFFFFD800  }
0x2ab: {  	_ =	swait.ge [sflag:s12], $0x500  }
0x2ac: {  	[sflag:s12] =	ssyncset.done $0x0  }
0x2ad: {  	s7 =	simm.s32 $0x960;
	[sflag:s12] =	ssyncadd.s32 $0xFFFFFB00  }
0x2ae: {  	[tilespmem:s28], [sflag:$0x1] =	stream.indirect.gather [hbm4b:s1+s0], $0x80, s7, s0, $0xb8;
	[tilespmem:$0x1F900] =	vst v63  }
0x2af: {  	_ =	swait.ge [sflag:s13], $0x2800  }
0x2b0: {  	[sflag:s13] =	ssyncset.done $0x0  }
0x2b1: {  	s8 =	simm.s32 $0x12C0;
	[sflag:s13] =	ssyncadd.s32 $0xFFFFD800  }
0x2b2: {  	[spmem:s2] =	stream.indirect.scatter.add.f32 [tilespmem:s5], [sflag:$0x5], $0x80, s8, s0, $0xb8;
	[tilespmem:$0x1F900] =	vst v63  }
0x2b3: {  	_ = 	snop  }
0x2b4: {  	[spmem:s3] =	stream.indirect.scatter.add.f32 [tilespmem:s30], [sflag:$0x8], $0x10, s8, s0, $0xb8;
	[tilespmem:$0x1F900] =	vst v63  }
0x2b5: {  	_ =	swait.ge [sflag:s14], $0x2800  }
0x2b6: {  	[sflag:s14] =	ssyncset.done $0x0  }
0x2b7: {  	[sflag:s14] =	ssyncadd.s32 $0xFFFFD800  }
0x2b8: {  	_ =	swait.ge [sflag:s15], $0x500  }
0x2b9: {  	[sflag:s15] =	ssyncset.done $0x0  }
0x2ba: {  	s22 =	simm.s32 $0x9B0;
	[sflag:s15] =	ssyncadd.s32 $0xFFFFFB00  }
0x2bb: {  	[tilespmem:s5], [sflag:$0x2] =	stream.indirect.gather [hbm4b:s1+s0], $0x80, s22, s0, $0xb8;
	[tilespmem:$0x1F900] =	vst v63  }
0x2bc: {  	_ =	swait.ge [sflag:s18], $0x2800  }
0x2bd: {  	[sflag:s18] =	ssyncset.done $0x0  }
0x2be: {  	[sflag:s18] =	ssyncadd.s32 $0xFFFFD800  }
0x2bf: {  	[spmem:s2] =	stream.indirect.scatter.add.f32 [tilespmem:s9], [sflag:$0x6], $0x80, s24, s0, $0xb8;
	[tilespmem:$0x1F900] =	vst v63  }
0x2c0: {  	_ = 	snop  }
0x2c1: {  	[spmem:s3] =	stream.indirect.scatter.add.f32 [tilespmem:s30], [sflag:$0x9], $0x10, s24, s0, $0xb8;
	[tilespmem:$0x1F900] =	vst v63  }
0x2c2: {  	_ =	swait.ge [sflag:s19], $0x2800  }
0x2c3: {  	[sflag:s19] =	ssyncset.done $0x0  }
0x2c4: {  	[sflag:s19] =	ssyncadd.s32 $0xFFFFD800  }
0x2c5: {  	_ =	swait.ge [sflag:s20], $0x500  }
0x2c6: {  	[sflag:s20] =	ssyncset.done $0x0  }
0x2c7: {  	[sflag:s20] =	ssyncadd.s32 $0xFFFFFB00  }
0x2c8: {  	_ =	swait.ge [sflag:s10], $0x2800  }
0x2c9: {  	[sflag:s10] =	ssyncset.done $0x0  }
0x2ca: {  	[sflag:s10] =	ssyncadd.s32 $0xFFFFD800  }
0x2cb: {  	[spmem:s2] =	stream.indirect.scatter.add.f32 [tilespmem:s28], [sflag:$0x4], $0x80, s25, s0, $0xb8;
	[tilespmem:$0x1F900] =	vst v63  }
0x2cc: {  	_ = 	snop  }
0x2cd: {  	[spmem:s3] =	stream.indirect.scatter.add.f32 [tilespmem:s30], [sflag:$0x7], $0x10, s25, s0, $0xb8;
	[tilespmem:$0x1F900] =	vst v63  }
0x2ce: {  	_ =	swait.ge [sflag:s11], $0x2800  }
0x2cf: {  	[sflag:s11] =	ssyncset.done $0x0  }
0x2d0: {  	[sflag:s11] =	ssyncadd.s32 $0xFFFFD800  }
0x2d1: {  	_ =	swait.ge [sflag:s12], $0x500  }
0x2d2: {  	[sflag:s12] =	ssyncset.done $0x0  }
0x2d3: {  	[sflag:s12] =	ssyncadd.s32 $0xFFFFFB00  }
0x2d4: {  	_ =	swait.ge [sflag:s13], $0x2800  }
0x2d5: {  	[sflag:s13] =	ssyncset.done $0x0  }
0x2d6: {  	[sflag:s13] =	ssyncadd.s32 $0xFFFFD800  }
0x2d7: {  	[spmem:s2] =	stream.indirect.scatter.add.f32 [tilespmem:s5], [sflag:$0x5], $0x80, s26, s0, $0xb8;
	[tilespmem:$0x1F900] =	vst v63  }
0x2d8: {  	_ = 	snop  }
0x2d9: {  	[spmem:s3] =	stream.indirect.scatter.add.f32 [tilespmem:s30], [sflag:$0x8], $0x10, s26, s0, $0xb8;
	[tilespmem:$0x1F900] =	vst v63  }
0x2da: {  	_ =	swait.ge [sflag:s14], $0x2800  }
0x2db: {  	[sflag:s14] =	ssyncset.done $0x0  }
0x2dc: {  	[sflag:s14] =	ssyncadd.s32 $0xFFFFD800  }
0x2dd: {  	_ =	swait.ge [sflag:s15], $0x500  }
0x2de: {  	[sflag:s15] =	ssyncset.done $0x0  }
0x2df: {  	s7 =	stileid.u32;
	[sflag:s15] =	ssyncadd.s32 $0xFFFFFB00  }
0x2e0: {  	s6 =	sshll.u32 s7, $0x6;
	[bflag:$0x0] =	sbarrier.arrive $0xFFFF  }
0x2e1: {  	s7 =	sshrl.u32 s21, $0x3;
	s6 =	sor.u32 $0x1C0A, s6;
	s8 =	rddreg [dreg:$0xf]  }
0x2e2: {  	[hbm:s8], [sflag:s6] =	dma.local [spmem:s7], $0x2800  }
0x2e3: {  	_ =	swait.ge [sflag:s29], $0x2800  }
0x2e4: {  	[sflag:s29] =	ssyncset.done $0x0  }
0x2e5: {  	s8 =	sshrl.u32 s23, $0x3;
	s22 =	rddreg [dreg:$0x11];
	[sflag:s29] =	ssyncadd.s32 $0xFFFFD800  }
0x2e6: {  	[hbm:s22], [sflag:s6] =	dma.local [spmem:s8], $0x500  }
0x2e7: {  	_ =	swait.ge [sflag:s29], $0x500  }
0x2e8: {  	s4 =	sadd.s32 $0x1, s4;
	s22 =	rddreg [dreg:$0x16]  }
0x2e9: {  	p0 =	sne.s32 s4, s22  }
.Ltmp7:
0x2ea: {  	_ = 	snop;
	(pc) =	sbr.rel @p0 .LBB2_1-.Ltmp7, $3  }
0x2eb: {  	_ =	sdelay $0x1  }
0x2ec: {  	[sflag:s29] =	ssyncset.done $0x0  }
0x2ed: {  	[sflag:s29] =	ssyncadd.s32 $0xFFFFFB00  }
0x2ee: {  	_ =	sfence.sel $0x180000  }
0x2ef: {  	[bflag:$0x0] =	sbarrier.arrive $0xFFFF  }
0x2f0: {  	_ =	strace $0x90000047  }
0x2f1: {  	s0 =	stileid.u32;
	[bflag:$0x2] =	sbarrier.arrive $0xFFFF  }
0x2f2: {  	p0 =	sne.s32 s0, $0x0;
	s0 =	rddreg [dreg:$0x5]  }
0x2f3: {  	s0 =	sadd.s32 @!p0 $0x100000, s0  }
0x2f4: {  	[sflag:s0] =	ssyncadd.tile.s32 @!p0 $0x1;
	_ =	shalt  }
.Lfunc_end2:
_tile_overlayer_lowered:
.L_overlay_start_2:
0x2f5: {  	(tag) =	ssettag $0x2  }
0x2f6: {  	s0 =	rddreg [dreg:$0x0];
	s2 =	stileid.u32  }
0x2f7: {  	s1 =	rddreg [dreg:$0x1];
	p0 =	sne.s32 s2, $0x0  }
0x2f8: {  	s3 =	rddreg [dreg:$0x2];
	[bflag:$0x3] =	sbarrier.arrive $0xFFFF;
	s2 =	simm.s32 @!p0 $0x1C0A  }
0x2f9: {  	[timem:s3], [sflag:s2] =	dma.local @!p0 [hbm:s0], s1  }
0x2fa: {  	s0 =	simm.s32 @!p0 $0xA  }
0x2fb: {  	_ =	swait.ge @!p0 [sflag:s0], s1  }
0x2fc: {  	s1 =	ssub.s32 @!p0 $0x0, s1;
	[sflag:s0] =	ssyncset.done @!p0 $0x0  }
0x2fd: {  	[sflag:s0] =	ssyncadd.s32 @!p0 s1  }
0x2fe: {  	[bflag:$0x3] =	sbarrier.arrive $0xFFFF  }
0x2ff: {  	_ =	shalt  }

</sc_bundles>
